<compile_context>
chip_gen: v7x
topology: tpu7x:2x2x1
jax: 0.10.2.dev20260603
libtpu: 0.0.44.dev20260713+nightly
codegen_flags: <defaults>
</compile_context>

<pallas_src>
import functools

import jax
import jax.numpy as jnp
from jax import lax
from jax.experimental import pallas as pl
from jax.experimental.pallas import tpu as pltpu
from jax.experimental.pallas import tpu_sc as plsc

NC = 2
NS = 16
NW = NC * NS
LANES = 16
CH = 256
LOG2_CH = 8
TCH = 16
LOG2_TCH = 4
SEGCAP = 64
SEGCOST = 80
INT_MAX = jnp.iinfo(jnp.int32).max


def _make_kernel(N, D, B):
  ngrp = D // LANES
  nchunk = B // LANES
  mesh = plsc.VectorSubcoreMesh(
      core_axis_name="c", subcore_axis_name="s", num_cores=NC,
      num_subcores=NS)

  @functools.partial(
      pl.kernel,
      out_type=[
          jax.ShapeDtypeStruct((B, D), jnp.float32),
          jax.ShapeDtypeStruct((B, D), jnp.int32),
      ],
      mesh=mesh,
      compiler_params=pltpu.CompilerParams(
          use_tc_tiling_on_sc=False, needs_layout_passes=False,
          skip_device_barrier=True, disable_bounds_checks=True),
      scratch_types=[
          pltpu.VMEM((CH, D), jnp.float32),
          pltpu.VMEM((CH, D), jnp.float32),
          pltpu.VMEM((CH, D), jnp.float32),
          pltpu.VMEM((B,), jnp.int32),
          pltpu.VMEM((B + 24,), jnp.int32),
          pltpu.VMEM((B + 24,), jnp.int32),
          pltpu.VMEM((SEGCAP, D), jnp.float32),
          pltpu.VMEM((SEGCAP, D), jnp.int32),
          pltpu.SemaphoreType.DMA,
          pltpu.SemaphoreType.DMA,
          pltpu.SemaphoreType.DMA,
          pltpu.SemaphoreType.DMA,
          pltpu.SemaphoreType.DMA,
      ],
  )
  def seg_pool(x_hbm, len_hbm, out_hbm, attn_hbm,
               buf0, buf1, tbuf, lenv, offv, costv, ostage, istage,
               sem0, sem1, semt, semo, semi):
    wid = lax.axis_index("s") * NC + lax.axis_index("c")
    pltpu.sync_copy(len_hbm, lenv)

    offv[pl.ds(0, LANES)] = jnp.zeros((LANES,), jnp.int32)

    def cum_body(c, carry):
      off_c, cost_c = carry
      lnv = lenv[pl.ds(c * LANES, LANES)]
      inc = plsc.cumsum(lnv) + off_c
      offv[pl.ds(c * LANES + 1, LANES)] = inc
      padded = ((lnv + (TCH - 1)) >> LOG2_TCH) << LOG2_TCH
      cinc = plsc.cumsum(padded + SEGCOST) + cost_c
      costv[pl.ds(c * LANES, LANES)] = cinc
      return inc[LANES - 1], cinc[LANES - 1]

    _, total_cost = lax.fori_loop(
        0, nchunk, cum_body, (jnp.int32(0), jnp.int32(0)))
    per = total_cost >> 5

    def bound_for(w):
      target = w * per

      def cnt_body(c, acc):
        cv = costv[pl.ds(c * LANES, LANES)]
        ones = jnp.where(cv < target, jnp.int32(1), jnp.int32(0))
        return acc + jnp.sum(ones)

      cnt = lax.fori_loop(0, nchunk, cnt_body, jnp.int32(0))
      b = jnp.where(w >= NW, jnp.int32(B), cnt)
      b = jnp.minimum(b, w * SEGCAP)
      b = jnp.maximum(b, B - (NW - w) * SEGCAP)
      return jnp.minimum(jnp.maximum(b, 0), jnp.int32(B))

    seg_lo = bound_for(wid)
    seg_hi = bound_for(wid + 1)

    def tstart_of(tail0, t):
      return jnp.maximum(jnp.minimum(tail0 + t * TCH, N - TCH), 0)

    def prefetch_segment(s):
      pair = offv[pl.ds(s, LANES)]
      off = pair[0]
      nxt = pair[1]
      nbig = (nxt - off) >> LOG2_CH

      @pl.when(nbig > 0)
      def _():
        pltpu.async_copy(x_hbm.at[pl.ds(off, CH)], buf0, sem0)

      tail0 = off + nbig * CH
      ntail = (nxt - tail0 + (TCH - 1)) >> LOG2_TCH

      def tissue(t, _):
        pltpu.async_copy(
            x_hbm.at[pl.ds(tstart_of(tail0, t), TCH)],
            tbuf.at[pl.ds(t * TCH, TCH)], semt)
        return 0

      lax.fori_loop(0, ntail, tissue, 0)

    @pl.when(seg_lo < seg_hi)
    def _():
      prefetch_segment(seg_lo)

    def seg_body(s, _):
      pair = offv[pl.ds(s, LANES)]
      off = pair[0]
      nxt = pair[1]
      ln = nxt - off
      accs = [jnp.full((LANES,), -jnp.inf, jnp.float32) for _ in range(ngrp)]
      idxs = [jnp.full((LANES,), INT_MAX, jnp.int32) for _ in range(ngrp)]
      nbig = ln >> LOG2_CH
      tail0 = off + nbig * CH
      ntail = (nxt - tail0 + (TCH - 1)) >> LOG2_TCH

      def issue(j, buf, sem):
        pltpu.async_copy(x_hbm.at[pl.ds(off + j * CH, CH)], buf, sem)

      def wait(buf, sem):
        pltpu.make_async_copy(x_hbm.at[pl.ds(0, CH)], buf, sem).wait()

      def compute(j, buf, carry):
        accs, idxs = carry
        base = j * CH

        def row_body(r, carry):
          accs, idxs = carry
          pos = jnp.full((LANES,), base + r, jnp.int32)
          naccs = []
          nidxs = []
          for k in range(ngrp):
            row = buf[r, pl.ds(k * LANES, LANES)]
            upd = row > accs[k]
            nidxs.append(jnp.where(upd, pos, idxs[k]))
            naccs.append(jnp.where(upd, row, accs[k]))
          return naccs, nidxs

        return lax.fori_loop(0, CH, row_body, (accs, idxs))

      def pair_body(jp, carry):
        j0 = 2 * jp

        @pl.when(j0 + 1 < nbig)
        def _():
          issue(j0 + 1, buf1, sem1)

        wait(buf0, sem0)
        carry = compute(j0, buf0, carry)
        j1 = j0 + 1

        @pl.when(j1 + 1 < nbig)
        def _():
          issue(j1 + 1, buf0, sem0)

        wait(buf1, sem1)
        return compute(j1, buf1, carry)

      accs, idxs = lax.fori_loop(0, nbig >> 1, pair_body, (accs, idxs))

      def odd_big(t, carry):
        wait(buf0, sem0)
        return compute(nbig - 1, buf0, carry)

      accs, idxs = lax.fori_loop(0, nbig & 1, odd_big, (accs, idxs))

      def tail_body(t, carry):
        accs, idxs = carry
        pltpu.make_async_copy(
            x_hbm.at[pl.ds(0, TCH)], tbuf.at[pl.ds(0, TCH)], semt).wait()
        tstart = tstart_of(tail0, t)
        r_lo = jnp.maximum(off - tstart, 0)
        r_hi = jnp.minimum(nxt - tstart, TCH) - 1
        tb = t * TCH

        def row_body(r, carry):
          accs, idxs = carry
          rr = jnp.clip(r, r_lo, r_hi)
          pos = jnp.full((LANES,), tstart + rr - off, jnp.int32)
          naccs = []
          nidxs = []
          for k in range(ngrp):
            row = tbuf[tb + rr, pl.ds(k * LANES, LANES)]
            upd = row > accs[k]
            nidxs.append(jnp.where(upd, pos, idxs[k]))
            naccs.append(jnp.where(upd, row, accs[k]))
          return naccs, nidxs

        return lax.fori_loop(0, TCH, row_body, (accs, idxs))

      accs, idxs = lax.fori_loop(0, ntail, tail_body, (accs, idxs))

      @pl.when(s + 1 < seg_hi)
      def _():
        prefetch_segment(s + 1)

      i = s - seg_lo
      for k in range(ngrp):
        ostage[i, pl.ds(k * LANES, LANES)] = accs[k]
        istage[i, pl.ds(k * LANES, LANES)] = idxs[k]
      pltpu.async_copy(ostage.at[pl.ds(i, 1)], out_hbm.at[pl.ds(s, 1)], semo)
      pltpu.async_copy(istage.at[pl.ds(i, 1)], attn_hbm.at[pl.ds(s, 1)], semi)
      return 0

    lax.fori_loop(seg_lo, seg_hi, seg_body, 0)

    def drain_body(s, _):
      pltpu.make_async_copy(
          ostage.at[pl.ds(0, 1)], out_hbm.at[pl.ds(s, 1)], semo).wait()
      pltpu.make_async_copy(
          istage.at[pl.ds(0, 1)], attn_hbm.at[pl.ds(s, 1)], semi).wait()
      return 0

    lax.fori_loop(seg_lo, seg_hi, drain_body, 0)

  return seg_pool


@jax.jit
def kernel(x, lengths):
  N, D = x.shape
  B = lengths.shape[0]
  out, attn = _make_kernel(N, D, B)(x, lengths.astype(jnp.int32))
  return (out, attn)

# --- scband reference (transcript-rebuilt; emitter-appended) ---
"""Pipeline reference for scband-max-pooling-50912542327319 (READ-ONLY COPY).

The authoritative reference and input builder live on the scoring server;
editing this copy changes nothing except your own understanding.
"""

import jax, jax.numpy as jnp
import numpy as np

B = 512
D = 128
N = B * (B - 1) // 2  # sum of arange(B) = 130816


def setup_inputs(seed: int = 0) -> dict:
    key = jax.random.key(seed)
    x = jax.random.normal(key, (N, D), dtype=jnp.float32)
    lengths = jnp.arange(B, dtype=jnp.int32)
    return {"x": x, "lengths": lengths}


def reference(x, lengths):
    # Faithful translation of:
    #   out = cat([max(x_i, dim=0).values for x_i in split(x, lengths)])
    #   attention_weights = cat([argmax(x_i, dim=0) for x_i in split(x, lengths)])
    n_tok, hidden_dim = x.shape
    batch_size = lengths.shape[0]
    seg_ids = jnp.repeat(jnp.arange(batch_size, dtype=jnp.int32), lengths,
                         total_repeat_length=n_tok)
    # per-segment max (segment_max fills empty segments with -inf)
    out = jax.ops.segment_max(x, seg_ids, num_segments=batch_size)
    # per-segment local argmax (index within segment, first occurrence on ties)
    offsets = jnp.concatenate([jnp.zeros((1,), dtype=lengths.dtype),
                               jnp.cumsum(lengths)[:-1]])
    pos_in_seg = jnp.arange(n_tok, dtype=jnp.int32) - offsets[seg_ids].astype(jnp.int32)
    is_max = x == out[seg_ids]
    cand = jnp.where(is_max, pos_in_seg[:, None], jnp.int32(n_tok))
    attention_weights = jax.ops.segment_min(cand, seg_ids, num_segments=batch_size)
    return (out, attention_weights)

if __name__ == "__main__":
    import jax
    _d = setup_inputs()
    print(jax.jit(kernel)(*tuple(_d.values())))

</pallas_src>

<mosaic_0001>
#map = affine_map<(d0, d1) -> (0, 0)>
#map1 = affine_map<(d0, d1) -> (0)>
module attributes {stable_mosaic.version = 14 : i64} {
  func.func @seg_pool(%arg0: i32, %arg1: i32, %arg2: memref<130816x128xf32, #tpu.memory_space<hbm>>, %arg3: memref<512xi32, #tpu.memory_space<hbm>>, %arg4: memref<512x128xf32, #tpu.memory_space<hbm>>, %arg5: memref<512x128xi32, #tpu.memory_space<hbm>>, %arg6: memref<256x128xf32, #tpu.memory_space<vmem>>, %arg7: memref<256x128xf32, #tpu.memory_space<vmem>>, %arg8: memref<256x128xf32, #tpu.memory_space<vmem>>, %arg9: memref<512xi32, #tpu.memory_space<vmem>>, %arg10: memref<536xi32, #tpu.memory_space<vmem>>, %arg11: memref<536xi32, #tpu.memory_space<vmem>>, %arg12: memref<64x128xf32, #tpu.memory_space<vmem>>, %arg13: memref<64x128xi32, #tpu.memory_space<vmem>>, %arg14: memref<!tpu.dma_semaphore, #tpu.memory_space<semaphore_mem>>, %arg15: memref<!tpu.dma_semaphore, #tpu.memory_space<semaphore_mem>>, %arg16: memref<!tpu.dma_semaphore, #tpu.memory_space<semaphore_mem>>, %arg17: memref<!tpu.dma_semaphore, #tpu.memory_space<semaphore_mem>>, %arg18: memref<!tpu.dma_semaphore, #tpu.memory_space<semaphore_mem>>) attributes {dimension_semantics = [#tpu.dimension_semantics<core_parallel>, #tpu.dimension_semantics<subcore_parallel>], iteration_bounds = array<i64: 2, 16>, scalar_prefetch = 0 : i64, scratch_operands = 13 : i64, tpu.core_type = #tpu.core_type<sc_vector_subcore>, window_params = [{transform_indices = #map}, {transform_indices = #map1}, {transform_indices = #map}, {transform_indices = #map}]} {
    %mul3A = arith.constant 2 : i32
    %mul3A_0 = arith.muli %arg1, %mul3A : i32
    %add3A = arith.addi %mul3A_0, %arg0 : i32
    "tpu.region"() ({
      %run_scoped3A = tpu.sem_alloc : memref<!tpu.dma_semaphore, #tpu.memory_space<semaphore_mem>>
      tpu.enqueue_dma source(%arg3 : memref<512xi32, #tpu.memory_space<hbm>>) target(%arg9 : memref<512xi32, #tpu.memory_space<vmem>>) target_semaphore(%run_scoped3A : memref<!tpu.dma_semaphore, #tpu.memory_space<semaphore_mem>>)
      tpu.wait_dma2 semaphore(%run_scoped3A : memref<!tpu.dma_semaphore, #tpu.memory_space<semaphore_mem>>) src(%arg3 : memref<512xi32, #tpu.memory_space<hbm>>) dst(%arg9 : memref<512xi32, #tpu.memory_space<vmem>>)
      tpu.yield
    }) : () -> ()
    %broadcast_in_dim3A = arith.constant 0 : i32
    %broadcast_in_dim3A_1 = vector.broadcast %broadcast_in_dim3A : i32 to vector<16xi32>
    %swap3A = arith.constant 0 : index
    %swap3A_2 = tpu.vector_load %arg10[%swap3A] {strides = array<i32>} : memref<536xi32, #tpu.memory_space<vmem>>, vector<16xi32>,
    tpu.vector_store %arg10[%swap3A], %broadcast_in_dim3A_1 {strides = array<i32>} : memref<536xi32, #tpu.memory_space<vmem>>, vector<16xi32>,
    %scan3A = arith.constant 0 : i32
    %scan3A_3 = arith.constant 0 : i32
    %scan3A_4 = arith.constant 0 : i32
    %scan3A_5 = arith.constant 32 : i32
    %scan3A_6 = arith.addi %scan3A_4, %scan3A_5 : i32
    %scan3A_7 = arith.constant 1 : i32
    %scan3A_8:2 = scf.for %scan3A_81 = %scan3A_4 to %scan3A_6 step %scan3A_7 iter_args(%scan3A_82 = %scan3A, %scan3A_83 = %scan3A_3) -> (i32, i32)  : i32 {
      %mul3A_84 = arith.constant 16 : i32
      %mul3A_85 = arith.muli %scan3A_81, %mul3A_84 : i32
      %get3A = arith.index_cast %mul3A_85 : i32 to index
      %get3A_86 = tpu.vector_load %arg9[%get3A] {strides = array<i32>} : memref<512xi32, #tpu.memory_space<vmem>>, vector<16xi32>,
      %broadcast_in_dim3A_87 = arith.constant true
      %broadcast_in_dim3A_88 = vector.broadcast %broadcast_in_dim3A_87 : i1 to vector<16xi1>
      %masked_cumsum3A = tpu.scan <sum>, %get3A_86 masked %broadcast_in_dim3A_88 : vector<16xi32>, vector<16xi1> -> vector<16xi32>
      %add3A_89 = vector.broadcast %scan3A_82 : i32 to vector<16xi32>
      %add3A_90 = arith.addi %masked_cumsum3A, %add3A_89 : vector<16xi32>
      %mul3A_91 = arith.constant 16 : i32
      %mul3A_92 = arith.muli %scan3A_81, %mul3A_91 : i32
      %add3A_93 = arith.constant 1 : i32
      %add3A_94 = arith.addi %mul3A_92, %add3A_93 : i32
      %swap3A_95 = arith.index_cast %add3A_94 : i32 to index
      %swap3A_96 = tpu.vector_load %arg10[%swap3A_95] {strides = array<i32>} : memref<536xi32, #tpu.memory_space<vmem>>, vector<16xi32>,
      tpu.vector_store %arg10[%swap3A_95], %add3A_90 {strides = array<i32>} : memref<536xi32, #tpu.memory_space<vmem>>, vector<16xi32>,
      %add3A_97 = arith.constant 15 : i32
      %add3A_98 = vector.broadcast %add3A_97 : i32 to vector<16xi32>
      %add3A_99 = arith.addi %get3A_86, %add3A_98 : vector<16xi32>
      %shift_right_arithmetic3A_100 = arith.constant 4 : i32
      %shift_right_arithmetic3A_101 = vector.broadcast %shift_right_arithmetic3A_100 : i32 to vector<16xi32>
      %shift_right_arithmetic3A_102 = arith.shrsi %add3A_99, %shift_right_arithmetic3A_101 : vector<16xi32>
      %shift_left3A = arith.constant 4 : i32
      %shift_left3A_103 = vector.broadcast %shift_left3A : i32 to vector<16xi32>
      %shift_left3A_104 = arith.shli %shift_right_arithmetic3A_102, %shift_left3A_103 : vector<16xi32>
      %add3A_105 = arith.constant 80 : i32
      %add3A_106 = vector.broadcast %add3A_105 : i32 to vector<16xi32>
      %add3A_107 = arith.addi %shift_left3A_104, %add3A_106 : vector<16xi32>
      %broadcast_in_dim3A_108 = arith.constant true
      %broadcast_in_dim3A_109 = vector.broadcast %broadcast_in_dim3A_108 : i1 to vector<16xi1>
      %masked_cumsum3A_110 = tpu.scan <sum>, %add3A_107 masked %broadcast_in_dim3A_109 : vector<16xi32>, vector<16xi1> -> vector<16xi32>
      %add3A_111 = vector.broadcast %scan3A_83 : i32 to vector<16xi32>
      %add3A_112 = arith.addi %masked_cumsum3A_110, %add3A_111 : vector<16xi32>
      %mul3A_113 = arith.constant 16 : i32
      %mul3A_114 = arith.muli %scan3A_81, %mul3A_113 : i32
      %swap3A_115 = arith.index_cast %mul3A_114 : i32 to index
      %swap3A_116 = tpu.vector_load %arg11[%swap3A_115] {strides = array<i32>} : memref<536xi32, #tpu.memory_space<vmem>>, vector<16xi32>,
      tpu.vector_store %arg11[%swap3A_115], %add3A_112 {strides = array<i32>} : memref<536xi32, #tpu.memory_space<vmem>>, vector<16xi32>,
      %slice3A = vector.extract_strided_slice %add3A_90 {offsets = [15], sizes = [1], strides = [1]} : vector<16xi32> to vector<1xi32>
      %squeeze3A = vector.extract %slice3A[0] : i32 from vector<1xi32>
      %slice3A_117 = vector.extract_strided_slice %add3A_112 {offsets = [15], sizes = [1], strides = [1]} : vector<16xi32> to vector<1xi32>
      %squeeze3A_118 = vector.extract %slice3A_117[0] : i32 from vector<1xi32>
      scf.yield %squeeze3A, %squeeze3A_118 : i32, i32
    }
    %scan3A_9 = arith.constant 32 : i32
    %shift_right_arithmetic3A = arith.constant 5 : i32
    %shift_right_arithmetic3A_10 = arith.shrsi %scan3A_8#1, %shift_right_arithmetic3A : i32
    %mul3A_11 = arith.muli %add3A, %shift_right_arithmetic3A_10 : i32
    %scan3A_12 = arith.constant 0 : i32
    %scan3A_13 = arith.constant 0 : i32
    %scan3A_14 = arith.constant 32 : i32
    %scan3A_15 = arith.addi %scan3A_13, %scan3A_14 : i32
    %scan3A_16 = arith.constant 1 : i32
    %scan3A_17 = scf.for %scan3A_81 = %scan3A_13 to %scan3A_15 step %scan3A_16 iter_args(%scan3A_82 = %scan3A_12) -> (i32)  : i32 {
      %mul3A_83 = arith.constant 16 : i32
      %mul3A_84 = arith.muli %scan3A_81, %mul3A_83 : i32
      %get3A = arith.index_cast %mul3A_84 : i32 to index
      %get3A_85 = tpu.vector_load %arg11[%get3A] {strides = array<i32>} : memref<536xi32, #tpu.memory_space<vmem>>, vector<16xi32>,
      %lt3A_86 = vector.broadcast %mul3A_11 : i32 to vector<16xi32>
      %lt3A_87 = arith.cmpi slt, %get3A_85, %lt3A_86 : vector<16xi32>
      %jit3A_88 = arith.constant 1 : i32
      %jit3A_89 = arith.constant 0 : i32
      %broadcast_in_dim3A_90 = vector.broadcast %jit3A_88 : i32 to vector<16xi32>
      %broadcast_in_dim3A_91 = vector.broadcast %jit3A_89 : i32 to vector<16xi32>
      %select_n3A_92 = arith.select %lt3A_87, %broadcast_in_dim3A_90, %broadcast_in_dim3A_91 : vector<16xi1>, vector<16xi32>
      %reduce_sum3A = arith.constant true
      %reduce_sum3A_93 = vector.broadcast %reduce_sum3A : i1 to vector<16xi1>
      %reduce_sum3A_94 = tpu.scan <sum>, %select_n3A_92 masked %reduce_sum3A_93 : vector<16xi32>, vector<16xi1> -> vector<16xi32>
      %reduce_sum3A_95 = vector.extract %reduce_sum3A_94[15] : i32 from vector<16xi32>
      %add3A_96 = arith.addi %scan3A_82, %reduce_sum3A_95 : i32
      scf.yield %add3A_96 : i32
    }
    %scan3A_18 = arith.constant 32 : i32
    %ge3A = arith.constant 32 : i32
    %ge3A_19 = arith.cmpi sge, %add3A, %ge3A : i32
    %jit3A = arith.constant 512 : i32
    %select_n3A = arith.select %ge3A_19, %jit3A, %scan3A_17 : i32
    %mul3A_20 = arith.constant 64 : i32
    %mul3A_21 = arith.muli %add3A, %mul3A_20 : i32
    %min3A = arith.minsi %select_n3A, %mul3A_21 : i32
    %sub3A = arith.constant 32 : i32
    %sub3A_22 = arith.subi %sub3A, %add3A : i32
    %mul3A_23 = arith.constant 64 : i32
    %mul3A_24 = arith.muli %sub3A_22, %mul3A_23 : i32
    %sub3A_25 = arith.constant 512 : i32
    %sub3A_26 = arith.subi %sub3A_25, %mul3A_24 : i32
    %max3A = arith.maxsi %min3A, %sub3A_26 : i32
    %max3A_27 = arith.constant 0 : i32
    %max3A_28 = arith.maxsi %max3A, %max3A_27 : i32
    %min3A_29 = arith.constant 512 : i32
    %min3A_30 = arith.minsi %max3A_28, %min3A_29 : i32
    %add3A_31 = arith.constant 1 : i32
    %add3A_32 = arith.addi %add3A, %add3A_31 : i32
    %mul3A_33 = arith.muli %add3A_32, %shift_right_arithmetic3A_10 : i32
    %scan3A_34 = arith.constant 0 : i32
    %scan3A_35 = arith.constant 0 : i32
    %scan3A_36 = arith.constant 32 : i32
    %scan3A_37 = arith.addi %scan3A_35, %scan3A_36 : i32
    %scan3A_38 = arith.constant 1 : i32
    %scan3A_39 = scf.for %scan3A_81 = %scan3A_35 to %scan3A_37 step %scan3A_38 iter_args(%scan3A_82 = %scan3A_34) -> (i32)  : i32 {
      %mul3A_83 = arith.constant 16 : i32
      %mul3A_84 = arith.muli %scan3A_81, %mul3A_83 : i32
      %get3A = arith.index_cast %mul3A_84 : i32 to index
      %get3A_85 = tpu.vector_load %arg11[%get3A] {strides = array<i32>} : memref<536xi32, #tpu.memory_space<vmem>>, vector<16xi32>,
      %lt3A_86 = vector.broadcast %mul3A_33 : i32 to vector<16xi32>
      %lt3A_87 = arith.cmpi slt, %get3A_85, %lt3A_86 : vector<16xi32>
      %jit3A_88 = arith.constant 1 : i32
      %jit3A_89 = arith.constant 0 : i32
      %broadcast_in_dim3A_90 = vector.broadcast %jit3A_88 : i32 to vector<16xi32>
      %broadcast_in_dim3A_91 = vector.broadcast %jit3A_89 : i32 to vector<16xi32>
      %select_n3A_92 = arith.select %lt3A_87, %broadcast_in_dim3A_90, %broadcast_in_dim3A_91 : vector<16xi1>, vector<16xi32>
      %reduce_sum3A = arith.constant true
      %reduce_sum3A_93 = vector.broadcast %reduce_sum3A : i1 to vector<16xi1>
      %reduce_sum3A_94 = tpu.scan <sum>, %select_n3A_92 masked %reduce_sum3A_93 : vector<16xi32>, vector<16xi1> -> vector<16xi32>
      %reduce_sum3A_95 = vector.extract %reduce_sum3A_94[15] : i32 from vector<16xi32>
      %add3A_96 = arith.addi %scan3A_82, %reduce_sum3A_95 : i32
      scf.yield %add3A_96 : i32
    }
    %scan3A_40 = arith.constant 32 : i32
    %ge3A_41 = arith.constant 32 : i32
    %ge3A_42 = arith.cmpi sge, %add3A_32, %ge3A_41 : i32
    %jit3A_43 = arith.constant 512 : i32
    %select_n3A_44 = arith.select %ge3A_42, %jit3A_43, %scan3A_39 : i32
    %mul3A_45 = arith.constant 64 : i32
    %mul3A_46 = arith.muli %add3A_32, %mul3A_45 : i32
    %min3A_47 = arith.minsi %select_n3A_44, %mul3A_46 : i32
    %sub3A_48 = arith.constant 32 : i32
    %sub3A_49 = arith.subi %sub3A_48, %add3A_32 : i32
    %mul3A_50 = arith.constant 64 : i32
    %mul3A_51 = arith.muli %sub3A_49, %mul3A_50 : i32
    %sub3A_52 = arith.constant 512 : i32
    %sub3A_53 = arith.subi %sub3A_52, %mul3A_51 : i32
    %max3A_54 = arith.maxsi %min3A_47, %sub3A_53 : i32
    %max3A_55 = arith.constant 0 : i32
    %max3A_56 = arith.maxsi %max3A_54, %max3A_55 : i32
    %min3A_57 = arith.constant 512 : i32
    %min3A_58 = arith.minsi %max3A_56, %min3A_57 : i32
    %lt3A = arith.cmpi slt, %min3A_30, %min3A_58 : i32
    %convert_element_type3A = arith.extui %lt3A : i1 to i32
    %cond3A = arith.constant 0 : i32
    %cond3A_59 = arith.cmpi ne, %convert_element_type3A, %cond3A : i32
    scf.if %cond3A_59 {
      %get3A = arith.index_cast %min3A_30 : i32 to index
      %get3A_81 = tpu.vector_load %arg10[%get3A] {strides = array<i32>} : memref<536xi32, #tpu.memory_space<vmem>>, vector<16xi32>,
      %slice3A = vector.extract_strided_slice %get3A_81 {offsets = [0], sizes = [1], strides = [1]} : vector<16xi32> to vector<1xi32>
      %squeeze3A = vector.extract %slice3A[0] : i32 from vector<1xi32>
      %slice3A_82 = vector.extract_strided_slice %get3A_81 {offsets = [1], sizes = [1], strides = [1]} : vector<16xi32> to vector<1xi32>
      %squeeze3A_83 = vector.extract %slice3A_82[0] : i32 from vector<1xi32>
      %sub3A_84 = arith.subi %squeeze3A_83, %squeeze3A : i32
      %shift_right_arithmetic3A_85 = arith.constant 8 : i32
      %shift_right_arithmetic3A_86 = arith.shrsi %sub3A_84, %shift_right_arithmetic3A_85 : i32
      %gt3A = arith.constant 0 : i32
      %gt3A_87 = arith.cmpi sgt, %shift_right_arithmetic3A_86, %gt3A : i32
      %convert_element_type3A_88 = arith.extui %gt3A_87 : i1 to i32
      %cond3A_89 = arith.constant 0 : i32
      %cond3A_90 = arith.cmpi ne, %convert_element_type3A_88, %cond3A_89 : i32
      scf.if %cond3A_90 {
        %dma_start3A = arith.constant 0 : i32
        %dma_start3A_111 = tpu.memref_slice %arg2[%squeeze3A, %dma_start3A] : memref<130816x128xf32, #tpu.memory_space<hbm>> -> memref<256x128xf32, #tpu.memory_space<hbm>>
        %dma_start3A_112 = arith.constant 0 : i32
        %dma_start3A_113 = tpu.memref_slice %arg2[%squeeze3A, %dma_start3A_112] : memref<130816x128xf32, #tpu.memory_space<hbm>> -> memref<256x128xf32, #tpu.memory_space<hbm>>
        tpu.enqueue_dma source(%dma_start3A_113 : memref<256x128xf32, #tpu.memory_space<hbm>>) target(%arg6 : memref<256x128xf32, #tpu.memory_space<vmem>>) target_semaphore(%arg14 : memref<!tpu.dma_semaphore, #tpu.memory_space<semaphore_mem>>)
      } else {
      }
      %mul3A_91 = arith.constant 256 : i32
      %mul3A_92 = arith.muli %shift_right_arithmetic3A_86, %mul3A_91 : i32
      %add3A_93 = arith.addi %squeeze3A, %mul3A_92 : i32
      %sub3A_94 = arith.subi %squeeze3A_83, %add3A_93 : i32
      %add3A_95 = arith.constant 15 : i32
      %add3A_96 = arith.addi %sub3A_94, %add3A_95 : i32
      %shift_right_arithmetic3A_97 = arith.constant 4 : i32
      %shift_right_arithmetic3A_98 = arith.shrsi %add3A_96, %shift_right_arithmetic3A_97 : i32
      %while3A_99 = arith.constant 0 : i32
      %while3A_100 = arith.constant 0 : i32
      %while3A_101 = arith.subi %shift_right_arithmetic3A_98, %while3A_99 : i32
      %while3A_102 = arith.addi %while3A_99, %while3A_101 : i32
      %while3A_103 = arith.constant 1 : i32
      %while3A_104 = arith.divsi %while3A_101, %while3A_103 : i32
      %while3A_105 = arith.muli %while3A_104, %while3A_103 : i32
      %while3A_106 = arith.addi %while3A_99, %while3A_105 : i32
      %while3A_107 = arith.constant 1 : i32
      %while3A_108 = scf.for %while3A_111 = %while3A_99 to %while3A_106 step %while3A_107 iter_args(%while3A_112 = %while3A_100) -> (i32)  : i32 {
        %mul3A_113 = arith.constant 16 : i32
        %mul3A_114 = arith.muli %while3A_111, %mul3A_113 : i32
        %add3A_115 = arith.addi %add3A_93, %mul3A_114 : i32
        %min3A_116 = arith.constant 130800 : i32
        %min3A_117 = arith.minsi %add3A_115, %min3A_116 : i32
        %max3A_118 = arith.constant 0 : i32
        %max3A_119 = arith.maxsi %min3A_117, %max3A_118 : i32
        %mul3A_120 = arith.constant 16 : i32
        %mul3A_121 = arith.muli %while3A_111, %mul3A_120 : i32
        %dma_start3A = arith.constant 0 : i32
        %dma_start3A_122 = tpu.memref_slice %arg8[%mul3A_121, %dma_start3A] : memref<256x128xf32, #tpu.memory_space<vmem>> -> memref<16x128xf32, #tpu.memory_space<vmem>>
        %dma_start3A_123 = arith.constant 0 : i32
        %dma_start3A_124 = tpu.memref_slice %arg2[%max3A_119, %dma_start3A_123] : memref<130816x128xf32, #tpu.memory_space<hbm>> -> memref<16x128xf32, #tpu.memory_space<hbm>>
        %dma_start3A_125 = arith.constant 0 : i32
        %dma_start3A_126 = tpu.memref_slice %arg8[%mul3A_121, %dma_start3A_125] : memref<256x128xf32, #tpu.memory_space<vmem>> -> memref<16x128xf32, #tpu.memory_space<vmem>>
        %dma_start3A_127 = arith.constant 0 : i32
        %dma_start3A_128 = tpu.memref_slice %arg2[%max3A_119, %dma_start3A_127] : memref<130816x128xf32, #tpu.memory_space<hbm>> -> memref<16x128xf32, #tpu.memory_space<hbm>>
        tpu.enqueue_dma source(%dma_start3A_128 : memref<16x128xf32, #tpu.memory_space<hbm>>) target(%dma_start3A_126 : memref<16x128xf32, #tpu.memory_space<vmem>>) target_semaphore(%arg16 : memref<!tpu.dma_semaphore, #tpu.memory_space<semaphore_mem>>)
        %while3A_129 = arith.constant 0 : i32
        scf.yield %while3A_129 : i32
      }
      %while3A_109 = arith.constant 1 : i32
      %while3A_110 = scf.for %while3A_111 = %while3A_106 to %while3A_102 step %while3A_109 iter_args(%while3A_112 = %while3A_108) -> (i32)  : i32 {
        %mul3A_113 = arith.constant 16 : i32
        %mul3A_114 = arith.muli %while3A_111, %mul3A_113 : i32
        %add3A_115 = arith.addi %add3A_93, %mul3A_114 : i32
        %min3A_116 = arith.constant 130800 : i32
        %min3A_117 = arith.minsi %add3A_115, %min3A_116 : i32
        %max3A_118 = arith.constant 0 : i32
        %max3A_119 = arith.maxsi %min3A_117, %max3A_118 : i32
        %mul3A_120 = arith.constant 16 : i32
        %mul3A_121 = arith.muli %while3A_111, %mul3A_120 : i32
        %dma_start3A = arith.constant 0 : i32
        %dma_start3A_122 = tpu.memref_slice %arg8[%mul3A_121, %dma_start3A] : memref<256x128xf32, #tpu.memory_space<vmem>> -> memref<16x128xf32, #tpu.memory_space<vmem>>
        %dma_start3A_123 = arith.constant 0 : i32
        %dma_start3A_124 = tpu.memref_slice %arg2[%max3A_119, %dma_start3A_123] : memref<130816x128xf32, #tpu.memory_space<hbm>> -> memref<16x128xf32, #tpu.memory_space<hbm>>
        %dma_start3A_125 = arith.constant 0 : i32
        %dma_start3A_126 = tpu.memref_slice %arg8[%mul3A_121, %dma_start3A_125] : memref<256x128xf32, #tpu.memory_space<vmem>> -> memref<16x128xf32, #tpu.memory_space<vmem>>
        %dma_start3A_127 = arith.constant 0 : i32
        %dma_start3A_128 = tpu.memref_slice %arg2[%max3A_119, %dma_start3A_127] : memref<130816x128xf32, #tpu.memory_space<hbm>> -> memref<16x128xf32, #tpu.memory_space<hbm>>
        tpu.enqueue_dma source(%dma_start3A_128 : memref<16x128xf32, #tpu.memory_space<hbm>>) target(%dma_start3A_126 : memref<16x128xf32, #tpu.memory_space<vmem>>) target_semaphore(%arg16 : memref<!tpu.dma_semaphore, #tpu.memory_space<semaphore_mem>>)
        %while3A_129 = arith.constant 0 : i32
        scf.yield %while3A_129 : i32
      }
    } else {
    }
    %while3A = arith.constant 0 : i32
    %while3A_60 = arith.subi %min3A_58, %min3A_30 : i32
    %while3A_61 = arith.addi %min3A_30, %while3A_60 : i32
    %while3A_62 = arith.constant 1 : i32
    %while3A_63 = arith.divsi %while3A_60, %while3A_62 : i32
    %while3A_64 = arith.muli %while3A_63, %while3A_62 : i32
    %while3A_65 = arith.addi %min3A_30, %while3A_64 : i32
    %while3A_66 = arith.constant 1 : i32
    %while3A_67 = scf.for %while3A_81 = %min3A_30 to %while3A_65 step %while3A_66 iter_args(%while3A_82 = %while3A) -> (i32)  : i32 {
      %get3A = arith.index_cast %while3A_81 : i32 to index
      %get3A_83 = tpu.vector_load %arg10[%get3A] {strides = array<i32>} : memref<536xi32, #tpu.memory_space<vmem>>, vector<16xi32>,
      %slice3A = vector.extract_strided_slice %get3A_83 {offsets = [0], sizes = [1], strides = [1]} : vector<16xi32> to vector<1xi32>
      %squeeze3A = vector.extract %slice3A[0] : i32 from vector<1xi32>
      %slice3A_84 = vector.extract_strided_slice %get3A_83 {offsets = [1], sizes = [1], strides = [1]} : vector<16xi32> to vector<1xi32>
      %squeeze3A_85 = vector.extract %slice3A_84[0] : i32 from vector<1xi32>
      %sub3A_86 = arith.subi %squeeze3A_85, %squeeze3A : i32
      %broadcast_in_dim3A_87 = arith.constant 0xFF800000 : f32
      %broadcast_in_dim3A_88 = vector.broadcast %broadcast_in_dim3A_87 : f32 to vector<16xf32>
      %broadcast_in_dim3A_89 = arith.constant 0xFF800000 : f32
      %broadcast_in_dim3A_90 = vector.broadcast %broadcast_in_dim3A_89 : f32 to vector<16xf32>
      %broadcast_in_dim3A_91 = arith.constant 0xFF800000 : f32
      %broadcast_in_dim3A_92 = vector.broadcast %broadcast_in_dim3A_91 : f32 to vector<16xf32>
      %broadcast_in_dim3A_93 = arith.constant 0xFF800000 : f32
      %broadcast_in_dim3A_94 = vector.broadcast %broadcast_in_dim3A_93 : f32 to vector<16xf32>
      %broadcast_in_dim3A_95 = arith.constant 0xFF800000 : f32
      %broadcast_in_dim3A_96 = vector.broadcast %broadcast_in_dim3A_95 : f32 to vector<16xf32>
      %broadcast_in_dim3A_97 = arith.constant 0xFF800000 : f32
      %broadcast_in_dim3A_98 = vector.broadcast %broadcast_in_dim3A_97 : f32 to vector<16xf32>
      %broadcast_in_dim3A_99 = arith.constant 0xFF800000 : f32
      %broadcast_in_dim3A_100 = vector.broadcast %broadcast_in_dim3A_99 : f32 to vector<16xf32>
      %broadcast_in_dim3A_101 = arith.constant 0xFF800000 : f32
      %broadcast_in_dim3A_102 = vector.broadcast %broadcast_in_dim3A_101 : f32 to vector<16xf32>
      %broadcast_in_dim3A_103 = arith.constant 2147483647 : i32
      %broadcast_in_dim3A_104 = vector.broadcast %broadcast_in_dim3A_103 : i32 to vector<16xi32>
      %broadcast_in_dim3A_105 = arith.constant 2147483647 : i32
      %broadcast_in_dim3A_106 = vector.broadcast %broadcast_in_dim3A_105 : i32 to vector<16xi32>
      %broadcast_in_dim3A_107 = arith.constant 2147483647 : i32
      %broadcast_in_dim3A_108 = vector.broadcast %broadcast_in_dim3A_107 : i32 to vector<16xi32>
      %broadcast_in_dim3A_109 = arith.constant 2147483647 : i32
      %broadcast_in_dim3A_110 = vector.broadcast %broadcast_in_dim3A_109 : i32 to vector<16xi32>
      %broadcast_in_dim3A_111 = arith.constant 2147483647 : i32
      %broadcast_in_dim3A_112 = vector.broadcast %broadcast_in_dim3A_111 : i32 to vector<16xi32>
      %broadcast_in_dim3A_113 = arith.constant 2147483647 : i32
      %broadcast_in_dim3A_114 = vector.broadcast %broadcast_in_dim3A_113 : i32 to vector<16xi32>
      %broadcast_in_dim3A_115 = arith.constant 2147483647 : i32
      %broadcast_in_dim3A_116 = vector.broadcast %broadcast_in_dim3A_115 : i32 to vector<16xi32>
      %broadcast_in_dim3A_117 = arith.constant 2147483647 : i32
      %broadcast_in_dim3A_118 = vector.broadcast %broadcast_in_dim3A_117 : i32 to vector<16xi32>
      %shift_right_arithmetic3A_119 = arith.constant 8 : i32
      %shift_right_arithmetic3A_120 = arith.shrsi %sub3A_86, %shift_right_arithmetic3A_119 : i32
      %mul3A_121 = arith.constant 256 : i32
      %mul3A_122 = arith.muli %shift_right_arithmetic3A_120, %mul3A_121 : i32
      %add3A_123 = arith.addi %squeeze3A, %mul3A_122 : i32
      %sub3A_124 = arith.subi %squeeze3A_85, %add3A_123 : i32
      %add3A_125 = arith.constant 15 : i32
      %add3A_126 = arith.addi %sub3A_124, %add3A_125 : i32
      %shift_right_arithmetic3A_127 = arith.constant 4 : i32
      %shift_right_arithmetic3A_128 = arith.shrsi %add3A_126, %shift_right_arithmetic3A_127 : i32
      %shift_right_arithmetic3A_129 = arith.constant 1 : i32
      %shift_right_arithmetic3A_130 = arith.shrsi %shift_right_arithmetic3A_120, %shift_right_arithmetic3A_129 : i32
      %while3A_131 = arith.constant 0 : i32
      %while3A_132 = arith.subi %shift_right_arithmetic3A_130, %while3A_131 : i32
      %while3A_133 = arith.addi %while3A_131, %while3A_132 : i32
      %while3A_134 = arith.constant 1 : i32
      %while3A_135 = arith.divsi %while3A_132, %while3A_134 : i32
      %while3A_136 = arith.muli %while3A_135, %while3A_134 : i32
      %while3A_137 = arith.addi %while3A_131, %while3A_136 : i32
      %while3A_138 = arith.constant 1 : i32
      %while3A_139:16 = scf.for %while3A_236 = %while3A_131 to %while3A_137 step %while3A_138 iter_args(%while3A_237 = %broadcast_in_dim3A_88, %while3A_238 = %broadcast_in_dim3A_90, %while3A_239 = %broadcast_in_dim3A_92, %while3A_240 = %broadcast_in_dim3A_94, %while3A_241 = %broadcast_in_dim3A_96, %while3A_242 = %broadcast_in_dim3A_98, %while3A_243 = %broadcast_in_dim3A_100, %while3A_244 = %broadcast_in_dim3A_102, %while3A_245 = %broadcast_in_dim3A_104, %while3A_246 = %broadcast_in_dim3A_106, %while3A_247 = %broadcast_in_dim3A_108, %while3A_248 = %broadcast_in_dim3A_110, %while3A_249 = %broadcast_in_dim3A_112, %while3A_250 = %broadcast_in_dim3A_114, %while3A_251 = %broadcast_in_dim3A_116, %while3A_252 = %broadcast_in_dim3A_118) -> (vector<16xf32>, vector<16xf32>, vector<16xf32>, vector<16xf32>, vector<16xf32>, vector<16xf32>, vector<16xf32>, vector<16xf32>, vector<16xi32>, vector<16xi32>, vector<16xi32>, vector<16xi32>, vector<16xi32>, vector<16xi32>, vector<16xi32>, vector<16xi32>)  : i32 {
        %mul3A_253 = arith.constant 2 : i32
        %mul3A_254 = arith.muli %mul3A_253, %while3A_236 : i32
        %add3A_255 = arith.constant 1 : i32
        %add3A_256 = arith.addi %mul3A_254, %add3A_255 : i32
        %lt3A_257 = arith.cmpi slt, %add3A_256, %shift_right_arithmetic3A_120 : i32
        %convert_element_type3A_258 = arith.extui %lt3A_257 : i1 to i32
        %cond3A_259 = arith.constant 0 : i32
        %cond3A_260 = arith.cmpi ne, %convert_element_type3A_258, %cond3A_259 : i32
        scf.if %cond3A_260 {
          %add3A_296 = arith.constant 1 : i32
          %add3A_297 = arith.addi %mul3A_254, %add3A_296 : i32
          %mul3A_298 = arith.constant 256 : i32
          %mul3A_299 = arith.muli %add3A_297, %mul3A_298 : i32
          %add3A_300 = arith.addi %squeeze3A, %mul3A_299 : i32
          %dma_start3A_301 = arith.constant 0 : i32
          %dma_start3A_302 = tpu.memref_slice %arg2[%add3A_300, %dma_start3A_301] : memref<130816x128xf32, #tpu.memory_space<hbm>> -> memref<256x128xf32, #tpu.memory_space<hbm>>
          %dma_start3A_303 = arith.constant 0 : i32
          %dma_start3A_304 = tpu.memref_slice %arg2[%add3A_300, %dma_start3A_303] : memref<130816x128xf32, #tpu.memory_space<hbm>> -> memref<256x128xf32, #tpu.memory_space<hbm>>
          tpu.enqueue_dma source(%dma_start3A_304 : memref<256x128xf32, #tpu.memory_space<hbm>>) target(%arg7 : memref<256x128xf32, #tpu.memory_space<vmem>>) target_semaphore(%arg15 : memref<!tpu.dma_semaphore, #tpu.memory_space<semaphore_mem>>)
        } else {
        }
        %dma_wait3A = arith.constant 0 : i32
        %dma_wait3A_261 = arith.constant 0 : i32
        %dma_wait3A_262 = tpu.memref_slice %arg2[%dma_wait3A, %dma_wait3A_261] : memref<130816x128xf32, #tpu.memory_space<hbm>> -> memref<256x128xf32, #tpu.memory_space<hbm>>
        %dma_wait3A_263 = arith.constant 0 : i32
        %dma_wait3A_264 = arith.constant 0 : i32
        %dma_wait3A_265 = tpu.memref_slice %arg2[%dma_wait3A_263, %dma_wait3A_264] : memref<130816x128xf32, #tpu.memory_space<hbm>> -> memref<256x128xf32, #tpu.memory_space<hbm>>
        tpu.wait_dma2 semaphore(%arg14 : memref<!tpu.dma_semaphore, #tpu.memory_space<semaphore_mem>>) src(%dma_wait3A_265 : memref<256x128xf32, #tpu.memory_space<hbm>>) dst(%arg6 : memref<256x128xf32, #tpu.memory_space<vmem>>)
        %mul3A_266 = arith.constant 256 : i32
        %mul3A_267 = arith.muli %mul3A_254, %mul3A_266 : i32
        %scan3A_268 = arith.constant 0 : i32
        %scan3A_269 = arith.constant 256 : i32
        %scan3A_270 = arith.addi %scan3A_268, %scan3A_269 : i32
        %scan3A_271 = arith.constant 1 : i32
        %scan3A_272:16 = scf.for %scan3A_296 = %scan3A_268 to %scan3A_270 step %scan3A_271 iter_args(%scan3A_297 = %while3A_237, %scan3A_298 = %while3A_238, %scan3A_299 = %while3A_239, %scan3A_300 = %while3A_240, %scan3A_301 = %while3A_241, %scan3A_302 = %while3A_242, %scan3A_303 = %while3A_243, %scan3A_304 = %while3A_244, %scan3A_305 = %while3A_245, %scan3A_306 = %while3A_246, %scan3A_307 = %while3A_247, %scan3A_308 = %while3A_248, %scan3A_309 = %while3A_249, %scan3A_310 = %while3A_250, %scan3A_311 = %while3A_251, %scan3A_312 = %while3A_252) -> (vector<16xf32>, vector<16xf32>, vector<16xf32>, vector<16xf32>, vector<16xf32>, vector<16xf32>, vector<16xf32>, vector<16xf32>, vector<16xi32>, vector<16xi32>, vector<16xi32>, vector<16xi32>, vector<16xi32>, vector<16xi32>, vector<16xi32>, vector<16xi32>)  : i32 {
          %add3A_313 = arith.addi %mul3A_267, %scan3A_296 : i32
          %broadcast_in_dim3A_314 = vector.broadcast %add3A_313 : i32 to vector<16xi32>
          %get3A_315 = arith.index_cast %scan3A_296 : i32 to index
          %get3A_316 = arith.constant 0 : index
          %get3A_317 = tpu.vector_load %arg6[%get3A_315, %get3A_316] {strides = array<i32>} : memref<256x128xf32, #tpu.memory_space<vmem>>, vector<16xf32>,
          %gt3A = arith.cmpf ogt, %get3A_317, %scan3A_297 : vector<16xf32>
          %select_n3A_318 = arith.select %gt3A, %broadcast_in_dim3A_314, %scan3A_305 : vector<16xi1>, vector<16xi32>
          %select_n3A_319 = arith.select %gt3A, %get3A_317, %scan3A_297 : vector<16xi1>, vector<16xf32>
          %get3A_320 = arith.index_cast %scan3A_296 : i32 to index
          %get3A_321 = arith.constant 16 : index
          %get3A_322 = tpu.vector_load %arg6[%get3A_320, %get3A_321] {strides = array<i32>} : memref<256x128xf32, #tpu.memory_space<vmem>>, vector<16xf32>,
          %gt3A_323 = arith.cmpf ogt, %get3A_322, %scan3A_298 : vector<16xf32>
          %select_n3A_324 = arith.select %gt3A_323, %broadcast_in_dim3A_314, %scan3A_306 : vector<16xi1>, vector<16xi32>
          %select_n3A_325 = arith.select %gt3A_323, %get3A_322, %scan3A_298 : vector<16xi1>, vector<16xf32>
          %get3A_326 = arith.index_cast %scan3A_296 : i32 to index
          %get3A_327 = arith.constant 32 : index
          %get3A_328 = tpu.vector_load %arg6[%get3A_326, %get3A_327] {strides = array<i32>} : memref<256x128xf32, #tpu.memory_space<vmem>>, vector<16xf32>,
          %gt3A_329 = arith.cmpf ogt, %get3A_328, %scan3A_299 : vector<16xf32>
          %select_n3A_330 = arith.select %gt3A_329, %broadcast_in_dim3A_314, %scan3A_307 : vector<16xi1>, vector<16xi32>
          %select_n3A_331 = arith.select %gt3A_329, %get3A_328, %scan3A_299 : vector<16xi1>, vector<16xf32>
          %get3A_332 = arith.index_cast %scan3A_296 : i32 to index
          %get3A_333 = arith.constant 48 : index
          %get3A_334 = tpu.vector_load %arg6[%get3A_332, %get3A_333] {strides = array<i32>} : memref<256x128xf32, #tpu.memory_space<vmem>>, vector<16xf32>,
          %gt3A_335 = arith.cmpf ogt, %get3A_334, %scan3A_300 : vector<16xf32>
          %select_n3A_336 = arith.select %gt3A_335, %broadcast_in_dim3A_314, %scan3A_308 : vector<16xi1>, vector<16xi32>
          %select_n3A_337 = arith.select %gt3A_335, %get3A_334, %scan3A_300 : vector<16xi1>, vector<16xf32>
          %get3A_338 = arith.index_cast %scan3A_296 : i32 to index
          %get3A_339 = arith.constant 64 : index
          %get3A_340 = tpu.vector_load %arg6[%get3A_338, %get3A_339] {strides = array<i32>} : memref<256x128xf32, #tpu.memory_space<vmem>>, vector<16xf32>,
          %gt3A_341 = arith.cmpf ogt, %get3A_340, %scan3A_301 : vector<16xf32>
          %select_n3A_342 = arith.select %gt3A_341, %broadcast_in_dim3A_314, %scan3A_309 : vector<16xi1>, vector<16xi32>
          %select_n3A_343 = arith.select %gt3A_341, %get3A_340, %scan3A_301 : vector<16xi1>, vector<16xf32>
          %get3A_344 = arith.index_cast %scan3A_296 : i32 to index
          %get3A_345 = arith.constant 80 : index
          %get3A_346 = tpu.vector_load %arg6[%get3A_344, %get3A_345] {strides = array<i32>} : memref<256x128xf32, #tpu.memory_space<vmem>>, vector<16xf32>,
          %gt3A_347 = arith.cmpf ogt, %get3A_346, %scan3A_302 : vector<16xf32>
          %select_n3A_348 = arith.select %gt3A_347, %broadcast_in_dim3A_314, %scan3A_310 : vector<16xi1>, vector<16xi32>
          %select_n3A_349 = arith.select %gt3A_347, %get3A_346, %scan3A_302 : vector<16xi1>, vector<16xf32>
          %get3A_350 = arith.index_cast %scan3A_296 : i32 to index
          %get3A_351 = arith.constant 96 : index
          %get3A_352 = tpu.vector_load %arg6[%get3A_350, %get3A_351] {strides = array<i32>} : memref<256x128xf32, #tpu.memory_space<vmem>>, vector<16xf32>,
          %gt3A_353 = arith.cmpf ogt, %get3A_352, %scan3A_303 : vector<16xf32>
          %select_n3A_354 = arith.select %gt3A_353, %broadcast_in_dim3A_314, %scan3A_311 : vector<16xi1>, vector<16xi32>
          %select_n3A_355 = arith.select %gt3A_353, %get3A_352, %scan3A_303 : vector<16xi1>, vector<16xf32>
          %get3A_356 = arith.index_cast %scan3A_296 : i32 to index
          %get3A_357 = arith.constant 112 : index
          %get3A_358 = tpu.vector_load %arg6[%get3A_356, %get3A_357] {strides = array<i32>} : memref<256x128xf32, #tpu.memory_space<vmem>>, vector<16xf32>,
          %gt3A_359 = arith.cmpf ogt, %get3A_358, %scan3A_304 : vector<16xf32>
          %select_n3A_360 = arith.select %gt3A_359, %broadcast_in_dim3A_314, %scan3A_312 : vector<16xi1>, vector<16xi32>
          %select_n3A_361 = arith.select %gt3A_359, %get3A_358, %scan3A_304 : vector<16xi1>, vector<16xf32>
          scf.yield %select_n3A_319, %select_n3A_325, %select_n3A_331, %select_n3A_337, %select_n3A_343, %select_n3A_349, %select_n3A_355, %select_n3A_361, %select_n3A_318, %select_n3A_324, %select_n3A_330, %select_n3A_336, %select_n3A_342, %select_n3A_348, %select_n3A_354, %select_n3A_360 : vector<16xf32>, vector<16xf32>, vector<16xf32>, vector<16xf32>, vector<16xf32>, vector<16xf32>, vector<16xf32>, vector<16xf32>, vector<16xi32>, vector<16xi32>, vector<16xi32>, vector<16xi32>, vector<16xi32>, vector<16xi32>, vector<16xi32>, vector<16xi32>
        }
        %scan3A_273 = arith.constant 256 : i32
        %add3A_274 = arith.constant 1 : i32
        %add3A_275 = arith.addi %mul3A_254, %add3A_274 : i32
        %add3A_276 = arith.constant 1 : i32
        %add3A_277 = arith.addi %add3A_275, %add3A_276 : i32
        %lt3A_278 = arith.cmpi slt, %add3A_277, %shift_right_arithmetic3A_120 : i32
        %convert_element_type3A_279 = arith.extui %lt3A_278 : i1 to i32
        %cond3A_280 = arith.constant 0 : i32
        %cond3A_281 = arith.cmpi ne, %convert_element_type3A_279, %cond3A_280 : i32
        scf.if %cond3A_281 {
          %add3A_296 = arith.constant 1 : i32
          %add3A_297 = arith.addi %add3A_275, %add3A_296 : i32
          %mul3A_298 = arith.constant 256 : i32
          %mul3A_299 = arith.muli %add3A_297, %mul3A_298 : i32
          %add3A_300 = arith.addi %squeeze3A, %mul3A_299 : i32
          %dma_start3A_301 = arith.constant 0 : i32
          %dma_start3A_302 = tpu.memref_slice %arg2[%add3A_300, %dma_start3A_301] : memref<130816x128xf32, #tpu.memory_space<hbm>> -> memref<256x128xf32, #tpu.memory_space<hbm>>
          %dma_start3A_303 = arith.constant 0 : i32
          %dma_start3A_304 = tpu.memref_slice %arg2[%add3A_300, %dma_start3A_303] : memref<130816x128xf32, #tpu.memory_space<hbm>> -> memref<256x128xf32, #tpu.memory_space<hbm>>
          tpu.enqueue_dma source(%dma_start3A_304 : memref<256x128xf32, #tpu.memory_space<hbm>>) target(%arg6 : memref<256x128xf32, #tpu.memory_space<vmem>>) target_semaphore(%arg14 : memref<!tpu.dma_semaphore, #tpu.memory_space<semaphore_mem>>)
        } else {
        }
        %dma_wait3A_282 = arith.constant 0 : i32
        %dma_wait3A_283 = arith.constant 0 : i32
        %dma_wait3A_284 = tpu.memref_slice %arg2[%dma_wait3A_282, %dma_wait3A_283] : memref<130816x128xf32, #tpu.memory_space<hbm>> -> memref<256x128xf32, #tpu.memory_space<hbm>>
        %dma_wait3A_285 = arith.constant 0 : i32
        %dma_wait3A_286 = arith.constant 0 : i32
        %dma_wait3A_287 = tpu.memref_slice %arg2[%dma_wait3A_285, %dma_wait3A_286] : memref<130816x128xf32, #tpu.memory_space<hbm>> -> memref<256x128xf32, #tpu.memory_space<hbm>>
        tpu.wait_dma2 semaphore(%arg15 : memref<!tpu.dma_semaphore, #tpu.memory_space<semaphore_mem>>) src(%dma_wait3A_287 : memref<256x128xf32, #tpu.memory_space<hbm>>) dst(%arg7 : memref<256x128xf32, #tpu.memory_space<vmem>>)
        %mul3A_288 = arith.constant 256 : i32
        %mul3A_289 = arith.muli %add3A_275, %mul3A_288 : i32
        %scan3A_290 = arith.constant 0 : i32
        %scan3A_291 = arith.constant 256 : i32
        %scan3A_292 = arith.addi %scan3A_290, %scan3A_291 : i32
        %scan3A_293 = arith.constant 1 : i32
        %scan3A_294:16 = scf.for %scan3A_296 = %scan3A_290 to %scan3A_292 step %scan3A_293 iter_args(%scan3A_297 = %scan3A_272#0, %scan3A_298 = %scan3A_272#1, %scan3A_299 = %scan3A_272#2, %scan3A_300 = %scan3A_272#3, %scan3A_301 = %scan3A_272#4, %scan3A_302 = %scan3A_272#5, %scan3A_303 = %scan3A_272#6, %scan3A_304 = %scan3A_272#7, %scan3A_305 = %scan3A_272#8, %scan3A_306 = %scan3A_272#9, %scan3A_307 = %scan3A_272#10, %scan3A_308 = %scan3A_272#11, %scan3A_309 = %scan3A_272#12, %scan3A_310 = %scan3A_272#13, %scan3A_311 = %scan3A_272#14, %scan3A_312 = %scan3A_272#15) -> (vector<16xf32>, vector<16xf32>, vector<16xf32>, vector<16xf32>, vector<16xf32>, vector<16xf32>, vector<16xf32>, vector<16xf32>, vector<16xi32>, vector<16xi32>, vector<16xi32>, vector<16xi32>, vector<16xi32>, vector<16xi32>, vector<16xi32>, vector<16xi32>)  : i32 {
          %add3A_313 = arith.addi %mul3A_289, %scan3A_296 : i32
          %broadcast_in_dim3A_314 = vector.broadcast %add3A_313 : i32 to vector<16xi32>
          %get3A_315 = arith.index_cast %scan3A_296 : i32 to index
          %get3A_316 = arith.constant 0 : index
          %get3A_317 = tpu.vector_load %arg7[%get3A_315, %get3A_316] {strides = array<i32>} : memref<256x128xf32, #tpu.memory_space<vmem>>, vector<16xf32>,
          %gt3A = arith.cmpf ogt, %get3A_317, %scan3A_297 : vector<16xf32>
          %select_n3A_318 = arith.select %gt3A, %broadcast_in_dim3A_314, %scan3A_305 : vector<16xi1>, vector<16xi32>
          %select_n3A_319 = arith.select %gt3A, %get3A_317, %scan3A_297 : vector<16xi1>, vector<16xf32>
          %get3A_320 = arith.index_cast %scan3A_296 : i32 to index
          %get3A_321 = arith.constant 16 : index
          %get3A_322 = tpu.vector_load %arg7[%get3A_320, %get3A_321] {strides = array<i32>} : memref<256x128xf32, #tpu.memory_space<vmem>>, vector<16xf32>,
          %gt3A_323 = arith.cmpf ogt, %get3A_322, %scan3A_298 : vector<16xf32>
          %select_n3A_324 = arith.select %gt3A_323, %broadcast_in_dim3A_314, %scan3A_306 : vector<16xi1>, vector<16xi32>
          %select_n3A_325 = arith.select %gt3A_323, %get3A_322, %scan3A_298 : vector<16xi1>, vector<16xf32>
          %get3A_326 = arith.index_cast %scan3A_296 : i32 to index
          %get3A_327 = arith.constant 32 : index
          %get3A_328 = tpu.vector_load %arg7[%get3A_326, %get3A_327] {strides = array<i32>} : memref<256x128xf32, #tpu.memory_space<vmem>>, vector<16xf32>,
          %gt3A_329 = arith.cmpf ogt, %get3A_328, %scan3A_299 : vector<16xf32>
          %select_n3A_330 = arith.select %gt3A_329, %broadcast_in_dim3A_314, %scan3A_307 : vector<16xi1>, vector<16xi32>
          %select_n3A_331 = arith.select %gt3A_329, %get3A_328, %scan3A_299 : vector<16xi1>, vector<16xf32>
          %get3A_332 = arith.index_cast %scan3A_296 : i32 to index
          %get3A_333 = arith.constant 48 : index
          %get3A_334 = tpu.vector_load %arg7[%get3A_332, %get3A_333] {strides = array<i32>} : memref<256x128xf32, #tpu.memory_space<vmem>>, vector<16xf32>,
          %gt3A_335 = arith.cmpf ogt, %get3A_334, %scan3A_300 : vector<16xf32>
          %select_n3A_336 = arith.select %gt3A_335, %broadcast_in_dim3A_314, %scan3A_308 : vector<16xi1>, vector<16xi32>
          %select_n3A_337 = arith.select %gt3A_335, %get3A_334, %scan3A_300 : vector<16xi1>, vector<16xf32>
          %get3A_338 = arith.index_cast %scan3A_296 : i32 to index
          %get3A_339 = arith.constant 64 : index
          %get3A_340 = tpu.vector_load %arg7[%get3A_338, %get3A_339] {strides = array<i32>} : memref<256x128xf32, #tpu.memory_space<vmem>>, vector<16xf32>,
          %gt3A_341 = arith.cmpf ogt, %get3A_340, %scan3A_301 : vector<16xf32>
          %select_n3A_342 = arith.select %gt3A_341, %broadcast_in_dim3A_314, %scan3A_309 : vector<16xi1>, vector<16xi32>
          %select_n3A_343 = arith.select %gt3A_341, %get3A_340, %scan3A_301 : vector<16xi1>, vector<16xf32>
          %get3A_344 = arith.index_cast %scan3A_296 : i32 to index
          %get3A_345 = arith.constant 80 : index
          %get3A_346 = tpu.vector_load %arg7[%get3A_344, %get3A_345] {strides = array<i32>} : memref<256x128xf32, #tpu.memory_space<vmem>>, vector<16xf32>,
          %gt3A_347 = arith.cmpf ogt, %get3A_346, %scan3A_302 : vector<16xf32>
          %select_n3A_348 = arith.select %gt3A_347, %broadcast_in_dim3A_314, %scan3A_310 : vector<16xi1>, vector<16xi32>
          %select_n3A_349 = arith.select %gt3A_347, %get3A_346, %scan3A_302 : vector<16xi1>, vector<16xf32>
          %get3A_350 = arith.index_cast %scan3A_296 : i32 to index
          %get3A_351 = arith.constant 96 : index
          %get3A_352 = tpu.vector_load %arg7[%get3A_350, %get3A_351] {strides = array<i32>} : memref<256x128xf32, #tpu.memory_space<vmem>>, vector<16xf32>,
          %gt3A_353 = arith.cmpf ogt, %get3A_352, %scan3A_303 : vector<16xf32>
          %select_n3A_354 = arith.select %gt3A_353, %broadcast_in_dim3A_314, %scan3A_311 : vector<16xi1>, vector<16xi32>
          %select_n3A_355 = arith.select %gt3A_353, %get3A_352, %scan3A_303 : vector<16xi1>, vector<16xf32>
          %get3A_356 = arith.index_cast %scan3A_296 : i32 to index
          %get3A_357 = arith.constant 112 : index
          %get3A_358 = tpu.vector_load %arg7[%get3A_356, %get3A_357] {strides = array<i32>} : memref<256x128xf32, #tpu.memory_space<vmem>>, vector<16xf32>,
          %gt3A_359 = arith.cmpf ogt, %get3A_358, %scan3A_304 : vector<16xf32>
          %select_n3A_360 = arith.select %gt3A_359, %broadcast_in_dim3A_314, %scan3A_312 : vector<16xi1>, vector<16xi32>
          %select_n3A_361 = arith.select %gt3A_359, %get3A_358, %scan3A_304 : vector<16xi1>, vector<16xf32>
          scf.yield %select_n3A_319, %select_n3A_325, %select_n3A_331, %select_n3A_337, %select_n3A_343, %select_n3A_349, %select_n3A_355, %select_n3A_361, %select_n3A_318, %select_n3A_324, %select_n3A_330, %select_n3A_336, %select_n3A_342, %select_n3A_348, %select_n3A_354, %select_n3A_360 : vector<16xf32>, vector<16xf32>, vector<16xf32>, vector<16xf32>, vector<16xf32>, vector<16xf32>, vector<16xf32>, vector<16xf32>, vector<16xi32>, vector<16xi32>, vector<16xi32>, vector<16xi32>, vector<16xi32>, vector<16xi32>, vector<16xi32>, vector<16xi32>
        }
        %scan3A_295 = arith.constant 256 : i32
        scf.yield %scan3A_294#0, %scan3A_294#1, %scan3A_294#2, %scan3A_294#3, %scan3A_294#4, %scan3A_294#5, %scan3A_294#6, %scan3A_294#7, %scan3A_294#8, %scan3A_294#9, %scan3A_294#10, %scan3A_294#11, %scan3A_294#12, %scan3A_294#13, %scan3A_294#14, %scan3A_294#15 : vector<16xf32>, vector<16xf32>, vector<16xf32>, vector<16xf32>, vector<16xf32>, vector<16xf32>, vector<16xf32>, vector<16xf32>, vector<16xi32>, vector<16xi32>, vector<16xi32>, vector<16xi32>, vector<16xi32>, vector<16xi32>, vector<16xi32>, vector<16xi32>
      }
      %while3A_140 = arith.constant 1 : i32
      %while3A_141:16 = scf.for %while3A_236 = %while3A_137 to %while3A_133 step %while3A_140 iter_args(%while3A_237 = %while3A_139#0, %while3A_238 = %while3A_139#1, %while3A_239 = %while3A_139#2, %while3A_240 = %while3A_139#3, %while3A_241 = %while3A_139#4, %while3A_242 = %while3A_139#5, %while3A_243 = %while3A_139#6, %while3A_244 = %while3A_139#7, %while3A_245 = %while3A_139#8, %while3A_246 = %while3A_139#9, %while3A_247 = %while3A_139#10, %while3A_248 = %while3A_139#11, %while3A_249 = %while3A_139#12, %while3A_250 = %while3A_139#13, %while3A_251 = %while3A_139#14, %while3A_252 = %while3A_139#15) -> (vector<16xf32>, vector<16xf32>, vector<16xf32>, vector<16xf32>, vector<16xf32>, vector<16xf32>, vector<16xf32>, vector<16xf32>, vector<16xi32>, vector<16xi32>, vector<16xi32>, vector<16xi32>, vector<16xi32>, vector<16xi32>, vector<16xi32>, vector<16xi32>)  : i32 {
        %mul3A_253 = arith.constant 2 : i32
        %mul3A_254 = arith.muli %mul3A_253, %while3A_236 : i32
        %add3A_255 = arith.constant 1 : i32
        %add3A_256 = arith.addi %mul3A_254, %add3A_255 : i32
        %lt3A_257 = arith.cmpi slt, %add3A_256, %shift_right_arithmetic3A_120 : i32
        %convert_element_type3A_258 = arith.extui %lt3A_257 : i1 to i32
        %cond3A_259 = arith.constant 0 : i32
        %cond3A_260 = arith.cmpi ne, %convert_element_type3A_258, %cond3A_259 : i32
        scf.if %cond3A_260 {
          %add3A_296 = arith.constant 1 : i32
          %add3A_297 = arith.addi %mul3A_254, %add3A_296 : i32
          %mul3A_298 = arith.constant 256 : i32
          %mul3A_299 = arith.muli %add3A_297, %mul3A_298 : i32
          %add3A_300 = arith.addi %squeeze3A, %mul3A_299 : i32
          %dma_start3A_301 = arith.constant 0 : i32
          %dma_start3A_302 = tpu.memref_slice %arg2[%add3A_300, %dma_start3A_301] : memref<130816x128xf32, #tpu.memory_space<hbm>> -> memref<256x128xf32, #tpu.memory_space<hbm>>
          %dma_start3A_303 = arith.constant 0 : i32
          %dma_start3A_304 = tpu.memref_slice %arg2[%add3A_300, %dma_start3A_303] : memref<130816x128xf32, #tpu.memory_space<hbm>> -> memref<256x128xf32, #tpu.memory_space<hbm>>
          tpu.enqueue_dma source(%dma_start3A_304 : memref<256x128xf32, #tpu.memory_space<hbm>>) target(%arg7 : memref<256x128xf32, #tpu.memory_space<vmem>>) target_semaphore(%arg15 : memref<!tpu.dma_semaphore, #tpu.memory_space<semaphore_mem>>)
        } else {
        }
        %dma_wait3A = arith.constant 0 : i32
        %dma_wait3A_261 = arith.constant 0 : i32
        %dma_wait3A_262 = tpu.memref_slice %arg2[%dma_wait3A, %dma_wait3A_261] : memref<130816x128xf32, #tpu.memory_space<hbm>> -> memref<256x128xf32, #tpu.memory_space<hbm>>
        %dma_wait3A_263 = arith.constant 0 : i32
        %dma_wait3A_264 = arith.constant 0 : i32
        %dma_wait3A_265 = tpu.memref_slice %arg2[%dma_wait3A_263, %dma_wait3A_264] : memref<130816x128xf32, #tpu.memory_space<hbm>> -> memref<256x128xf32, #tpu.memory_space<hbm>>
        tpu.wait_dma2 semaphore(%arg14 : memref<!tpu.dma_semaphore, #tpu.memory_space<semaphore_mem>>) src(%dma_wait3A_265 : memref<256x128xf32, #tpu.memory_space<hbm>>) dst(%arg6 : memref<256x128xf32, #tpu.memory_space<vmem>>)
        %mul3A_266 = arith.constant 256 : i32
        %mul3A_267 = arith.muli %mul3A_254, %mul3A_266 : i32
        %scan3A_268 = arith.constant 0 : i32
        %scan3A_269 = arith.constant 256 : i32
        %scan3A_270 = arith.addi %scan3A_268, %scan3A_269 : i32
        %scan3A_271 = arith.constant 1 : i32
        %scan3A_272:16 = scf.for %scan3A_296 = %scan3A_268 to %scan3A_270 step %scan3A_271 iter_args(%scan3A_297 = %while3A_237, %scan3A_298 = %while3A_238, %scan3A_299 = %while3A_239, %scan3A_300 = %while3A_240, %scan3A_301 = %while3A_241, %scan3A_302 = %while3A_242, %scan3A_303 = %while3A_243, %scan3A_304 = %while3A_244, %scan3A_305 = %while3A_245, %scan3A_306 = %while3A_246, %scan3A_307 = %while3A_247, %scan3A_308 = %while3A_248, %scan3A_309 = %while3A_249, %scan3A_310 = %while3A_250, %scan3A_311 = %while3A_251, %scan3A_312 = %while3A_252) -> (vector<16xf32>, vector<16xf32>, vector<16xf32>, vector<16xf32>, vector<16xf32>, vector<16xf32>, vector<16xf32>, vector<16xf32>, vector<16xi32>, vector<16xi32>, vector<16xi32>, vector<16xi32>, vector<16xi32>, vector<16xi32>, vector<16xi32>, vector<16xi32>)  : i32 {
          %add3A_313 = arith.addi %mul3A_267, %scan3A_296 : i32
          %broadcast_in_dim3A_314 = vector.broadcast %add3A_313 : i32 to vector<16xi32>
          %get3A_315 = arith.index_cast %scan3A_296 : i32 to index
          %get3A_316 = arith.constant 0 : index
          %get3A_317 = tpu.vector_load %arg6[%get3A_315, %get3A_316] {strides = array<i32>} : memref<256x128xf32, #tpu.memory_space<vmem>>, vector<16xf32>,
          %gt3A = arith.cmpf ogt, %get3A_317, %scan3A_297 : vector<16xf32>
          %select_n3A_318 = arith.select %gt3A, %broadcast_in_dim3A_314, %scan3A_305 : vector<16xi1>, vector<16xi32>
          %select_n3A_319 = arith.select %gt3A, %get3A_317, %scan3A_297 : vector<16xi1>, vector<16xf32>
          %get3A_320 = arith.index_cast %scan3A_296 : i32 to index
          %get3A_321 = arith.constant 16 : index
          %get3A_322 = tpu.vector_load %arg6[%get3A_320, %get3A_321] {strides = array<i32>} : memref<256x128xf32, #tpu.memory_space<vmem>>, vector<16xf32>,
          %gt3A_323 = arith.cmpf ogt, %get3A_322, %scan3A_298 : vector<16xf32>
          %select_n3A_324 = arith.select %gt3A_323, %broadcast_in_dim3A_314, %scan3A_306 : vector<16xi1>, vector<16xi32>
          %select_n3A_325 = arith.select %gt3A_323, %get3A_322, %scan3A_298 : vector<16xi1>, vector<16xf32>
          %get3A_326 = arith.index_cast %scan3A_296 : i32 to index
          %get3A_327 = arith.constant 32 : index
          %get3A_328 = tpu.vector_load %arg6[%get3A_326, %get3A_327] {strides = array<i32>} : memref<256x128xf32, #tpu.memory_space<vmem>>, vector<16xf32>,
          %gt3A_329 = arith.cmpf ogt, %get3A_328, %scan3A_299 : vector<16xf32>
          %select_n3A_330 = arith.select %gt3A_329, %broadcast_in_dim3A_314, %scan3A_307 : vector<16xi1>, vector<16xi32>
          %select_n3A_331 = arith.select %gt3A_329, %get3A_328, %scan3A_299 : vector<16xi1>, vector<16xf32>
          %get3A_332 = arith.index_cast %scan3A_296 : i32 to index
          %get3A_333 = arith.constant 48 : index
          %get3A_334 = tpu.vector_load %arg6[%get3A_332, %get3A_333] {strides = array<i32>} : memref<256x128xf32, #tpu.memory_space<vmem>>, vector<16xf32>,
          %gt3A_335 = arith.cmpf ogt, %get3A_334, %scan3A_300 : vector<16xf32>
          %select_n3A_336 = arith.select %gt3A_335, %broadcast_in_dim3A_314, %scan3A_308 : vector<16xi1>, vector<16xi32>
          %select_n3A_337 = arith.select %gt3A_335, %get3A_334, %scan3A_300 : vector<16xi1>, vector<16xf32>
          %get3A_338 = arith.index_cast %scan3A_296 : i32 to index
          %get3A_339 = arith.constant 64 : index
          %get3A_340 = tpu.vector_load %arg6[%get3A_338, %get3A_339] {strides = array<i32>} : memref<256x128xf32, #tpu.memory_space<vmem>>, vector<16xf32>,
          %gt3A_341 = arith.cmpf ogt, %get3A_340, %scan3A_301 : vector<16xf32>
          %select_n3A_342 = arith.select %gt3A_341, %broadcast_in_dim3A_314, %scan3A_309 : vector<16xi1>, vector<16xi32>
          %select_n3A_343 = arith.select %gt3A_341, %get3A_340, %scan3A_301 : vector<16xi1>, vector<16xf32>
          %get3A_344 = arith.index_cast %scan3A_296 : i32 to index
          %get3A_345 = arith.constant 80 : index
          %get3A_346 = tpu.vector_load %arg6[%get3A_344, %get3A_345] {strides = array<i32>} : memref<256x128xf32, #tpu.memory_space<vmem>>, vector<16xf32>,
          %gt3A_347 = arith.cmpf ogt, %get3A_346, %scan3A_302 : vector<16xf32>
          %select_n3A_348 = arith.select %gt3A_347, %broadcast_in_dim3A_314, %scan3A_310 : vector<16xi1>, vector<16xi32>
          %select_n3A_349 = arith.select %gt3A_347, %get3A_346, %scan3A_302 : vector<16xi1>, vector<16xf32>
          %get3A_350 = arith.index_cast %scan3A_296 : i32 to index
          %get3A_351 = arith.constant 96 : index
          %get3A_352 = tpu.vector_load %arg6[%get3A_350, %get3A_351] {strides = array<i32>} : memref<256x128xf32, #tpu.memory_space<vmem>>, vector<16xf32>,
          %gt3A_353 = arith.cmpf ogt, %get3A_352, %scan3A_303 : vector<16xf32>
          %select_n3A_354 = arith.select %gt3A_353, %broadcast_in_dim3A_314, %scan3A_311 : vector<16xi1>, vector<16xi32>
          %select_n3A_355 = arith.select %gt3A_353, %get3A_352, %scan3A_303 : vector<16xi1>, vector<16xf32>
          %get3A_356 = arith.index_cast %scan3A_296 : i32 to index
          %get3A_357 = arith.constant 112 : index
          %get3A_358 = tpu.vector_load %arg6[%get3A_356, %get3A_357] {strides = array<i32>} : memref<256x128xf32, #tpu.memory_space<vmem>>, vector<16xf32>,
          %gt3A_359 = arith.cmpf ogt, %get3A_358, %scan3A_304 : vector<16xf32>
          %select_n3A_360 = arith.select %gt3A_359, %broadcast_in_dim3A_314, %scan3A_312 : vector<16xi1>, vector<16xi32>
          %select_n3A_361 = arith.select %gt3A_359, %get3A_358, %scan3A_304 : vector<16xi1>, vector<16xf32>
          scf.yield %select_n3A_319, %select_n3A_325, %select_n3A_331, %select_n3A_337, %select_n3A_343, %select_n3A_349, %select_n3A_355, %select_n3A_361, %select_n3A_318, %select_n3A_324, %select_n3A_330, %select_n3A_336, %select_n3A_342, %select_n3A_348, %select_n3A_354, %select_n3A_360 : vector<16xf32>, vector<16xf32>, vector<16xf32>, vector<16xf32>, vector<16xf32>, vector<16xf32>, vector<16xf32>, vector<16xf32>, vector<16xi32>, vector<16xi32>, vector<16xi32>, vector<16xi32>, vector<16xi32>, vector<16xi32>, vector<16xi32>, vector<16xi32>
        }
        %scan3A_273 = arith.constant 256 : i32
        %add3A_274 = arith.constant 1 : i32
        %add3A_275 = arith.addi %mul3A_254, %add3A_274 : i32
        %add3A_276 = arith.constant 1 : i32
        %add3A_277 = arith.addi %add3A_275, %add3A_276 : i32
        %lt3A_278 = arith.cmpi slt, %add3A_277, %shift_right_arithmetic3A_120 : i32
        %convert_element_type3A_279 = arith.extui %lt3A_278 : i1 to i32
        %cond3A_280 = arith.constant 0 : i32
        %cond3A_281 = arith.cmpi ne, %convert_element_type3A_279, %cond3A_280 : i32
        scf.if %cond3A_281 {
          %add3A_296 = arith.constant 1 : i32
          %add3A_297 = arith.addi %add3A_275, %add3A_296 : i32
          %mul3A_298 = arith.constant 256 : i32
          %mul3A_299 = arith.muli %add3A_297, %mul3A_298 : i32
          %add3A_300 = arith.addi %squeeze3A, %mul3A_299 : i32
          %dma_start3A_301 = arith.constant 0 : i32
          %dma_start3A_302 = tpu.memref_slice %arg2[%add3A_300, %dma_start3A_301] : memref<130816x128xf32, #tpu.memory_space<hbm>> -> memref<256x128xf32, #tpu.memory_space<hbm>>
          %dma_start3A_303 = arith.constant 0 : i32
          %dma_start3A_304 = tpu.memref_slice %arg2[%add3A_300, %dma_start3A_303] : memref<130816x128xf32, #tpu.memory_space<hbm>> -> memref<256x128xf32, #tpu.memory_space<hbm>>
          tpu.enqueue_dma source(%dma_start3A_304 : memref<256x128xf32, #tpu.memory_space<hbm>>) target(%arg6 : memref<256x128xf32, #tpu.memory_space<vmem>>) target_semaphore(%arg14 : memref<!tpu.dma_semaphore, #tpu.memory_space<semaphore_mem>>)
        } else {
        }
        %dma_wait3A_282 = arith.constant 0 : i32
        %dma_wait3A_283 = arith.constant 0 : i32
        %dma_wait3A_284 = tpu.memref_slice %arg2[%dma_wait3A_282, %dma_wait3A_283] : memref<130816x128xf32, #tpu.memory_space<hbm>> -> memref<256x128xf32, #tpu.memory_space<hbm>>
        %dma_wait3A_285 = arith.constant 0 : i32
        %dma_wait3A_286 = arith.constant 0 : i32
        %dma_wait3A_287 = tpu.memref_slice %arg2[%dma_wait3A_285, %dma_wait3A_286] : memref<130816x128xf32, #tpu.memory_space<hbm>> -> memref<256x128xf32, #tpu.memory_space<hbm>>
        tpu.wait_dma2 semaphore(%arg15 : memref<!tpu.dma_semaphore, #tpu.memory_space<semaphore_mem>>) src(%dma_wait3A_287 : memref<256x128xf32, #tpu.memory_space<hbm>>) dst(%arg7 : memref<256x128xf32, #tpu.memory_space<vmem>>)
        %mul3A_288 = arith.constant 256 : i32
        %mul3A_289 = arith.muli %add3A_275, %mul3A_288 : i32
        %scan3A_290 = arith.constant 0 : i32
        %scan3A_291 = arith.constant 256 : i32
        %scan3A_292 = arith.addi %scan3A_290, %scan3A_291 : i32
        %scan3A_293 = arith.constant 1 : i32
        %scan3A_294:16 = scf.for %scan3A_296 = %scan3A_290 to %scan3A_292 step %scan3A_293 iter_args(%scan3A_297 = %scan3A_272#0, %scan3A_298 = %scan3A_272#1, %scan3A_299 = %scan3A_272#2, %scan3A_300 = %scan3A_272#3, %scan3A_301 = %scan3A_272#4, %scan3A_302 = %scan3A_272#5, %scan3A_303 = %scan3A_272#6, %scan3A_304 = %scan3A_272#7, %scan3A_305 = %scan3A_272#8, %scan3A_306 = %scan3A_272#9, %scan3A_307 = %scan3A_272#10, %scan3A_308 = %scan3A_272#11, %scan3A_309 = %scan3A_272#12, %scan3A_310 = %scan3A_272#13, %scan3A_311 = %scan3A_272#14, %scan3A_312 = %scan3A_272#15) -> (vector<16xf32>, vector<16xf32>, vector<16xf32>, vector<16xf32>, vector<16xf32>, vector<16xf32>, vector<16xf32>, vector<16xf32>, vector<16xi32>, vector<16xi32>, vector<16xi32>, vector<16xi32>, vector<16xi32>, vector<16xi32>, vector<16xi32>, vector<16xi32>)  : i32 {
          %add3A_313 = arith.addi %mul3A_289, %scan3A_296 : i32
          %broadcast_in_dim3A_314 = vector.broadcast %add3A_313 : i32 to vector<16xi32>
          %get3A_315 = arith.index_cast %scan3A_296 : i32 to index
          %get3A_316 = arith.constant 0 : index
          %get3A_317 = tpu.vector_load %arg7[%get3A_315, %get3A_316] {strides = array<i32>} : memref<256x128xf32, #tpu.memory_space<vmem>>, vector<16xf32>,
          %gt3A = arith.cmpf ogt, %get3A_317, %scan3A_297 : vector<16xf32>
          %select_n3A_318 = arith.select %gt3A, %broadcast_in_dim3A_314, %scan3A_305 : vector<16xi1>, vector<16xi32>
          %select_n3A_319 = arith.select %gt3A, %get3A_317, %scan3A_297 : vector<16xi1>, vector<16xf32>
          %get3A_320 = arith.index_cast %scan3A_296 : i32 to index
          %get3A_321 = arith.constant 16 : index
          %get3A_322 = tpu.vector_load %arg7[%get3A_320, %get3A_321] {strides = array<i32>} : memref<256x128xf32, #tpu.memory_space<vmem>>, vector<16xf32>,
          %gt3A_323 = arith.cmpf ogt, %get3A_322, %scan3A_298 : vector<16xf32>
          %select_n3A_324 = arith.select %gt3A_323, %broadcast_in_dim3A_314, %scan3A_306 : vector<16xi1>, vector<16xi32>
          %select_n3A_325 = arith.select %gt3A_323, %get3A_322, %scan3A_298 : vector<16xi1>, vector<16xf32>
          %get3A_326 = arith.index_cast %scan3A_296 : i32 to index
          %get3A_327 = arith.constant 32 : index
          %get3A_328 = tpu.vector_load %arg7[%get3A_326, %get3A_327] {strides = array<i32>} : memref<256x128xf32, #tpu.memory_space<vmem>>, vector<16xf32>,
          %gt3A_329 = arith.cmpf ogt, %get3A_328, %scan3A_299 : vector<16xf32>
          %select_n3A_330 = arith.select %gt3A_329, %broadcast_in_dim3A_314, %scan3A_307 : vector<16xi1>, vector<16xi32>
          %select_n3A_331 = arith.select %gt3A_329, %get3A_328, %scan3A_299 : vector<16xi1>, vector<16xf32>
          %get3A_332 = arith.index_cast %scan3A_296 : i32 to index
          %get3A_333 = arith.constant 48 : index
          %get3A_334 = tpu.vector_load %arg7[%get3A_332, %get3A_333] {strides = array<i32>} : memref<256x128xf32, #tpu.memory_space<vmem>>, vector<16xf32>,
          %gt3A_335 = arith.cmpf ogt, %get3A_334, %scan3A_300 : vector<16xf32>
          %select_n3A_336 = arith.select %gt3A_335, %broadcast_in_dim3A_314, %scan3A_308 : vector<16xi1>, vector<16xi32>
          %select_n3A_337 = arith.select %gt3A_335, %get3A_334, %scan3A_300 : vector<16xi1>, vector<16xf32>
          %get3A_338 = arith.index_cast %scan3A_296 : i32 to index
          %get3A_339 = arith.constant 64 : index
          %get3A_340 = tpu.vector_load %arg7[%get3A_338, %get3A_339] {strides = array<i32>} : memref<256x128xf32, #tpu.memory_space<vmem>>, vector<16xf32>,
          %gt3A_341 = arith.cmpf ogt, %get3A_340, %scan3A_301 : vector<16xf32>
          %select_n3A_342 = arith.select %gt3A_341, %broadcast_in_dim3A_314, %scan3A_309 : vector<16xi1>, vector<16xi32>
          %select_n3A_343 = arith.select %gt3A_341, %get3A_340, %scan3A_301 : vector<16xi1>, vector<16xf32>
          %get3A_344 = arith.index_cast %scan3A_296 : i32 to index
          %get3A_345 = arith.constant 80 : index
          %get3A_346 = tpu.vector_load %arg7[%get3A_344, %get3A_345] {strides = array<i32>} : memref<256x128xf32, #tpu.memory_space<vmem>>, vector<16xf32>,
          %gt3A_347 = arith.cmpf ogt, %get3A_346, %scan3A_302 : vector<16xf32>
          %select_n3A_348 = arith.select %gt3A_347, %broadcast_in_dim3A_314, %scan3A_310 : vector<16xi1>, vector<16xi32>
          %select_n3A_349 = arith.select %gt3A_347, %get3A_346, %scan3A_302 : vector<16xi1>, vector<16xf32>
          %get3A_350 = arith.index_cast %scan3A_296 : i32 to index
          %get3A_351 = arith.constant 96 : index
          %get3A_352 = tpu.vector_load %arg7[%get3A_350, %get3A_351] {strides = array<i32>} : memref<256x128xf32, #tpu.memory_space<vmem>>, vector<16xf32>,
          %gt3A_353 = arith.cmpf ogt, %get3A_352, %scan3A_303 : vector<16xf32>
          %select_n3A_354 = arith.select %gt3A_353, %broadcast_in_dim3A_314, %scan3A_311 : vector<16xi1>, vector<16xi32>
          %select_n3A_355 = arith.select %gt3A_353, %get3A_352, %scan3A_303 : vector<16xi1>, vector<16xf32>
          %get3A_356 = arith.index_cast %scan3A_296 : i32 to index
          %get3A_357 = arith.constant 112 : index
          %get3A_358 = tpu.vector_load %arg7[%get3A_356, %get3A_357] {strides = array<i32>} : memref<256x128xf32, #tpu.memory_space<vmem>>, vector<16xf32>,
          %gt3A_359 = arith.cmpf ogt, %get3A_358, %scan3A_304 : vector<16xf32>
          %select_n3A_360 = arith.select %gt3A_359, %broadcast_in_dim3A_314, %scan3A_312 : vector<16xi1>, vector<16xi32>
          %select_n3A_361 = arith.select %gt3A_359, %get3A_358, %scan3A_304 : vector<16xi1>, vector<16xf32>
          scf.yield %select_n3A_319, %select_n3A_325, %select_n3A_331, %select_n3A_337, %select_n3A_343, %select_n3A_349, %select_n3A_355, %select_n3A_361, %select_n3A_318, %select_n3A_324, %select_n3A_330, %select_n3A_336, %select_n3A_342, %select_n3A_348, %select_n3A_354, %select_n3A_360 : vector<16xf32>, vector<16xf32>, vector<16xf32>, vector<16xf32>, vector<16xf32>, vector<16xf32>, vector<16xf32>, vector<16xf32>, vector<16xi32>, vector<16xi32>, vector<16xi32>, vector<16xi32>, vector<16xi32>, vector<16xi32>, vector<16xi32>, vector<16xi32>
        }
        %scan3A_295 = arith.constant 256 : i32
        scf.yield %scan3A_294#0, %scan3A_294#1, %scan3A_294#2, %scan3A_294#3, %scan3A_294#4, %scan3A_294#5, %scan3A_294#6, %scan3A_294#7, %scan3A_294#8, %scan3A_294#9, %scan3A_294#10, %scan3A_294#11, %scan3A_294#12, %scan3A_294#13, %scan3A_294#14, %scan3A_294#15 : vector<16xf32>, vector<16xf32>, vector<16xf32>, vector<16xf32>, vector<16xf32>, vector<16xf32>, vector<16xf32>, vector<16xf32>, vector<16xi32>, vector<16xi32>, vector<16xi32>, vector<16xi32>, vector<16xi32>, vector<16xi32>, vector<16xi32>, vector<16xi32>
      }
      %and3A = arith.constant 1 : i32
      %and3A_142 = arith.andi %shift_right_arithmetic3A_120, %and3A : i32
      %while3A_143 = arith.constant 0 : i32
      %while3A_144 = arith.subi %and3A_142, %while3A_143 : i32
      %while3A_145 = arith.addi %while3A_143, %while3A_144 : i32
      %while3A_146 = arith.constant 1 : i32
      %while3A_147 = arith.divsi %while3A_144, %while3A_146 : i32
      %while3A_148 = arith.muli %while3A_147, %while3A_146 : i32
      %while3A_149 = arith.addi %while3A_143, %while3A_148 : i32
      %while3A_150 = arith.constant 1 : i32
      %while3A_151:16 = scf.for %while3A_236 = %while3A_143 to %while3A_149 step %while3A_150 iter_args(%while3A_237 = %while3A_141#0, %while3A_238 = %while3A_141#1, %while3A_239 = %while3A_141#2, %while3A_240 = %while3A_141#3, %while3A_241 = %while3A_141#4, %while3A_242 = %while3A_141#5, %while3A_243 = %while3A_141#6, %while3A_244 = %while3A_141#7, %while3A_245 = %while3A_141#8, %while3A_246 = %while3A_141#9, %while3A_247 = %while3A_141#10, %while3A_248 = %while3A_141#11, %while3A_249 = %while3A_141#12, %while3A_250 = %while3A_141#13, %while3A_251 = %while3A_141#14, %while3A_252 = %while3A_141#15) -> (vector<16xf32>, vector<16xf32>, vector<16xf32>, vector<16xf32>, vector<16xf32>, vector<16xf32>, vector<16xf32>, vector<16xf32>, vector<16xi32>, vector<16xi32>, vector<16xi32>, vector<16xi32>, vector<16xi32>, vector<16xi32>, vector<16xi32>, vector<16xi32>)  : i32 {
        %dma_wait3A = arith.constant 0 : i32
        %dma_wait3A_253 = arith.constant 0 : i32
        %dma_wait3A_254 = tpu.memref_slice %arg2[%dma_wait3A, %dma_wait3A_253] : memref<130816x128xf32, #tpu.memory_space<hbm>> -> memref<256x128xf32, #tpu.memory_space<hbm>>
        %dma_wait3A_255 = arith.constant 0 : i32
        %dma_wait3A_256 = arith.constant 0 : i32
        %dma_wait3A_257 = tpu.memref_slice %arg2[%dma_wait3A_255, %dma_wait3A_256] : memref<130816x128xf32, #tpu.memory_space<hbm>> -> memref<256x128xf32, #tpu.memory_space<hbm>>
        tpu.wait_dma2 semaphore(%arg14 : memref<!tpu.dma_semaphore, #tpu.memory_space<semaphore_mem>>) src(%dma_wait3A_257 : memref<256x128xf32, #tpu.memory_space<hbm>>) dst(%arg6 : memref<256x128xf32, #tpu.memory_space<vmem>>)
        %sub3A_258 = arith.constant 1 : i32
        %sub3A_259 = arith.subi %shift_right_arithmetic3A_120, %sub3A_258 : i32
        %mul3A_260 = arith.constant 256 : i32
        %mul3A_261 = arith.muli %sub3A_259, %mul3A_260 : i32
        %scan3A_262 = arith.constant 0 : i32
        %scan3A_263 = arith.constant 256 : i32
        %scan3A_264 = arith.addi %scan3A_262, %scan3A_263 : i32
        %scan3A_265 = arith.constant 1 : i32
        %scan3A_266:16 = scf.for %scan3A_268 = %scan3A_262 to %scan3A_264 step %scan3A_265 iter_args(%scan3A_269 = %while3A_237, %scan3A_270 = %while3A_238, %scan3A_271 = %while3A_239, %scan3A_272 = %while3A_240, %scan3A_273 = %while3A_241, %scan3A_274 = %while3A_242, %scan3A_275 = %while3A_243, %scan3A_276 = %while3A_244, %scan3A_277 = %while3A_245, %scan3A_278 = %while3A_246, %scan3A_279 = %while3A_247, %scan3A_280 = %while3A_248, %scan3A_281 = %while3A_249, %scan3A_282 = %while3A_250, %scan3A_283 = %while3A_251, %scan3A_284 = %while3A_252) -> (vector<16xf32>, vector<16xf32>, vector<16xf32>, vector<16xf32>, vector<16xf32>, vector<16xf32>, vector<16xf32>, vector<16xf32>, vector<16xi32>, vector<16xi32>, vector<16xi32>, vector<16xi32>, vector<16xi32>, vector<16xi32>, vector<16xi32>, vector<16xi32>)  : i32 {
          %add3A_285 = arith.addi %mul3A_261, %scan3A_268 : i32
          %broadcast_in_dim3A_286 = vector.broadcast %add3A_285 : i32 to vector<16xi32>
          %get3A_287 = arith.index_cast %scan3A_268 : i32 to index
          %get3A_288 = arith.constant 0 : index
          %get3A_289 = tpu.vector_load %arg6[%get3A_287, %get3A_288] {strides = array<i32>} : memref<256x128xf32, #tpu.memory_space<vmem>>, vector<16xf32>,
          %gt3A = arith.cmpf ogt, %get3A_289, %scan3A_269 : vector<16xf32>
          %select_n3A_290 = arith.select %gt3A, %broadcast_in_dim3A_286, %scan3A_277 : vector<16xi1>, vector<16xi32>
          %select_n3A_291 = arith.select %gt3A, %get3A_289, %scan3A_269 : vector<16xi1>, vector<16xf32>
          %get3A_292 = arith.index_cast %scan3A_268 : i32 to index
          %get3A_293 = arith.constant 16 : index
          %get3A_294 = tpu.vector_load %arg6[%get3A_292, %get3A_293] {strides = array<i32>} : memref<256x128xf32, #tpu.memory_space<vmem>>, vector<16xf32>,
          %gt3A_295 = arith.cmpf ogt, %get3A_294, %scan3A_270 : vector<16xf32>
          %select_n3A_296 = arith.select %gt3A_295, %broadcast_in_dim3A_286, %scan3A_278 : vector<16xi1>, vector<16xi32>
          %select_n3A_297 = arith.select %gt3A_295, %get3A_294, %scan3A_270 : vector<16xi1>, vector<16xf32>
          %get3A_298 = arith.index_cast %scan3A_268 : i32 to index
          %get3A_299 = arith.constant 32 : index
          %get3A_300 = tpu.vector_load %arg6[%get3A_298, %get3A_299] {strides = array<i32>} : memref<256x128xf32, #tpu.memory_space<vmem>>, vector<16xf32>,
          %gt3A_301 = arith.cmpf ogt, %get3A_300, %scan3A_271 : vector<16xf32>
          %select_n3A_302 = arith.select %gt3A_301, %broadcast_in_dim3A_286, %scan3A_279 : vector<16xi1>, vector<16xi32>
          %select_n3A_303 = arith.select %gt3A_301, %get3A_300, %scan3A_271 : vector<16xi1>, vector<16xf32>
          %get3A_304 = arith.index_cast %scan3A_268 : i32 to index
          %get3A_305 = arith.constant 48 : index
          %get3A_306 = tpu.vector_load %arg6[%get3A_304, %get3A_305] {strides = array<i32>} : memref<256x128xf32, #tpu.memory_space<vmem>>, vector<16xf32>,
          %gt3A_307 = arith.cmpf ogt, %get3A_306, %scan3A_272 : vector<16xf32>
          %select_n3A_308 = arith.select %gt3A_307, %broadcast_in_dim3A_286, %scan3A_280 : vector<16xi1>, vector<16xi32>
          %select_n3A_309 = arith.select %gt3A_307, %get3A_306, %scan3A_272 : vector<16xi1>, vector<16xf32>
          %get3A_310 = arith.index_cast %scan3A_268 : i32 to index
          %get3A_311 = arith.constant 64 : index
          %get3A_312 = tpu.vector_load %arg6[%get3A_310, %get3A_311] {strides = array<i32>} : memref<256x128xf32, #tpu.memory_space<vmem>>, vector<16xf32>,
          %gt3A_313 = arith.cmpf ogt, %get3A_312, %scan3A_273 : vector<16xf32>
          %select_n3A_314 = arith.select %gt3A_313, %broadcast_in_dim3A_286, %scan3A_281 : vector<16xi1>, vector<16xi32>
          %select_n3A_315 = arith.select %gt3A_313, %get3A_312, %scan3A_273 : vector<16xi1>, vector<16xf32>
          %get3A_316 = arith.index_cast %scan3A_268 : i32 to index
          %get3A_317 = arith.constant 80 : index
          %get3A_318 = tpu.vector_load %arg6[%get3A_316, %get3A_317] {strides = array<i32>} : memref<256x128xf32, #tpu.memory_space<vmem>>, vector<16xf32>,
          %gt3A_319 = arith.cmpf ogt, %get3A_318, %scan3A_274 : vector<16xf32>
          %select_n3A_320 = arith.select %gt3A_319, %broadcast_in_dim3A_286, %scan3A_282 : vector<16xi1>, vector<16xi32>
          %select_n3A_321 = arith.select %gt3A_319, %get3A_318, %scan3A_274 : vector<16xi1>, vector<16xf32>
          %get3A_322 = arith.index_cast %scan3A_268 : i32 to index
          %get3A_323 = arith.constant 96 : index
          %get3A_324 = tpu.vector_load %arg6[%get3A_322, %get3A_323] {strides = array<i32>} : memref<256x128xf32, #tpu.memory_space<vmem>>, vector<16xf32>,
          %gt3A_325 = arith.cmpf ogt, %get3A_324, %scan3A_275 : vector<16xf32>
          %select_n3A_326 = arith.select %gt3A_325, %broadcast_in_dim3A_286, %scan3A_283 : vector<16xi1>, vector<16xi32>
          %select_n3A_327 = arith.select %gt3A_325, %get3A_324, %scan3A_275 : vector<16xi1>, vector<16xf32>
          %get3A_328 = arith.index_cast %scan3A_268 : i32 to index
          %get3A_329 = arith.constant 112 : index
          %get3A_330 = tpu.vector_load %arg6[%get3A_328, %get3A_329] {strides = array<i32>} : memref<256x128xf32, #tpu.memory_space<vmem>>, vector<16xf32>,
          %gt3A_331 = arith.cmpf ogt, %get3A_330, %scan3A_276 : vector<16xf32>
          %select_n3A_332 = arith.select %gt3A_331, %broadcast_in_dim3A_286, %scan3A_284 : vector<16xi1>, vector<16xi32>
          %select_n3A_333 = arith.select %gt3A_331, %get3A_330, %scan3A_276 : vector<16xi1>, vector<16xf32>
          scf.yield %select_n3A_291, %select_n3A_297, %select_n3A_303, %select_n3A_309, %select_n3A_315, %select_n3A_321, %select_n3A_327, %select_n3A_333, %select_n3A_290, %select_n3A_296, %select_n3A_302, %select_n3A_308, %select_n3A_314, %select_n3A_320, %select_n3A_326, %select_n3A_332 : vector<16xf32>, vector<16xf32>, vector<16xf32>, vector<16xf32>, vector<16xf32>, vector<16xf32>, vector<16xf32>, vector<16xf32>, vector<16xi32>, vector<16xi32>, vector<16xi32>, vector<16xi32>, vector<16xi32>, vector<16xi32>, vector<16xi32>, vector<16xi32>
        }
        %scan3A_267 = arith.constant 256 : i32
        scf.yield %scan3A_266#0, %scan3A_266#1, %scan3A_266#2, %scan3A_266#3, %scan3A_266#4, %scan3A_266#5, %scan3A_266#6, %scan3A_266#7, %scan3A_266#8, %scan3A_266#9, %scan3A_266#10, %scan3A_266#11, %scan3A_266#12, %scan3A_266#13, %scan3A_266#14, %scan3A_266#15 : vector<16xf32>, vector<16xf32>, vector<16xf32>, vector<16xf32>, vector<16xf32>, vector<16xf32>, vector<16xf32>, vector<16xf32>, vector<16xi32>, vector<16xi32>, vector<16xi32>, vector<16xi32>, vector<16xi32>, vector<16xi32>, vector<16xi32>, vector<16xi32>
      }
      %while3A_152 = arith.constant 1 : i32
      %while3A_153:16 = scf.for %while3A_236 = %while3A_149 to %while3A_145 step %while3A_152 iter_args(%while3A_237 = %while3A_151#0, %while3A_238 = %while3A_151#1, %while3A_239 = %while3A_151#2, %while3A_240 = %while3A_151#3, %while3A_241 = %while3A_151#4, %while3A_242 = %while3A_151#5, %while3A_243 = %while3A_151#6, %while3A_244 = %while3A_151#7, %while3A_245 = %while3A_151#8, %while3A_246 = %while3A_151#9, %while3A_247 = %while3A_151#10, %while3A_248 = %while3A_151#11, %while3A_249 = %while3A_151#12, %while3A_250 = %while3A_151#13, %while3A_251 = %while3A_151#14, %while3A_252 = %while3A_151#15) -> (vector<16xf32>, vector<16xf32>, vector<16xf32>, vector<16xf32>, vector<16xf32>, vector<16xf32>, vector<16xf32>, vector<16xf32>, vector<16xi32>, vector<16xi32>, vector<16xi32>, vector<16xi32>, vector<16xi32>, vector<16xi32>, vector<16xi32>, vector<16xi32>)  : i32 {
        %dma_wait3A = arith.constant 0 : i32
        %dma_wait3A_253 = arith.constant 0 : i32
        %dma_wait3A_254 = tpu.memref_slice %arg2[%dma_wait3A, %dma_wait3A_253] : memref<130816x128xf32, #tpu.memory_space<hbm>> -> memref<256x128xf32, #tpu.memory_space<hbm>>
        %dma_wait3A_255 = arith.constant 0 : i32
        %dma_wait3A_256 = arith.constant 0 : i32
        %dma_wait3A_257 = tpu.memref_slice %arg2[%dma_wait3A_255, %dma_wait3A_256] : memref<130816x128xf32, #tpu.memory_space<hbm>> -> memref<256x128xf32, #tpu.memory_space<hbm>>
        tpu.wait_dma2 semaphore(%arg14 : memref<!tpu.dma_semaphore, #tpu.memory_space<semaphore_mem>>) src(%dma_wait3A_257 : memref<256x128xf32, #tpu.memory_space<hbm>>) dst(%arg6 : memref<256x128xf32, #tpu.memory_space<vmem>>)
        %sub3A_258 = arith.constant 1 : i32
        %sub3A_259 = arith.subi %shift_right_arithmetic3A_120, %sub3A_258 : i32
        %mul3A_260 = arith.constant 256 : i32
        %mul3A_261 = arith.muli %sub3A_259, %mul3A_260 : i32
        %scan3A_262 = arith.constant 0 : i32
        %scan3A_263 = arith.constant 256 : i32
        %scan3A_264 = arith.addi %scan3A_262, %scan3A_263 : i32
        %scan3A_265 = arith.constant 1 : i32
        %scan3A_266:16 = scf.for %scan3A_268 = %scan3A_262 to %scan3A_264 step %scan3A_265 iter_args(%scan3A_269 = %while3A_237, %scan3A_270 = %while3A_238, %scan3A_271 = %while3A_239, %scan3A_272 = %while3A_240, %scan3A_273 = %while3A_241, %scan3A_274 = %while3A_242, %scan3A_275 = %while3A_243, %scan3A_276 = %while3A_244, %scan3A_277 = %while3A_245, %scan3A_278 = %while3A_246, %scan3A_279 = %while3A_247, %scan3A_280 = %while3A_248, %scan3A_281 = %while3A_249, %scan3A_282 = %while3A_250, %scan3A_283 = %while3A_251, %scan3A_284 = %while3A_252) -> (vector<16xf32>, vector<16xf32>, vector<16xf32>, vector<16xf32>, vector<16xf32>, vector<16xf32>, vector<16xf32>, vector<16xf32>, vector<16xi32>, vector<16xi32>, vector<16xi32>, vector<16xi32>, vector<16xi32>, vector<16xi32>, vector<16xi32>, vector<16xi32>)  : i32 {
          %add3A_285 = arith.addi %mul3A_261, %scan3A_268 : i32
          %broadcast_in_dim3A_286 = vector.broadcast %add3A_285 : i32 to vector<16xi32>
          %get3A_287 = arith.index_cast %scan3A_268 : i32 to index
          %get3A_288 = arith.constant 0 : index
          %get3A_289 = tpu.vector_load %arg6[%get3A_287, %get3A_288] {strides = array<i32>} : memref<256x128xf32, #tpu.memory_space<vmem>>, vector<16xf32>,
          %gt3A = arith.cmpf ogt, %get3A_289, %scan3A_269 : vector<16xf32>
          %select_n3A_290 = arith.select %gt3A, %broadcast_in_dim3A_286, %scan3A_277 : vector<16xi1>, vector<16xi32>
          %select_n3A_291 = arith.select %gt3A, %get3A_289, %scan3A_269 : vector<16xi1>, vector<16xf32>
          %get3A_292 = arith.index_cast %scan3A_268 : i32 to index
          %get3A_293 = arith.constant 16 : index
          %get3A_294 = tpu.vector_load %arg6[%get3A_292, %get3A_293] {strides = array<i32>} : memref<256x128xf32, #tpu.memory_space<vmem>>, vector<16xf32>,
          %gt3A_295 = arith.cmpf ogt, %get3A_294, %scan3A_270 : vector<16xf32>
          %select_n3A_296 = arith.select %gt3A_295, %broadcast_in_dim3A_286, %scan3A_278 : vector<16xi1>, vector<16xi32>
          %select_n3A_297 = arith.select %gt3A_295, %get3A_294, %scan3A_270 : vector<16xi1>, vector<16xf32>
          %get3A_298 = arith.index_cast %scan3A_268 : i32 to index
          %get3A_299 = arith.constant 32 : index
          %get3A_300 = tpu.vector_load %arg6[%get3A_298, %get3A_299] {strides = array<i32>} : memref<256x128xf32, #tpu.memory_space<vmem>>, vector<16xf32>,
          %gt3A_301 = arith.cmpf ogt, %get3A_300, %scan3A_271 : vector<16xf32>
          %select_n3A_302 = arith.select %gt3A_301, %broadcast_in_dim3A_286, %scan3A_279 : vector<16xi1>, vector<16xi32>
          %select_n3A_303 = arith.select %gt3A_301, %get3A_300, %scan3A_271 : vector<16xi1>, vector<16xf32>
          %get3A_304 = arith.index_cast %scan3A_268 : i32 to index
          %get3A_305 = arith.constant 48 : index
          %get3A_306 = tpu.vector_load %arg6[%get3A_304, %get3A_305] {strides = array<i32>} : memref<256x128xf32, #tpu.memory_space<vmem>>, vector<16xf32>,
          %gt3A_307 = arith.cmpf ogt, %get3A_306, %scan3A_272 : vector<16xf32>
          %select_n3A_308 = arith.select %gt3A_307, %broadcast_in_dim3A_286, %scan3A_280 : vector<16xi1>, vector<16xi32>
          %select_n3A_309 = arith.select %gt3A_307, %get3A_306, %scan3A_272 : vector<16xi1>, vector<16xf32>
          %get3A_310 = arith.index_cast %scan3A_268 : i32 to index
          %get3A_311 = arith.constant 64 : index
          %get3A_312 = tpu.vector_load %arg6[%get3A_310, %get3A_311] {strides = array<i32>} : memref<256x128xf32, #tpu.memory_space<vmem>>, vector<16xf32>,
          %gt3A_313 = arith.cmpf ogt, %get3A_312, %scan3A_273 : vector<16xf32>
          %select_n3A_314 = arith.select %gt3A_313, %broadcast_in_dim3A_286, %scan3A_281 : vector<16xi1>, vector<16xi32>
          %select_n3A_315 = arith.select %gt3A_313, %get3A_312, %scan3A_273 : vector<16xi1>, vector<16xf32>
          %get3A_316 = arith.index_cast %scan3A_268 : i32 to index
          %get3A_317 = arith.constant 80 : index
          %get3A_318 = tpu.vector_load %arg6[%get3A_316, %get3A_317] {strides = array<i32>} : memref<256x128xf32, #tpu.memory_space<vmem>>, vector<16xf32>,
          %gt3A_319 = arith.cmpf ogt, %get3A_318, %scan3A_274 : vector<16xf32>
          %select_n3A_320 = arith.select %gt3A_319, %broadcast_in_dim3A_286, %scan3A_282 : vector<16xi1>, vector<16xi32>
          %select_n3A_321 = arith.select %gt3A_319, %get3A_318, %scan3A_274 : vector<16xi1>, vector<16xf32>
          %get3A_322 = arith.index_cast %scan3A_268 : i32 to index
          %get3A_323 = arith.constant 96 : index
          %get3A_324 = tpu.vector_load %arg6[%get3A_322, %get3A_323] {strides = array<i32>} : memref<256x128xf32, #tpu.memory_space<vmem>>, vector<16xf32>,
          %gt3A_325 = arith.cmpf ogt, %get3A_324, %scan3A_275 : vector<16xf32>
          %select_n3A_326 = arith.select %gt3A_325, %broadcast_in_dim3A_286, %scan3A_283 : vector<16xi1>, vector<16xi32>
          %select_n3A_327 = arith.select %gt3A_325, %get3A_324, %scan3A_275 : vector<16xi1>, vector<16xf32>
          %get3A_328 = arith.index_cast %scan3A_268 : i32 to index
          %get3A_329 = arith.constant 112 : index
          %get3A_330 = tpu.vector_load %arg6[%get3A_328, %get3A_329] {strides = array<i32>} : memref<256x128xf32, #tpu.memory_space<vmem>>, vector<16xf32>,
          %gt3A_331 = arith.cmpf ogt, %get3A_330, %scan3A_276 : vector<16xf32>
          %select_n3A_332 = arith.select %gt3A_331, %broadcast_in_dim3A_286, %scan3A_284 : vector<16xi1>, vector<16xi32>
          %select_n3A_333 = arith.select %gt3A_331, %get3A_330, %scan3A_276 : vector<16xi1>, vector<16xf32>
          scf.yield %select_n3A_291, %select_n3A_297, %select_n3A_303, %select_n3A_309, %select_n3A_315, %select_n3A_321, %select_n3A_327, %select_n3A_333, %select_n3A_290, %select_n3A_296, %select_n3A_302, %select_n3A_308, %select_n3A_314, %select_n3A_320, %select_n3A_326, %select_n3A_332 : vector<16xf32>, vector<16xf32>, vector<16xf32>, vector<16xf32>, vector<16xf32>, vector<16xf32>, vector<16xf32>, vector<16xf32>, vector<16xi32>, vector<16xi32>, vector<16xi32>, vector<16xi32>, vector<16xi32>, vector<16xi32>, vector<16xi32>, vector<16xi32>
        }
        %scan3A_267 = arith.constant 256 : i32
        scf.yield %scan3A_266#0, %scan3A_266#1, %scan3A_266#2, %scan3A_266#3, %scan3A_266#4, %scan3A_266#5, %scan3A_266#6, %scan3A_266#7, %scan3A_266#8, %scan3A_266#9, %scan3A_266#10, %scan3A_266#11, %scan3A_266#12, %scan3A_266#13, %scan3A_266#14, %scan3A_266#15 : vector<16xf32>, vector<16xf32>, vector<16xf32>, vector<16xf32>, vector<16xf32>, vector<16xf32>, vector<16xf32>, vector<16xf32>, vector<16xi32>, vector<16xi32>, vector<16xi32>, vector<16xi32>, vector<16xi32>, vector<16xi32>, vector<16xi32>, vector<16xi32>
      }
      %while3A_154 = arith.constant 0 : i32
      %while3A_155 = arith.subi %shift_right_arithmetic3A_128, %while3A_154 : i32
      %while3A_156 = arith.addi %while3A_154, %while3A_155 : i32
      %while3A_157 = arith.constant 1 : i32
      %while3A_158 = arith.divsi %while3A_155, %while3A_157 : i32
      %while3A_159 = arith.muli %while3A_158, %while3A_157 : i32
      %while3A_160 = arith.addi %while3A_154, %while3A_159 : i32
      %while3A_161 = arith.constant 1 : i32
      %while3A_162:16 = scf.for %while3A_236 = %while3A_154 to %while3A_160 step %while3A_161 iter_args(%while3A_237 = %while3A_153#0, %while3A_238 = %while3A_153#1, %while3A_239 = %while3A_153#2, %while3A_240 = %while3A_153#3, %while3A_241 = %while3A_153#4, %while3A_242 = %while3A_153#5, %while3A_243 = %while3A_153#6, %while3A_244 = %while3A_153#7, %while3A_245 = %while3A_153#8, %while3A_246 = %while3A_153#9, %while3A_247 = %while3A_153#10, %while3A_248 = %while3A_153#11, %while3A_249 = %while3A_153#12, %while3A_250 = %while3A_153#13, %while3A_251 = %while3A_153#14, %while3A_252 = %while3A_153#15) -> (vector<16xf32>, vector<16xf32>, vector<16xf32>, vector<16xf32>, vector<16xf32>, vector<16xf32>, vector<16xf32>, vector<16xf32>, vector<16xi32>, vector<16xi32>, vector<16xi32>, vector<16xi32>, vector<16xi32>, vector<16xi32>, vector<16xi32>, vector<16xi32>)  : i32 {
        %dma_wait3A = arith.constant 0 : i32
        %dma_wait3A_253 = arith.constant 0 : i32
        %dma_wait3A_254 = tpu.memref_slice %arg8[%dma_wait3A, %dma_wait3A_253] : memref<256x128xf32, #tpu.memory_space<vmem>> -> memref<16x128xf32, #tpu.memory_space<vmem>>
        %dma_wait3A_255 = arith.constant 0 : i32
        %dma_wait3A_256 = arith.constant 0 : i32
        %dma_wait3A_257 = tpu.memref_slice %arg2[%dma_wait3A_255, %dma_wait3A_256] : memref<130816x128xf32, #tpu.memory_space<hbm>> -> memref<16x128xf32, #tpu.memory_space<hbm>>
        %dma_wait3A_258 = arith.constant 0 : i32
        %dma_wait3A_259 = arith.constant 0 : i32
        %dma_wait3A_260 = tpu.memref_slice %arg8[%dma_wait3A_258, %dma_wait3A_259] : memref<256x128xf32, #tpu.memory_space<vmem>> -> memref<16x128xf32, #tpu.memory_space<vmem>>
        %dma_wait3A_261 = arith.constant 0 : i32
        %dma_wait3A_262 = arith.constant 0 : i32
        %dma_wait3A_263 = tpu.memref_slice %arg2[%dma_wait3A_261, %dma_wait3A_262] : memref<130816x128xf32, #tpu.memory_space<hbm>> -> memref<16x128xf32, #tpu.memory_space<hbm>>
        tpu.wait_dma2 semaphore(%arg16 : memref<!tpu.dma_semaphore, #tpu.memory_space<semaphore_mem>>) src(%dma_wait3A_263 : memref<16x128xf32, #tpu.memory_space<hbm>>) dst(%dma_wait3A_260 : memref<16x128xf32, #tpu.memory_space<vmem>>)
        %mul3A_264 = arith.constant 16 : i32
        %mul3A_265 = arith.muli %while3A_236, %mul3A_264 : i32
        %add3A_266 = arith.addi %add3A_123, %mul3A_265 : i32
        %min3A_267 = arith.constant 130800 : i32
        %min3A_268 = arith.minsi %add3A_266, %min3A_267 : i32
        %max3A_269 = arith.constant 0 : i32
        %max3A_270 = arith.maxsi %min3A_268, %max3A_269 : i32
        %sub3A_271 = arith.subi %squeeze3A, %max3A_270 : i32
        %max3A_272 = arith.constant 0 : i32
        %max3A_273 = arith.maxsi %sub3A_271, %max3A_272 : i32
        %sub3A_274 = arith.subi %squeeze3A_85, %max3A_270 : i32
        %min3A_275 = arith.constant 16 : i32
        %min3A_276 = arith.minsi %sub3A_274, %min3A_275 : i32
        %sub3A_277 = arith.constant 1 : i32
        %sub3A_278 = arith.subi %min3A_276, %sub3A_277 : i32
        %mul3A_279 = arith.constant 16 : i32
        %mul3A_280 = arith.muli %while3A_236, %mul3A_279 : i32
        %scan3A_281 = arith.constant 0 : i32
        %scan3A_282 = arith.constant 16 : i32
        %scan3A_283 = arith.addi %scan3A_281, %scan3A_282 : i32
        %scan3A_284 = arith.constant 1 : i32
        %scan3A_285:16 = scf.for %scan3A_287 = %scan3A_281 to %scan3A_283 step %scan3A_284 iter_args(%scan3A_288 = %while3A_237, %scan3A_289 = %while3A_238, %scan3A_290 = %while3A_239, %scan3A_291 = %while3A_240, %scan3A_292 = %while3A_241, %scan3A_293 = %while3A_242, %scan3A_294 = %while3A_243, %scan3A_295 = %while3A_244, %scan3A_296 = %while3A_245, %scan3A_297 = %while3A_246, %scan3A_298 = %while3A_247, %scan3A_299 = %while3A_248, %scan3A_300 = %while3A_249, %scan3A_301 = %while3A_250, %scan3A_302 = %while3A_251, %scan3A_303 = %while3A_252) -> (vector<16xf32>, vector<16xf32>, vector<16xf32>, vector<16xf32>, vector<16xf32>, vector<16xf32>, vector<16xf32>, vector<16xf32>, vector<16xi32>, vector<16xi32>, vector<16xi32>, vector<16xi32>, vector<16xi32>, vector<16xi32>, vector<16xi32>, vector<16xi32>)  : i32 {
          %max3A_304 = arith.maxsi %max3A_273, %scan3A_287 : i32
          %min3A_305 = arith.minsi %sub3A_278, %max3A_304 : i32
          %add3A_306 = arith.addi %max3A_270, %min3A_305 : i32
          %sub3A_307 = arith.subi %add3A_306, %squeeze3A : i32
          %broadcast_in_dim3A_308 = vector.broadcast %sub3A_307 : i32 to vector<16xi32>
          %add3A_309 = arith.addi %mul3A_280, %min3A_305 : i32
          %get3A_310 = arith.index_cast %add3A_309 : i32 to index
          %get3A_311 = arith.constant 0 : index
          %get3A_312 = tpu.vector_load %arg8[%get3A_310, %get3A_311] {strides = array<i32>} : memref<256x128xf32, #tpu.memory_space<vmem>>, vector<16xf32>,
          %gt3A = arith.cmpf ogt, %get3A_312, %scan3A_288 : vector<16xf32>
          %select_n3A_313 = arith.select %gt3A, %broadcast_in_dim3A_308, %scan3A_296 : vector<16xi1>, vector<16xi32>
          %select_n3A_314 = arith.select %gt3A, %get3A_312, %scan3A_288 : vector<16xi1>, vector<16xf32>
          %add3A_315 = arith.addi %mul3A_280, %min3A_305 : i32
          %get3A_316 = arith.index_cast %add3A_315 : i32 to index
          %get3A_317 = arith.constant 16 : index
          %get3A_318 = tpu.vector_load %arg8[%get3A_316, %get3A_317] {strides = array<i32>} : memref<256x128xf32, #tpu.memory_space<vmem>>, vector<16xf32>,
          %gt3A_319 = arith.cmpf ogt, %get3A_318, %scan3A_289 : vector<16xf32>
          %select_n3A_320 = arith.select %gt3A_319, %broadcast_in_dim3A_308, %scan3A_297 : vector<16xi1>, vector<16xi32>
          %select_n3A_321 = arith.select %gt3A_319, %get3A_318, %scan3A_289 : vector<16xi1>, vector<16xf32>
          %add3A_322 = arith.addi %mul3A_280, %min3A_305 : i32
          %get3A_323 = arith.index_cast %add3A_322 : i32 to index
          %get3A_324 = arith.constant 32 : index
          %get3A_325 = tpu.vector_load %arg8[%get3A_323, %get3A_324] {strides = array<i32>} : memref<256x128xf32, #tpu.memory_space<vmem>>, vector<16xf32>,
          %gt3A_326 = arith.cmpf ogt, %get3A_325, %scan3A_290 : vector<16xf32>
          %select_n3A_327 = arith.select %gt3A_326, %broadcast_in_dim3A_308, %scan3A_298 : vector<16xi1>, vector<16xi32>
          %select_n3A_328 = arith.select %gt3A_326, %get3A_325, %scan3A_290 : vector<16xi1>, vector<16xf32>
          %add3A_329 = arith.addi %mul3A_280, %min3A_305 : i32
          %get3A_330 = arith.index_cast %add3A_329 : i32 to index
          %get3A_331 = arith.constant 48 : index
          %get3A_332 = tpu.vector_load %arg8[%get3A_330, %get3A_331] {strides = array<i32>} : memref<256x128xf32, #tpu.memory_space<vmem>>, vector<16xf32>,
          %gt3A_333 = arith.cmpf ogt, %get3A_332, %scan3A_291 : vector<16xf32>
          %select_n3A_334 = arith.select %gt3A_333, %broadcast_in_dim3A_308, %scan3A_299 : vector<16xi1>, vector<16xi32>
          %select_n3A_335 = arith.select %gt3A_333, %get3A_332, %scan3A_291 : vector<16xi1>, vector<16xf32>
          %add3A_336 = arith.addi %mul3A_280, %min3A_305 : i32
          %get3A_337 = arith.index_cast %add3A_336 : i32 to index
          %get3A_338 = arith.constant 64 : index
          %get3A_339 = tpu.vector_load %arg8[%get3A_337, %get3A_338] {strides = array<i32>} : memref<256x128xf32, #tpu.memory_space<vmem>>, vector<16xf32>,
          %gt3A_340 = arith.cmpf ogt, %get3A_339, %scan3A_292 : vector<16xf32>
          %select_n3A_341 = arith.select %gt3A_340, %broadcast_in_dim3A_308, %scan3A_300 : vector<16xi1>, vector<16xi32>
          %select_n3A_342 = arith.select %gt3A_340, %get3A_339, %scan3A_292 : vector<16xi1>, vector<16xf32>
          %add3A_343 = arith.addi %mul3A_280, %min3A_305 : i32
          %get3A_344 = arith.index_cast %add3A_343 : i32 to index
          %get3A_345 = arith.constant 80 : index
          %get3A_346 = tpu.vector_load %arg8[%get3A_344, %get3A_345] {strides = array<i32>} : memref<256x128xf32, #tpu.memory_space<vmem>>, vector<16xf32>,
          %gt3A_347 = arith.cmpf ogt, %get3A_346, %scan3A_293 : vector<16xf32>
          %select_n3A_348 = arith.select %gt3A_347, %broadcast_in_dim3A_308, %scan3A_301 : vector<16xi1>, vector<16xi32>
          %select_n3A_349 = arith.select %gt3A_347, %get3A_346, %scan3A_293 : vector<16xi1>, vector<16xf32>
          %add3A_350 = arith.addi %mul3A_280, %min3A_305 : i32
          %get3A_351 = arith.index_cast %add3A_350 : i32 to index
          %get3A_352 = arith.constant 96 : index
          %get3A_353 = tpu.vector_load %arg8[%get3A_351, %get3A_352] {strides = array<i32>} : memref<256x128xf32, #tpu.memory_space<vmem>>, vector<16xf32>,
          %gt3A_354 = arith.cmpf ogt, %get3A_353, %scan3A_294 : vector<16xf32>
          %select_n3A_355 = arith.select %gt3A_354, %broadcast_in_dim3A_308, %scan3A_302 : vector<16xi1>, vector<16xi32>
          %select_n3A_356 = arith.select %gt3A_354, %get3A_353, %scan3A_294 : vector<16xi1>, vector<16xf32>
          %add3A_357 = arith.addi %mul3A_280, %min3A_305 : i32
          %get3A_358 = arith.index_cast %add3A_357 : i32 to index
          %get3A_359 = arith.constant 112 : index
          %get3A_360 = tpu.vector_load %arg8[%get3A_358, %get3A_359] {strides = array<i32>} : memref<256x128xf32, #tpu.memory_space<vmem>>, vector<16xf32>,
          %gt3A_361 = arith.cmpf ogt, %get3A_360, %scan3A_295 : vector<16xf32>
          %select_n3A_362 = arith.select %gt3A_361, %broadcast_in_dim3A_308, %scan3A_303 : vector<16xi1>, vector<16xi32>
          %select_n3A_363 = arith.select %gt3A_361, %get3A_360, %scan3A_295 : vector<16xi1>, vector<16xf32>
          scf.yield %select_n3A_314, %select_n3A_321, %select_n3A_328, %select_n3A_335, %select_n3A_342, %select_n3A_349, %select_n3A_356, %select_n3A_363, %select_n3A_313, %select_n3A_320, %select_n3A_327, %select_n3A_334, %select_n3A_341, %select_n3A_348, %select_n3A_355, %select_n3A_362 : vector<16xf32>, vector<16xf32>, vector<16xf32>, vector<16xf32>, vector<16xf32>, vector<16xf32>, vector<16xf32>, vector<16xf32>, vector<16xi32>, vector<16xi32>, vector<16xi32>, vector<16xi32>, vector<16xi32>, vector<16xi32>, vector<16xi32>, vector<16xi32>
        }
        %scan3A_286 = arith.constant 16 : i32
        scf.yield %scan3A_285#0, %scan3A_285#1, %scan3A_285#2, %scan3A_285#3, %scan3A_285#4, %scan3A_285#5, %scan3A_285#6, %scan3A_285#7, %scan3A_285#8, %scan3A_285#9, %scan3A_285#10, %scan3A_285#11, %scan3A_285#12, %scan3A_285#13, %scan3A_285#14, %scan3A_285#15 : vector<16xf32>, vector<16xf32>, vector<16xf32>, vector<16xf32>, vector<16xf32>, vector<16xf32>, vector<16xf32>, vector<16xf32>, vector<16xi32>, vector<16xi32>, vector<16xi32>, vector<16xi32>, vector<16xi32>, vector<16xi32>, vector<16xi32>, vector<16xi32>
      }
      %while3A_163 = arith.constant 1 : i32
      %while3A_164:16 = scf.for %while3A_236 = %while3A_160 to %while3A_156 step %while3A_163 iter_args(%while3A_237 = %while3A_162#0, %while3A_238 = %while3A_162#1, %while3A_239 = %while3A_162#2, %while3A_240 = %while3A_162#3, %while3A_241 = %while3A_162#4, %while3A_242 = %while3A_162#5, %while3A_243 = %while3A_162#6, %while3A_244 = %while3A_162#7, %while3A_245 = %while3A_162#8, %while3A_246 = %while3A_162#9, %while3A_247 = %while3A_162#10, %while3A_248 = %while3A_162#11, %while3A_249 = %while3A_162#12, %while3A_250 = %while3A_162#13, %while3A_251 = %while3A_162#14, %while3A_252 = %while3A_162#15) -> (vector<16xf32>, vector<16xf32>, vector<16xf32>, vector<16xf32>, vector<16xf32>, vector<16xf32>, vector<16xf32>, vector<16xf32>, vector<16xi32>, vector<16xi32>, vector<16xi32>, vector<16xi32>, vector<16xi32>, vector<16xi32>, vector<16xi32>, vector<16xi32>)  : i32 {
        %dma_wait3A = arith.constant 0 : i32
        %dma_wait3A_253 = arith.constant 0 : i32
        %dma_wait3A_254 = tpu.memref_slice %arg8[%dma_wait3A, %dma_wait3A_253] : memref<256x128xf32, #tpu.memory_space<vmem>> -> memref<16x128xf32, #tpu.memory_space<vmem>>
        %dma_wait3A_255 = arith.constant 0 : i32
        %dma_wait3A_256 = arith.constant 0 : i32
        %dma_wait3A_257 = tpu.memref_slice %arg2[%dma_wait3A_255, %dma_wait3A_256] : memref<130816x128xf32, #tpu.memory_space<hbm>> -> memref<16x128xf32, #tpu.memory_space<hbm>>
        %dma_wait3A_258 = arith.constant 0 : i32
        %dma_wait3A_259 = arith.constant 0 : i32
        %dma_wait3A_260 = tpu.memref_slice %arg8[%dma_wait3A_258, %dma_wait3A_259] : memref<256x128xf32, #tpu.memory_space<vmem>> -> memref<16x128xf32, #tpu.memory_space<vmem>>
        %dma_wait3A_261 = arith.constant 0 : i32
        %dma_wait3A_262 = arith.constant 0 : i32
        %dma_wait3A_263 = tpu.memref_slice %arg2[%dma_wait3A_261, %dma_wait3A_262] : memref<130816x128xf32, #tpu.memory_space<hbm>> -> memref<16x128xf32, #tpu.memory_space<hbm>>
        tpu.wait_dma2 semaphore(%arg16 : memref<!tpu.dma_semaphore, #tpu.memory_space<semaphore_mem>>) src(%dma_wait3A_263 : memref<16x128xf32, #tpu.memory_space<hbm>>) dst(%dma_wait3A_260 : memref<16x128xf32, #tpu.memory_space<vmem>>)
        %mul3A_264 = arith.constant 16 : i32
        %mul3A_265 = arith.muli %while3A_236, %mul3A_264 : i32
        %add3A_266 = arith.addi %add3A_123, %mul3A_265 : i32
        %min3A_267 = arith.constant 130800 : i32
        %min3A_268 = arith.minsi %add3A_266, %min3A_267 : i32
        %max3A_269 = arith.constant 0 : i32
        %max3A_270 = arith.maxsi %min3A_268, %max3A_269 : i32
        %sub3A_271 = arith.subi %squeeze3A, %max3A_270 : i32
        %max3A_272 = arith.constant 0 : i32
        %max3A_273 = arith.maxsi %sub3A_271, %max3A_272 : i32
        %sub3A_274 = arith.subi %squeeze3A_85, %max3A_270 : i32
        %min3A_275 = arith.constant 16 : i32
        %min3A_276 = arith.minsi %sub3A_274, %min3A_275 : i32
        %sub3A_277 = arith.constant 1 : i32
        %sub3A_278 = arith.subi %min3A_276, %sub3A_277 : i32
        %mul3A_279 = arith.constant 16 : i32
        %mul3A_280 = arith.muli %while3A_236, %mul3A_279 : i32
        %scan3A_281 = arith.constant 0 : i32
        %scan3A_282 = arith.constant 16 : i32
        %scan3A_283 = arith.addi %scan3A_281, %scan3A_282 : i32
        %scan3A_284 = arith.constant 1 : i32
        %scan3A_285:16 = scf.for %scan3A_287 = %scan3A_281 to %scan3A_283 step %scan3A_284 iter_args(%scan3A_288 = %while3A_237, %scan3A_289 = %while3A_238, %scan3A_290 = %while3A_239, %scan3A_291 = %while3A_240, %scan3A_292 = %while3A_241, %scan3A_293 = %while3A_242, %scan3A_294 = %while3A_243, %scan3A_295 = %while3A_244, %scan3A_296 = %while3A_245, %scan3A_297 = %while3A_246, %scan3A_298 = %while3A_247, %scan3A_299 = %while3A_248, %scan3A_300 = %while3A_249, %scan3A_301 = %while3A_250, %scan3A_302 = %while3A_251, %scan3A_303 = %while3A_252) -> (vector<16xf32>, vector<16xf32>, vector<16xf32>, vector<16xf32>, vector<16xf32>, vector<16xf32>, vector<16xf32>, vector<16xf32>, vector<16xi32>, vector<16xi32>, vector<16xi32>, vector<16xi32>, vector<16xi32>, vector<16xi32>, vector<16xi32>, vector<16xi32>)  : i32 {
          %max3A_304 = arith.maxsi %max3A_273, %scan3A_287 : i32
          %min3A_305 = arith.minsi %sub3A_278, %max3A_304 : i32
          %add3A_306 = arith.addi %max3A_270, %min3A_305 : i32
          %sub3A_307 = arith.subi %add3A_306, %squeeze3A : i32
          %broadcast_in_dim3A_308 = vector.broadcast %sub3A_307 : i32 to vector<16xi32>
          %add3A_309 = arith.addi %mul3A_280, %min3A_305 : i32
          %get3A_310 = arith.index_cast %add3A_309 : i32 to index
          %get3A_311 = arith.constant 0 : index
          %get3A_312 = tpu.vector_load %arg8[%get3A_310, %get3A_311] {strides = array<i32>} : memref<256x128xf32, #tpu.memory_space<vmem>>, vector<16xf32>,
          %gt3A = arith.cmpf ogt, %get3A_312, %scan3A_288 : vector<16xf32>
          %select_n3A_313 = arith.select %gt3A, %broadcast_in_dim3A_308, %scan3A_296 : vector<16xi1>, vector<16xi32>
          %select_n3A_314 = arith.select %gt3A, %get3A_312, %scan3A_288 : vector<16xi1>, vector<16xf32>
          %add3A_315 = arith.addi %mul3A_280, %min3A_305 : i32
          %get3A_316 = arith.index_cast %add3A_315 : i32 to index
          %get3A_317 = arith.constant 16 : index
          %get3A_318 = tpu.vector_load %arg8[%get3A_316, %get3A_317] {strides = array<i32>} : memref<256x128xf32, #tpu.memory_space<vmem>>, vector<16xf32>,
          %gt3A_319 = arith.cmpf ogt, %get3A_318, %scan3A_289 : vector<16xf32>
          %select_n3A_320 = arith.select %gt3A_319, %broadcast_in_dim3A_308, %scan3A_297 : vector<16xi1>, vector<16xi32>
          %select_n3A_321 = arith.select %gt3A_319, %get3A_318, %scan3A_289 : vector<16xi1>, vector<16xf32>
          %add3A_322 = arith.addi %mul3A_280, %min3A_305 : i32
          %get3A_323 = arith.index_cast %add3A_322 : i32 to index
          %get3A_324 = arith.constant 32 : index
          %get3A_325 = tpu.vector_load %arg8[%get3A_323, %get3A_324] {strides = array<i32>} : memref<256x128xf32, #tpu.memory_space<vmem>>, vector<16xf32>,
          %gt3A_326 = arith.cmpf ogt, %get3A_325, %scan3A_290 : vector<16xf32>
          %select_n3A_327 = arith.select %gt3A_326, %broadcast_in_dim3A_308, %scan3A_298 : vector<16xi1>, vector<16xi32>
          %select_n3A_328 = arith.select %gt3A_326, %get3A_325, %scan3A_290 : vector<16xi1>, vector<16xf32>
          %add3A_329 = arith.addi %mul3A_280, %min3A_305 : i32
          %get3A_330 = arith.index_cast %add3A_329 : i32 to index
          %get3A_331 = arith.constant 48 : index
          %get3A_332 = tpu.vector_load %arg8[%get3A_330, %get3A_331] {strides = array<i32>} : memref<256x128xf32, #tpu.memory_space<vmem>>, vector<16xf32>,
          %gt3A_333 = arith.cmpf ogt, %get3A_332, %scan3A_291 : vector<16xf32>
          %select_n3A_334 = arith.select %gt3A_333, %broadcast_in_dim3A_308, %scan3A_299 : vector<16xi1>, vector<16xi32>
          %select_n3A_335 = arith.select %gt3A_333, %get3A_332, %scan3A_291 : vector<16xi1>, vector<16xf32>
          %add3A_336 = arith.addi %mul3A_280, %min3A_305 : i32
          %get3A_337 = arith.index_cast %add3A_336 : i32 to index
          %get3A_338 = arith.constant 64 : index
          %get3A_339 = tpu.vector_load %arg8[%get3A_337, %get3A_338] {strides = array<i32>} : memref<256x128xf32, #tpu.memory_space<vmem>>, vector<16xf32>,
          %gt3A_340 = arith.cmpf ogt, %get3A_339, %scan3A_292 : vector<16xf32>
          %select_n3A_341 = arith.select %gt3A_340, %broadcast_in_dim3A_308, %scan3A_300 : vector<16xi1>, vector<16xi32>
          %select_n3A_342 = arith.select %gt3A_340, %get3A_339, %scan3A_292 : vector<16xi1>, vector<16xf32>
          %add3A_343 = arith.addi %mul3A_280, %min3A_305 : i32
          %get3A_344 = arith.index_cast %add3A_343 : i32 to index
          %get3A_345 = arith.constant 80 : index
          %get3A_346 = tpu.vector_load %arg8[%get3A_344, %get3A_345] {strides = array<i32>} : memref<256x128xf32, #tpu.memory_space<vmem>>, vector<16xf32>,
          %gt3A_347 = arith.cmpf ogt, %get3A_346, %scan3A_293 : vector<16xf32>
          %select_n3A_348 = arith.select %gt3A_347, %broadcast_in_dim3A_308, %scan3A_301 : vector<16xi1>, vector<16xi32>
          %select_n3A_349 = arith.select %gt3A_347, %get3A_346, %scan3A_293 : vector<16xi1>, vector<16xf32>
          %add3A_350 = arith.addi %mul3A_280, %min3A_305 : i32
          %get3A_351 = arith.index_cast %add3A_350 : i32 to index
          %get3A_352 = arith.constant 96 : index
          %get3A_353 = tpu.vector_load %arg8[%get3A_351, %get3A_352] {strides = array<i32>} : memref<256x128xf32, #tpu.memory_space<vmem>>, vector<16xf32>,
          %gt3A_354 = arith.cmpf ogt, %get3A_353, %scan3A_294 : vector<16xf32>
          %select_n3A_355 = arith.select %gt3A_354, %broadcast_in_dim3A_308, %scan3A_302 : vector<16xi1>, vector<16xi32>
          %select_n3A_356 = arith.select %gt3A_354, %get3A_353, %scan3A_294 : vector<16xi1>, vector<16xf32>
          %add3A_357 = arith.addi %mul3A_280, %min3A_305 : i32
          %get3A_358 = arith.index_cast %add3A_357 : i32 to index
          %get3A_359 = arith.constant 112 : index
          %get3A_360 = tpu.vector_load %arg8[%get3A_358, %get3A_359] {strides = array<i32>} : memref<256x128xf32, #tpu.memory_space<vmem>>, vector<16xf32>,
          %gt3A_361 = arith.cmpf ogt, %get3A_360, %scan3A_295 : vector<16xf32>
          %select_n3A_362 = arith.select %gt3A_361, %broadcast_in_dim3A_308, %scan3A_303 : vector<16xi1>, vector<16xi32>
          %select_n3A_363 = arith.select %gt3A_361, %get3A_360, %scan3A_295 : vector<16xi1>, vector<16xf32>
          scf.yield %select_n3A_314, %select_n3A_321, %select_n3A_328, %select_n3A_335, %select_n3A_342, %select_n3A_349, %select_n3A_356, %select_n3A_363, %select_n3A_313, %select_n3A_320, %select_n3A_327, %select_n3A_334, %select_n3A_341, %select_n3A_348, %select_n3A_355, %select_n3A_362 : vector<16xf32>, vector<16xf32>, vector<16xf32>, vector<16xf32>, vector<16xf32>, vector<16xf32>, vector<16xf32>, vector<16xf32>, vector<16xi32>, vector<16xi32>, vector<16xi32>, vector<16xi32>, vector<16xi32>, vector<16xi32>, vector<16xi32>, vector<16xi32>
        }
        %scan3A_286 = arith.constant 16 : i32
        scf.yield %scan3A_285#0, %scan3A_285#1, %scan3A_285#2, %scan3A_285#3, %scan3A_285#4, %scan3A_285#5, %scan3A_285#6, %scan3A_285#7, %scan3A_285#8, %scan3A_285#9, %scan3A_285#10, %scan3A_285#11, %scan3A_285#12, %scan3A_285#13, %scan3A_285#14, %scan3A_285#15 : vector<16xf32>, vector<16xf32>, vector<16xf32>, vector<16xf32>, vector<16xf32>, vector<16xf32>, vector<16xf32>, vector<16xf32>, vector<16xi32>, vector<16xi32>, vector<16xi32>, vector<16xi32>, vector<16xi32>, vector<16xi32>, vector<16xi32>, vector<16xi32>
      }
      %add3A_165 = arith.constant 1 : i32
      %add3A_166 = arith.addi %while3A_81, %add3A_165 : i32
      %lt3A_167 = arith.cmpi slt, %add3A_166, %min3A_58 : i32
      %convert_element_type3A_168 = arith.extui %lt3A_167 : i1 to i32
      %cond3A_169 = arith.constant 0 : i32
      %cond3A_170 = arith.cmpi ne, %convert_element_type3A_168, %cond3A_169 : i32
      scf.if %cond3A_170 {
        %add3A_236 = arith.constant 1 : i32
        %add3A_237 = arith.addi %while3A_81, %add3A_236 : i32
        %get3A_238 = arith.index_cast %add3A_237 : i32 to index
        %get3A_239 = tpu.vector_load %arg10[%get3A_238] {strides = array<i32>} : memref<536xi32, #tpu.memory_space<vmem>>, vector<16xi32>,
        %slice3A_240 = vector.extract_strided_slice %get3A_239 {offsets = [0], sizes = [1], strides = [1]} : vector<16xi32> to vector<1xi32>
        %squeeze3A_241 = vector.extract %slice3A_240[0] : i32 from vector<1xi32>
        %slice3A_242 = vector.extract_strided_slice %get3A_239 {offsets = [1], sizes = [1], strides = [1]} : vector<16xi32> to vector<1xi32>
        %squeeze3A_243 = vector.extract %slice3A_242[0] : i32 from vector<1xi32>
        %sub3A_244 = arith.subi %squeeze3A_243, %squeeze3A_241 : i32
        %shift_right_arithmetic3A_245 = arith.constant 8 : i32
        %shift_right_arithmetic3A_246 = arith.shrsi %sub3A_244, %shift_right_arithmetic3A_245 : i32
        %gt3A = arith.constant 0 : i32
        %gt3A_247 = arith.cmpi sgt, %shift_right_arithmetic3A_246, %gt3A : i32
        %convert_element_type3A_248 = arith.extui %gt3A_247 : i1 to i32
        %cond3A_249 = arith.constant 0 : i32
        %cond3A_250 = arith.cmpi ne, %convert_element_type3A_248, %cond3A_249 : i32
        scf.if %cond3A_250 {
          %dma_start3A_271 = arith.constant 0 : i32
          %dma_start3A_272 = tpu.memref_slice %arg2[%squeeze3A_241, %dma_start3A_271] : memref<130816x128xf32, #tpu.memory_space<hbm>> -> memref<256x128xf32, #tpu.memory_space<hbm>>
          %dma_start3A_273 = arith.constant 0 : i32
          %dma_start3A_274 = tpu.memref_slice %arg2[%squeeze3A_241, %dma_start3A_273] : memref<130816x128xf32, #tpu.memory_space<hbm>> -> memref<256x128xf32, #tpu.memory_space<hbm>>
          tpu.enqueue_dma source(%dma_start3A_274 : memref<256x128xf32, #tpu.memory_space<hbm>>) target(%arg6 : memref<256x128xf32, #tpu.memory_space<vmem>>) target_semaphore(%arg14 : memref<!tpu.dma_semaphore, #tpu.memory_space<semaphore_mem>>)
        } else {
        }
        %mul3A_251 = arith.constant 256 : i32
        %mul3A_252 = arith.muli %shift_right_arithmetic3A_246, %mul3A_251 : i32
        %add3A_253 = arith.addi %squeeze3A_241, %mul3A_252 : i32
        %sub3A_254 = arith.subi %squeeze3A_243, %add3A_253 : i32
        %add3A_255 = arith.constant 15 : i32
        %add3A_256 = arith.addi %sub3A_254, %add3A_255 : i32
        %shift_right_arithmetic3A_257 = arith.constant 4 : i32
        %shift_right_arithmetic3A_258 = arith.shrsi %add3A_256, %shift_right_arithmetic3A_257 : i32
        %while3A_259 = arith.constant 0 : i32
        %while3A_260 = arith.constant 0 : i32
        %while3A_261 = arith.subi %shift_right_arithmetic3A_258, %while3A_259 : i32
        %while3A_262 = arith.addi %while3A_259, %while3A_261 : i32
        %while3A_263 = arith.constant 1 : i32
        %while3A_264 = arith.divsi %while3A_261, %while3A_263 : i32
        %while3A_265 = arith.muli %while3A_264, %while3A_263 : i32
        %while3A_266 = arith.addi %while3A_259, %while3A_265 : i32
        %while3A_267 = arith.constant 1 : i32
        %while3A_268 = scf.for %while3A_271 = %while3A_259 to %while3A_266 step %while3A_267 iter_args(%while3A_272 = %while3A_260) -> (i32)  : i32 {
          %mul3A_273 = arith.constant 16 : i32
          %mul3A_274 = arith.muli %while3A_271, %mul3A_273 : i32
          %add3A_275 = arith.addi %add3A_253, %mul3A_274 : i32
          %min3A_276 = arith.constant 130800 : i32
          %min3A_277 = arith.minsi %add3A_275, %min3A_276 : i32
          %max3A_278 = arith.constant 0 : i32
          %max3A_279 = arith.maxsi %min3A_277, %max3A_278 : i32
          %mul3A_280 = arith.constant 16 : i32
          %mul3A_281 = arith.muli %while3A_271, %mul3A_280 : i32
          %dma_start3A_282 = arith.constant 0 : i32
          %dma_start3A_283 = tpu.memref_slice %arg8[%mul3A_281, %dma_start3A_282] : memref<256x128xf32, #tpu.memory_space<vmem>> -> memref<16x128xf32, #tpu.memory_space<vmem>>
          %dma_start3A_284 = arith.constant 0 : i32
          %dma_start3A_285 = tpu.memref_slice %arg2[%max3A_279, %dma_start3A_284] : memref<130816x128xf32, #tpu.memory_space<hbm>> -> memref<16x128xf32, #tpu.memory_space<hbm>>
          %dma_start3A_286 = arith.constant 0 : i32
          %dma_start3A_287 = tpu.memref_slice %arg8[%mul3A_281, %dma_start3A_286] : memref<256x128xf32, #tpu.memory_space<vmem>> -> memref<16x128xf32, #tpu.memory_space<vmem>>
          %dma_start3A_288 = arith.constant 0 : i32
          %dma_start3A_289 = tpu.memref_slice %arg2[%max3A_279, %dma_start3A_288] : memref<130816x128xf32, #tpu.memory_space<hbm>> -> memref<16x128xf32, #tpu.memory_space<hbm>>
          tpu.enqueue_dma source(%dma_start3A_289 : memref<16x128xf32, #tpu.memory_space<hbm>>) target(%dma_start3A_287 : memref<16x128xf32, #tpu.memory_space<vmem>>) target_semaphore(%arg16 : memref<!tpu.dma_semaphore, #tpu.memory_space<semaphore_mem>>)
          %while3A_290 = arith.constant 0 : i32
          scf.yield %while3A_290 : i32
        }
        %while3A_269 = arith.constant 1 : i32
        %while3A_270 = scf.for %while3A_271 = %while3A_266 to %while3A_262 step %while3A_269 iter_args(%while3A_272 = %while3A_268) -> (i32)  : i32 {
          %mul3A_273 = arith.constant 16 : i32
          %mul3A_274 = arith.muli %while3A_271, %mul3A_273 : i32
          %add3A_275 = arith.addi %add3A_253, %mul3A_274 : i32
          %min3A_276 = arith.constant 130800 : i32
          %min3A_277 = arith.minsi %add3A_275, %min3A_276 : i32
          %max3A_278 = arith.constant 0 : i32
          %max3A_279 = arith.maxsi %min3A_277, %max3A_278 : i32
          %mul3A_280 = arith.constant 16 : i32
          %mul3A_281 = arith.muli %while3A_271, %mul3A_280 : i32
          %dma_start3A_282 = arith.constant 0 : i32
          %dma_start3A_283 = tpu.memref_slice %arg8[%mul3A_281, %dma_start3A_282] : memref<256x128xf32, #tpu.memory_space<vmem>> -> memref<16x128xf32, #tpu.memory_space<vmem>>
          %dma_start3A_284 = arith.constant 0 : i32
          %dma_start3A_285 = tpu.memref_slice %arg2[%max3A_279, %dma_start3A_284] : memref<130816x128xf32, #tpu.memory_space<hbm>> -> memref<16x128xf32, #tpu.memory_space<hbm>>
          %dma_start3A_286 = arith.constant 0 : i32
          %dma_start3A_287 = tpu.memref_slice %arg8[%mul3A_281, %dma_start3A_286] : memref<256x128xf32, #tpu.memory_space<vmem>> -> memref<16x128xf32, #tpu.memory_space<vmem>>
          %dma_start3A_288 = arith.constant 0 : i32
          %dma_start3A_289 = tpu.memref_slice %arg2[%max3A_279, %dma_start3A_288] : memref<130816x128xf32, #tpu.memory_space<hbm>> -> memref<16x128xf32, #tpu.memory_space<hbm>>
          tpu.enqueue_dma source(%dma_start3A_289 : memref<16x128xf32, #tpu.memory_space<hbm>>) target(%dma_start3A_287 : memref<16x128xf32, #tpu.memory_space<vmem>>) target_semaphore(%arg16 : memref<!tpu.dma_semaphore, #tpu.memory_space<semaphore_mem>>)
          %while3A_290 = arith.constant 0 : i32
          scf.yield %while3A_290 : i32
        }
      } else {
      }
      %sub3A_171 = arith.subi %while3A_81, %min3A_30 : i32
      %swap3A_172 = arith.index_cast %sub3A_171 : i32 to index
      %swap3A_173 = arith.constant 0 : index
      %swap3A_174 = tpu.vector_load %arg12[%swap3A_172, %swap3A_173] {strides = array<i32>} : memref<64x128xf32, #tpu.memory_space<vmem>>, vector<16xf32>,
      tpu.vector_store %arg12[%swap3A_172, %swap3A_173], %while3A_164#0 {strides = array<i32>} : memref<64x128xf32, #tpu.memory_space<vmem>>, vector<16xf32>,
      %swap3A_175 = arith.index_cast %sub3A_171 : i32 to index
      %swap3A_176 = arith.constant 0 : index
      %swap3A_177 = tpu.vector_load %arg13[%swap3A_175, %swap3A_176] {strides = array<i32>} : memref<64x128xi32, #tpu.memory_space<vmem>>, vector<16xi32>,
      tpu.vector_store %arg13[%swap3A_175, %swap3A_176], %while3A_164#8 {strides = array<i32>} : memref<64x128xi32, #tpu.memory_space<vmem>>, vector<16xi32>,
      %swap3A_178 = arith.index_cast %sub3A_171 : i32 to index
      %swap3A_179 = arith.constant 16 : index
      %swap3A_180 = tpu.vector_load %arg12[%swap3A_178, %swap3A_179] {strides = array<i32>} : memref<64x128xf32, #tpu.memory_space<vmem>>, vector<16xf32>,
      tpu.vector_store %arg12[%swap3A_178, %swap3A_179], %while3A_164#1 {strides = array<i32>} : memref<64x128xf32, #tpu.memory_space<vmem>>, vector<16xf32>,
      %swap3A_181 = arith.index_cast %sub3A_171 : i32 to index
      %swap3A_182 = arith.constant 16 : index
      %swap3A_183 = tpu.vector_load %arg13[%swap3A_181, %swap3A_182] {strides = array<i32>} : memref<64x128xi32, #tpu.memory_space<vmem>>, vector<16xi32>,
      tpu.vector_store %arg13[%swap3A_181, %swap3A_182], %while3A_164#9 {strides = array<i32>} : memref<64x128xi32, #tpu.memory_space<vmem>>, vector<16xi32>,
      %swap3A_184 = arith.index_cast %sub3A_171 : i32 to index
      %swap3A_185 = arith.constant 32 : index
      %swap3A_186 = tpu.vector_load %arg12[%swap3A_184, %swap3A_185] {strides = array<i32>} : memref<64x128xf32, #tpu.memory_space<vmem>>, vector<16xf32>,
      tpu.vector_store %arg12[%swap3A_184, %swap3A_185], %while3A_164#2 {strides = array<i32>} : memref<64x128xf32, #tpu.memory_space<vmem>>, vector<16xf32>,
      %swap3A_187 = arith.index_cast %sub3A_171 : i32 to index
      %swap3A_188 = arith.constant 32 : index
      %swap3A_189 = tpu.vector_load %arg13[%swap3A_187, %swap3A_188] {strides = array<i32>} : memref<64x128xi32, #tpu.memory_space<vmem>>, vector<16xi32>,
      tpu.vector_store %arg13[%swap3A_187, %swap3A_188], %while3A_164#10 {strides = array<i32>} : memref<64x128xi32, #tpu.memory_space<vmem>>, vector<16xi32>,
      %swap3A_190 = arith.index_cast %sub3A_171 : i32 to index
      %swap3A_191 = arith.constant 48 : index
      %swap3A_192 = tpu.vector_load %arg12[%swap3A_190, %swap3A_191] {strides = array<i32>} : memref<64x128xf32, #tpu.memory_space<vmem>>, vector<16xf32>,
      tpu.vector_store %arg12[%swap3A_190, %swap3A_191], %while3A_164#3 {strides = array<i32>} : memref<64x128xf32, #tpu.memory_space<vmem>>, vector<16xf32>,
      %swap3A_193 = arith.index_cast %sub3A_171 : i32 to index
      %swap3A_194 = arith.constant 48 : index
      %swap3A_195 = tpu.vector_load %arg13[%swap3A_193, %swap3A_194] {strides = array<i32>} : memref<64x128xi32, #tpu.memory_space<vmem>>, vector<16xi32>,
      tpu.vector_store %arg13[%swap3A_193, %swap3A_194], %while3A_164#11 {strides = array<i32>} : memref<64x128xi32, #tpu.memory_space<vmem>>, vector<16xi32>,
      %swap3A_196 = arith.index_cast %sub3A_171 : i32 to index
      %swap3A_197 = arith.constant 64 : index
      %swap3A_198 = tpu.vector_load %arg12[%swap3A_196, %swap3A_197] {strides = array<i32>} : memref<64x128xf32, #tpu.memory_space<vmem>>, vector<16xf32>,
      tpu.vector_store %arg12[%swap3A_196, %swap3A_197], %while3A_164#4 {strides = array<i32>} : memref<64x128xf32, #tpu.memory_space<vmem>>, vector<16xf32>,
      %swap3A_199 = arith.index_cast %sub3A_171 : i32 to index
      %swap3A_200 = arith.constant 64 : index
      %swap3A_201 = tpu.vector_load %arg13[%swap3A_199, %swap3A_200] {strides = array<i32>} : memref<64x128xi32, #tpu.memory_space<vmem>>, vector<16xi32>,
      tpu.vector_store %arg13[%swap3A_199, %swap3A_200], %while3A_164#12 {strides = array<i32>} : memref<64x128xi32, #tpu.memory_space<vmem>>, vector<16xi32>,
      %swap3A_202 = arith.index_cast %sub3A_171 : i32 to index
      %swap3A_203 = arith.constant 80 : index
      %swap3A_204 = tpu.vector_load %arg12[%swap3A_202, %swap3A_203] {strides = array<i32>} : memref<64x128xf32, #tpu.memory_space<vmem>>, vector<16xf32>,
      tpu.vector_store %arg12[%swap3A_202, %swap3A_203], %while3A_164#5 {strides = array<i32>} : memref<64x128xf32, #tpu.memory_space<vmem>>, vector<16xf32>,
      %swap3A_205 = arith.index_cast %sub3A_171 : i32 to index
      %swap3A_206 = arith.constant 80 : index
      %swap3A_207 = tpu.vector_load %arg13[%swap3A_205, %swap3A_206] {strides = array<i32>} : memref<64x128xi32, #tpu.memory_space<vmem>>, vector<16xi32>,
      tpu.vector_store %arg13[%swap3A_205, %swap3A_206], %while3A_164#13 {strides = array<i32>} : memref<64x128xi32, #tpu.memory_space<vmem>>, vector<16xi32>,
      %swap3A_208 = arith.index_cast %sub3A_171 : i32 to index
      %swap3A_209 = arith.constant 96 : index
      %swap3A_210 = tpu.vector_load %arg12[%swap3A_208, %swap3A_209] {strides = array<i32>} : memref<64x128xf32, #tpu.memory_space<vmem>>, vector<16xf32>,
      tpu.vector_store %arg12[%swap3A_208, %swap3A_209], %while3A_164#6 {strides = array<i32>} : memref<64x128xf32, #tpu.memory_space<vmem>>, vector<16xf32>,
      %swap3A_211 = arith.index_cast %sub3A_171 : i32 to index
      %swap3A_212 = arith.constant 96 : index
      %swap3A_213 = tpu.vector_load %arg13[%swap3A_211, %swap3A_212] {strides = array<i32>} : memref<64x128xi32, #tpu.memory_space<vmem>>, vector<16xi32>,
      tpu.vector_store %arg13[%swap3A_211, %swap3A_212], %while3A_164#14 {strides = array<i32>} : memref<64x128xi32, #tpu.memory_space<vmem>>, vector<16xi32>,
      %swap3A_214 = arith.index_cast %sub3A_171 : i32 to index
      %swap3A_215 = arith.constant 112 : index
      %swap3A_216 = tpu.vector_load %arg12[%swap3A_214, %swap3A_215] {strides = array<i32>} : memref<64x128xf32, #tpu.memory_space<vmem>>, vector<16xf32>,
      tpu.vector_store %arg12[%swap3A_214, %swap3A_215], %while3A_164#7 {strides = array<i32>} : memref<64x128xf32, #tpu.memory_space<vmem>>, vector<16xf32>,
      %swap3A_217 = arith.index_cast %sub3A_171 : i32 to index
      %swap3A_218 = arith.constant 112 : index
      %swap3A_219 = tpu.vector_load %arg13[%swap3A_217, %swap3A_218] {strides = array<i32>} : memref<64x128xi32, #tpu.memory_space<vmem>>, vector<16xi32>,
      tpu.vector_store %arg13[%swap3A_217, %swap3A_218], %while3A_164#15 {strides = array<i32>} : memref<64x128xi32, #tpu.memory_space<vmem>>, vector<16xi32>,
      %dma_start3A = arith.constant 0 : i32
      %dma_start3A_220 = tpu.memref_slice %arg12[%sub3A_171, %dma_start3A] : memref<64x128xf32, #tpu.memory_space<vmem>> -> memref<1x128xf32, #tpu.memory_space<vmem>>
      %dma_start3A_221 = arith.constant 0 : i32
      %dma_start3A_222 = tpu.memref_slice %arg4[%while3A_81, %dma_start3A_221] : memref<512x128xf32, #tpu.memory_space<hbm>> -> memref<1x128xf32, #tpu.memory_space<hbm>>
      %dma_start3A_223 = arith.constant 0 : i32
      %dma_start3A_224 = tpu.memref_slice %arg4[%while3A_81, %dma_start3A_223] : memref<512x128xf32, #tpu.memory_space<hbm>> -> memref<1x128xf32, #tpu.memory_space<hbm>>
      %dma_start3A_225 = arith.constant 0 : i32
      %dma_start3A_226 = tpu.memref_slice %arg12[%sub3A_171, %dma_start3A_225] : memref<64x128xf32, #tpu.memory_space<vmem>> -> memref<1x128xf32, #tpu.memory_space<vmem>>
      tpu.enqueue_dma source(%dma_start3A_226 : memref<1x128xf32, #tpu.memory_space<vmem>>) target(%dma_start3A_224 : memref<1x128xf32, #tpu.memory_space<hbm>>) target_semaphore(%arg17 : memref<!tpu.dma_semaphore, #tpu.memory_space<semaphore_mem>>)
      %dma_start3A_227 = arith.constant 0 : i32
      %dma_start3A_228 = tpu.memref_slice %arg13[%sub3A_171, %dma_start3A_227] : memref<64x128xi32, #tpu.memory_space<vmem>> -> memref<1x128xi32, #tpu.memory_space<vmem>>
      %dma_start3A_229 = arith.constant 0 : i32
      %dma_start3A_230 = tpu.memref_slice %arg5[%while3A_81, %dma_start3A_229] : memref<512x128xi32, #tpu.memory_space<hbm>> -> memref<1x128xi32, #tpu.memory_space<hbm>>
      %dma_start3A_231 = arith.constant 0 : i32
      %dma_start3A_232 = tpu.memref_slice %arg5[%while3A_81, %dma_start3A_231] : memref<512x128xi32, #tpu.memory_space<hbm>> -> memref<1x128xi32, #tpu.memory_space<hbm>>
      %dma_start3A_233 = arith.constant 0 : i32
      %dma_start3A_234 = tpu.memref_slice %arg13[%sub3A_171, %dma_start3A_233] : memref<64x128xi32, #tpu.memory_space<vmem>> -> memref<1x128xi32, #tpu.memory_space<vmem>>
      tpu.enqueue_dma source(%dma_start3A_234 : memref<1x128xi32, #tpu.memory_space<vmem>>) target(%dma_start3A_232 : memref<1x128xi32, #tpu.memory_space<hbm>>) target_semaphore(%arg18 : memref<!tpu.dma_semaphore, #tpu.memory_space<semaphore_mem>>)
      %while3A_235 = arith.constant 0 : i32
      scf.yield %while3A_235 : i32
    }
    %while3A_68 = arith.constant 1 : i32
    %while3A_69 = scf.for %while3A_81 = %while3A_65 to %while3A_61 step %while3A_68 iter_args(%while3A_82 = %while3A_67) -> (i32)  : i32 {
      %get3A = arith.index_cast %while3A_81 : i32 to index
      %get3A_83 = tpu.vector_load %arg10[%get3A] {strides = array<i32>} : memref<536xi32, #tpu.memory_space<vmem>>, vector<16xi32>,
      %slice3A = vector.extract_strided_slice %get3A_83 {offsets = [0], sizes = [1], strides = [1]} : vector<16xi32> to vector<1xi32>
      %squeeze3A = vector.extract %slice3A[0] : i32 from vector<1xi32>
      %slice3A_84 = vector.extract_strided_slice %get3A_83 {offsets = [1], sizes = [1], strides = [1]} : vector<16xi32> to vector<1xi32>
      %squeeze3A_85 = vector.extract %slice3A_84[0] : i32 from vector<1xi32>
      %sub3A_86 = arith.subi %squeeze3A_85, %squeeze3A : i32
      %broadcast_in_dim3A_87 = arith.constant 0xFF800000 : f32
      %broadcast_in_dim3A_88 = vector.broadcast %broadcast_in_dim3A_87 : f32 to vector<16xf32>
      %broadcast_in_dim3A_89 = arith.constant 0xFF800000 : f32
      %broadcast_in_dim3A_90 = vector.broadcast %broadcast_in_dim3A_89 : f32 to vector<16xf32>
      %broadcast_in_dim3A_91 = arith.constant 0xFF800000 : f32
      %broadcast_in_dim3A_92 = vector.broadcast %broadcast_in_dim3A_91 : f32 to vector<16xf32>
      %broadcast_in_dim3A_93 = arith.constant 0xFF800000 : f32
      %broadcast_in_dim3A_94 = vector.broadcast %broadcast_in_dim3A_93 : f32 to vector<16xf32>
      %broadcast_in_dim3A_95 = arith.constant 0xFF800000 : f32
      %broadcast_in_dim3A_96 = vector.broadcast %broadcast_in_dim3A_95 : f32 to vector<16xf32>
      %broadcast_in_dim3A_97 = arith.constant 0xFF800000 : f32
      %broadcast_in_dim3A_98 = vector.broadcast %broadcast_in_dim3A_97 : f32 to vector<16xf32>
      %broadcast_in_dim3A_99 = arith.constant 0xFF800000 : f32
      %broadcast_in_dim3A_100 = vector.broadcast %broadcast_in_dim3A_99 : f32 to vector<16xf32>
      %broadcast_in_dim3A_101 = arith.constant 0xFF800000 : f32
      %broadcast_in_dim3A_102 = vector.broadcast %broadcast_in_dim3A_101 : f32 to vector<16xf32>
      %broadcast_in_dim3A_103 = arith.constant 2147483647 : i32
      %broadcast_in_dim3A_104 = vector.broadcast %broadcast_in_dim3A_103 : i32 to vector<16xi32>
      %broadcast_in_dim3A_105 = arith.constant 2147483647 : i32
      %broadcast_in_dim3A_106 = vector.broadcast %broadcast_in_dim3A_105 : i32 to vector<16xi32>
      %broadcast_in_dim3A_107 = arith.constant 2147483647 : i32
      %broadcast_in_dim3A_108 = vector.broadcast %broadcast_in_dim3A_107 : i32 to vector<16xi32>
      %broadcast_in_dim3A_109 = arith.constant 2147483647 : i32
      %broadcast_in_dim3A_110 = vector.broadcast %broadcast_in_dim3A_109 : i32 to vector<16xi32>
      %broadcast_in_dim3A_111 = arith.constant 2147483647 : i32
      %broadcast_in_dim3A_112 = vector.broadcast %broadcast_in_dim3A_111 : i32 to vector<16xi32>
      %broadcast_in_dim3A_113 = arith.constant 2147483647 : i32
      %broadcast_in_dim3A_114 = vector.broadcast %broadcast_in_dim3A_113 : i32 to vector<16xi32>
      %broadcast_in_dim3A_115 = arith.constant 2147483647 : i32
      %broadcast_in_dim3A_116 = vector.broadcast %broadcast_in_dim3A_115 : i32 to vector<16xi32>
      %broadcast_in_dim3A_117 = arith.constant 2147483647 : i32
      %broadcast_in_dim3A_118 = vector.broadcast %broadcast_in_dim3A_117 : i32 to vector<16xi32>
      %shift_right_arithmetic3A_119 = arith.constant 8 : i32
      %shift_right_arithmetic3A_120 = arith.shrsi %sub3A_86, %shift_right_arithmetic3A_119 : i32
      %mul3A_121 = arith.constant 256 : i32
      %mul3A_122 = arith.muli %shift_right_arithmetic3A_120, %mul3A_121 : i32
      %add3A_123 = arith.addi %squeeze3A, %mul3A_122 : i32
      %sub3A_124 = arith.subi %squeeze3A_85, %add3A_123 : i32
      %add3A_125 = arith.constant 15 : i32
      %add3A_126 = arith.addi %sub3A_124, %add3A_125 : i32
      %shift_right_arithmetic3A_127 = arith.constant 4 : i32
      %shift_right_arithmetic3A_128 = arith.shrsi %add3A_126, %shift_right_arithmetic3A_127 : i32
      %shift_right_arithmetic3A_129 = arith.constant 1 : i32
      %shift_right_arithmetic3A_130 = arith.shrsi %shift_right_arithmetic3A_120, %shift_right_arithmetic3A_129 : i32
      %while3A_131 = arith.constant 0 : i32
      %while3A_132 = arith.subi %shift_right_arithmetic3A_130, %while3A_131 : i32
      %while3A_133 = arith.addi %while3A_131, %while3A_132 : i32
      %while3A_134 = arith.constant 1 : i32
      %while3A_135 = arith.divsi %while3A_132, %while3A_134 : i32
      %while3A_136 = arith.muli %while3A_135, %while3A_134 : i32
      %while3A_137 = arith.addi %while3A_131, %while3A_136 : i32
      %while3A_138 = arith.constant 1 : i32
      %while3A_139:16 = scf.for %while3A_236 = %while3A_131 to %while3A_137 step %while3A_138 iter_args(%while3A_237 = %broadcast_in_dim3A_88, %while3A_238 = %broadcast_in_dim3A_90, %while3A_239 = %broadcast_in_dim3A_92, %while3A_240 = %broadcast_in_dim3A_94, %while3A_241 = %broadcast_in_dim3A_96, %while3A_242 = %broadcast_in_dim3A_98, %while3A_243 = %broadcast_in_dim3A_100, %while3A_244 = %broadcast_in_dim3A_102, %while3A_245 = %broadcast_in_dim3A_104, %while3A_246 = %broadcast_in_dim3A_106, %while3A_247 = %broadcast_in_dim3A_108, %while3A_248 = %broadcast_in_dim3A_110, %while3A_249 = %broadcast_in_dim3A_112, %while3A_250 = %broadcast_in_dim3A_114, %while3A_251 = %broadcast_in_dim3A_116, %while3A_252 = %broadcast_in_dim3A_118) -> (vector<16xf32>, vector<16xf32>, vector<16xf32>, vector<16xf32>, vector<16xf32>, vector<16xf32>, vector<16xf32>, vector<16xf32>, vector<16xi32>, vector<16xi32>, vector<16xi32>, vector<16xi32>, vector<16xi32>, vector<16xi32>, vector<16xi32>, vector<16xi32>)  : i32 {
        %mul3A_253 = arith.constant 2 : i32
        %mul3A_254 = arith.muli %mul3A_253, %while3A_236 : i32
        %add3A_255 = arith.constant 1 : i32
        %add3A_256 = arith.addi %mul3A_254, %add3A_255 : i32
        %lt3A_257 = arith.cmpi slt, %add3A_256, %shift_right_arithmetic3A_120 : i32
        %convert_element_type3A_258 = arith.extui %lt3A_257 : i1 to i32
        %cond3A_259 = arith.constant 0 : i32
        %cond3A_260 = arith.cmpi ne, %convert_element_type3A_258, %cond3A_259 : i32
        scf.if %cond3A_260 {
          %add3A_296 = arith.constant 1 : i32
          %add3A_297 = arith.addi %mul3A_254, %add3A_296 : i32
          %mul3A_298 = arith.constant 256 : i32
          %mul3A_299 = arith.muli %add3A_297, %mul3A_298 : i32
          %add3A_300 = arith.addi %squeeze3A, %mul3A_299 : i32
          %dma_start3A_301 = arith.constant 0 : i32
          %dma_start3A_302 = tpu.memref_slice %arg2[%add3A_300, %dma_start3A_301] : memref<130816x128xf32, #tpu.memory_space<hbm>> -> memref<256x128xf32, #tpu.memory_space<hbm>>
          %dma_start3A_303 = arith.constant 0 : i32
          %dma_start3A_304 = tpu.memref_slice %arg2[%add3A_300, %dma_start3A_303] : memref<130816x128xf32, #tpu.memory_space<hbm>> -> memref<256x128xf32, #tpu.memory_space<hbm>>
          tpu.enqueue_dma source(%dma_start3A_304 : memref<256x128xf32, #tpu.memory_space<hbm>>) target(%arg7 : memref<256x128xf32, #tpu.memory_space<vmem>>) target_semaphore(%arg15 : memref<!tpu.dma_semaphore, #tpu.memory_space<semaphore_mem>>)
        } else {
        }
        %dma_wait3A = arith.constant 0 : i32
        %dma_wait3A_261 = arith.constant 0 : i32
        %dma_wait3A_262 = tpu.memref_slice %arg2[%dma_wait3A, %dma_wait3A_261] : memref<130816x128xf32, #tpu.memory_space<hbm>> -> memref<256x128xf32, #tpu.memory_space<hbm>>
        %dma_wait3A_263 = arith.constant 0 : i32
        %dma_wait3A_264 = arith.constant 0 : i32
        %dma_wait3A_265 = tpu.memref_slice %arg2[%dma_wait3A_263, %dma_wait3A_264] : memref<130816x128xf32, #tpu.memory_space<hbm>> -> memref<256x128xf32, #tpu.memory_space<hbm>>
        tpu.wait_dma2 semaphore(%arg14 : memref<!tpu.dma_semaphore, #tpu.memory_space<semaphore_mem>>) src(%dma_wait3A_265 : memref<256x128xf32, #tpu.memory_space<hbm>>) dst(%arg6 : memref<256x128xf32, #tpu.memory_space<vmem>>)
        %mul3A_266 = arith.constant 256 : i32
        %mul3A_267 = arith.muli %mul3A_254, %mul3A_266 : i32
        %scan3A_268 = arith.constant 0 : i32
        %scan3A_269 = arith.constant 256 : i32
        %scan3A_270 = arith.addi %scan3A_268, %scan3A_269 : i32
        %scan3A_271 = arith.constant 1 : i32
        %scan3A_272:16 = scf.for %scan3A_296 = %scan3A_268 to %scan3A_270 step %scan3A_271 iter_args(%scan3A_297 = %while3A_237, %scan3A_298 = %while3A_238, %scan3A_299 = %while3A_239, %scan3A_300 = %while3A_240, %scan3A_301 = %while3A_241, %scan3A_302 = %while3A_242, %scan3A_303 = %while3A_243, %scan3A_304 = %while3A_244, %scan3A_305 = %while3A_245, %scan3A_306 = %while3A_246, %scan3A_307 = %while3A_247, %scan3A_308 = %while3A_248, %scan3A_309 = %while3A_249, %scan3A_310 = %while3A_250, %scan3A_311 = %while3A_251, %scan3A_312 = %while3A_252) -> (vector<16xf32>, vector<16xf32>, vector<16xf32>, vector<16xf32>, vector<16xf32>, vector<16xf32>, vector<16xf32>, vector<16xf32>, vector<16xi32>, vector<16xi32>, vector<16xi32>, vector<16xi32>, vector<16xi32>, vector<16xi32>, vector<16xi32>, vector<16xi32>)  : i32 {
          %add3A_313 = arith.addi %mul3A_267, %scan3A_296 : i32
          %broadcast_in_dim3A_314 = vector.broadcast %add3A_313 : i32 to vector<16xi32>
          %get3A_315 = arith.index_cast %scan3A_296 : i32 to index
          %get3A_316 = arith.constant 0 : index
          %get3A_317 = tpu.vector_load %arg6[%get3A_315, %get3A_316] {strides = array<i32>} : memref<256x128xf32, #tpu.memory_space<vmem>>, vector<16xf32>,
          %gt3A = arith.cmpf ogt, %get3A_317, %scan3A_297 : vector<16xf32>
          %select_n3A_318 = arith.select %gt3A, %broadcast_in_dim3A_314, %scan3A_305 : vector<16xi1>, vector<16xi32>
          %select_n3A_319 = arith.select %gt3A, %get3A_317, %scan3A_297 : vector<16xi1>, vector<16xf32>
          %get3A_320 = arith.index_cast %scan3A_296 : i32 to index
          %get3A_321 = arith.constant 16 : index
          %get3A_322 = tpu.vector_load %arg6[%get3A_320, %get3A_321] {strides = array<i32>} : memref<256x128xf32, #tpu.memory_space<vmem>>, vector<16xf32>,
          %gt3A_323 = arith.cmpf ogt, %get3A_322, %scan3A_298 : vector<16xf32>
          %select_n3A_324 = arith.select %gt3A_323, %broadcast_in_dim3A_314, %scan3A_306 : vector<16xi1>, vector<16xi32>
          %select_n3A_325 = arith.select %gt3A_323, %get3A_322, %scan3A_298 : vector<16xi1>, vector<16xf32>
          %get3A_326 = arith.index_cast %scan3A_296 : i32 to index
          %get3A_327 = arith.constant 32 : index
          %get3A_328 = tpu.vector_load %arg6[%get3A_326, %get3A_327] {strides = array<i32>} : memref<256x128xf32, #tpu.memory_space<vmem>>, vector<16xf32>,
          %gt3A_329 = arith.cmpf ogt, %get3A_328, %scan3A_299 : vector<16xf32>
          %select_n3A_330 = arith.select %gt3A_329, %broadcast_in_dim3A_314, %scan3A_307 : vector<16xi1>, vector<16xi32>
          %select_n3A_331 = arith.select %gt3A_329, %get3A_328, %scan3A_299 : vector<16xi1>, vector<16xf32>
          %get3A_332 = arith.index_cast %scan3A_296 : i32 to index
          %get3A_333 = arith.constant 48 : index
          %get3A_334 = tpu.vector_load %arg6[%get3A_332, %get3A_333] {strides = array<i32>} : memref<256x128xf32, #tpu.memory_space<vmem>>, vector<16xf32>,
          %gt3A_335 = arith.cmpf ogt, %get3A_334, %scan3A_300 : vector<16xf32>
          %select_n3A_336 = arith.select %gt3A_335, %broadcast_in_dim3A_314, %scan3A_308 : vector<16xi1>, vector<16xi32>
          %select_n3A_337 = arith.select %gt3A_335, %get3A_334, %scan3A_300 : vector<16xi1>, vector<16xf32>
          %get3A_338 = arith.index_cast %scan3A_296 : i32 to index
          %get3A_339 = arith.constant 64 : index
          %get3A_340 = tpu.vector_load %arg6[%get3A_338, %get3A_339] {strides = array<i32>} : memref<256x128xf32, #tpu.memory_space<vmem>>, vector<16xf32>,
          %gt3A_341 = arith.cmpf ogt, %get3A_340, %scan3A_301 : vector<16xf32>
          %select_n3A_342 = arith.select %gt3A_341, %broadcast_in_dim3A_314, %scan3A_309 : vector<16xi1>, vector<16xi32>
          %select_n3A_343 = arith.select %gt3A_341, %get3A_340, %scan3A_301 : vector<16xi1>, vector<16xf32>
          %get3A_344 = arith.index_cast %scan3A_296 : i32 to index
          %get3A_345 = arith.constant 80 : index
          %get3A_346 = tpu.vector_load %arg6[%get3A_344, %get3A_345] {strides = array<i32>} : memref<256x128xf32, #tpu.memory_space<vmem>>, vector<16xf32>,
          %gt3A_347 = arith.cmpf ogt, %get3A_346, %scan3A_302 : vector<16xf32>
          %select_n3A_348 = arith.select %gt3A_347, %broadcast_in_dim3A_314, %scan3A_310 : vector<16xi1>, vector<16xi32>
          %select_n3A_349 = arith.select %gt3A_347, %get3A_346, %scan3A_302 : vector<16xi1>, vector<16xf32>
          %get3A_350 = arith.index_cast %scan3A_296 : i32 to index
          %get3A_351 = arith.constant 96 : index
          %get3A_352 = tpu.vector_load %arg6[%get3A_350, %get3A_351] {strides = array<i32>} : memref<256x128xf32, #tpu.memory_space<vmem>>, vector<16xf32>,
          %gt3A_353 = arith.cmpf ogt, %get3A_352, %scan3A_303 : vector<16xf32>
          %select_n3A_354 = arith.select %gt3A_353, %broadcast_in_dim3A_314, %scan3A_311 : vector<16xi1>, vector<16xi32>
          %select_n3A_355 = arith.select %gt3A_353, %get3A_352, %scan3A_303 : vector<16xi1>, vector<16xf32>
          %get3A_356 = arith.index_cast %scan3A_296 : i32 to index
          %get3A_357 = arith.constant 112 : index
          %get3A_358 = tpu.vector_load %arg6[%get3A_356, %get3A_357] {strides = array<i32>} : memref<256x128xf32, #tpu.memory_space<vmem>>, vector<16xf32>,
          %gt3A_359 = arith.cmpf ogt, %get3A_358, %scan3A_304 : vector<16xf32>
          %select_n3A_360 = arith.select %gt3A_359, %broadcast_in_dim3A_314, %scan3A_312 : vector<16xi1>, vector<16xi32>
          %select_n3A_361 = arith.select %gt3A_359, %get3A_358, %scan3A_304 : vector<16xi1>, vector<16xf32>
          scf.yield %select_n3A_319, %select_n3A_325, %select_n3A_331, %select_n3A_337, %select_n3A_343, %select_n3A_349, %select_n3A_355, %select_n3A_361, %select_n3A_318, %select_n3A_324, %select_n3A_330, %select_n3A_336, %select_n3A_342, %select_n3A_348, %select_n3A_354, %select_n3A_360 : vector<16xf32>, vector<16xf32>, vector<16xf32>, vector<16xf32>, vector<16xf32>, vector<16xf32>, vector<16xf32>, vector<16xf32>, vector<16xi32>, vector<16xi32>, vector<16xi32>, vector<16xi32>, vector<16xi32>, vector<16xi32>, vector<16xi32>, vector<16xi32>
        }
        %scan3A_273 = arith.constant 256 : i32
        %add3A_274 = arith.constant 1 : i32
        %add3A_275 = arith.addi %mul3A_254, %add3A_274 : i32
        %add3A_276 = arith.constant 1 : i32
        %add3A_277 = arith.addi %add3A_275, %add3A_276 : i32
        %lt3A_278 = arith.cmpi slt, %add3A_277, %shift_right_arithmetic3A_120 : i32
        %convert_element_type3A_279 = arith.extui %lt3A_278 : i1 to i32
        %cond3A_280 = arith.constant 0 : i32
        %cond3A_281 = arith.cmpi ne, %convert_element_type3A_279, %cond3A_280 : i32
        scf.if %cond3A_281 {
          %add3A_296 = arith.constant 1 : i32
          %add3A_297 = arith.addi %add3A_275, %add3A_296 : i32
          %mul3A_298 = arith.constant 256 : i32
          %mul3A_299 = arith.muli %add3A_297, %mul3A_298 : i32
          %add3A_300 = arith.addi %squeeze3A, %mul3A_299 : i32
          %dma_start3A_301 = arith.constant 0 : i32
          %dma_start3A_302 = tpu.memref_slice %arg2[%add3A_300, %dma_start3A_301] : memref<130816x128xf32, #tpu.memory_space<hbm>> -> memref<256x128xf32, #tpu.memory_space<hbm>>
          %dma_start3A_303 = arith.constant 0 : i32
          %dma_start3A_304 = tpu.memref_slice %arg2[%add3A_300, %dma_start3A_303] : memref<130816x128xf32, #tpu.memory_space<hbm>> -> memref<256x128xf32, #tpu.memory_space<hbm>>
          tpu.enqueue_dma source(%dma_start3A_304 : memref<256x128xf32, #tpu.memory_space<hbm>>) target(%arg6 : memref<256x128xf32, #tpu.memory_space<vmem>>) target_semaphore(%arg14 : memref<!tpu.dma_semaphore, #tpu.memory_space<semaphore_mem>>)
        } else {
        }
        %dma_wait3A_282 = arith.constant 0 : i32
        %dma_wait3A_283 = arith.constant 0 : i32
        %dma_wait3A_284 = tpu.memref_slice %arg2[%dma_wait3A_282, %dma_wait3A_283] : memref<130816x128xf32, #tpu.memory_space<hbm>> -> memref<256x128xf32, #tpu.memory_space<hbm>>
        %dma_wait3A_285 = arith.constant 0 : i32
        %dma_wait3A_286 = arith.constant 0 : i32
        %dma_wait3A_287 = tpu.memref_slice %arg2[%dma_wait3A_285, %dma_wait3A_286] : memref<130816x128xf32, #tpu.memory_space<hbm>> -> memref<256x128xf32, #tpu.memory_space<hbm>>
        tpu.wait_dma2 semaphore(%arg15 : memref<!tpu.dma_semaphore, #tpu.memory_space<semaphore_mem>>) src(%dma_wait3A_287 : memref<256x128xf32, #tpu.memory_space<hbm>>) dst(%arg7 : memref<256x128xf32, #tpu.memory_space<vmem>>)
        %mul3A_288 = arith.constant 256 : i32
        %mul3A_289 = arith.muli %add3A_275, %mul3A_288 : i32
        %scan3A_290 = arith.constant 0 : i32
        %scan3A_291 = arith.constant 256 : i32
        %scan3A_292 = arith.addi %scan3A_290, %scan3A_291 : i32
        %scan3A_293 = arith.constant 1 : i32
        %scan3A_294:16 = scf.for %scan3A_296 = %scan3A_290 to %scan3A_292 step %scan3A_293 iter_args(%scan3A_297 = %scan3A_272#0, %scan3A_298 = %scan3A_272#1, %scan3A_299 = %scan3A_272#2, %scan3A_300 = %scan3A_272#3, %scan3A_301 = %scan3A_272#4, %scan3A_302 = %scan3A_272#5, %scan3A_303 = %scan3A_272#6, %scan3A_304 = %scan3A_272#7, %scan3A_305 = %scan3A_272#8, %scan3A_306 = %scan3A_272#9, %scan3A_307 = %scan3A_272#10, %scan3A_308 = %scan3A_272#11, %scan3A_309 = %scan3A_272#12, %scan3A_310 = %scan3A_272#13, %scan3A_311 = %scan3A_272#14, %scan3A_312 = %scan3A_272#15) -> (vector<16xf32>, vector<16xf32>, vector<16xf32>, vector<16xf32>, vector<16xf32>, vector<16xf32>, vector<16xf32>, vector<16xf32>, vector<16xi32>, vector<16xi32>, vector<16xi32>, vector<16xi32>, vector<16xi32>, vector<16xi32>, vector<16xi32>, vector<16xi32>)  : i32 {
          %add3A_313 = arith.addi %mul3A_289, %scan3A_296 : i32
          %broadcast_in_dim3A_314 = vector.broadcast %add3A_313 : i32 to vector<16xi32>
          %get3A_315 = arith.index_cast %scan3A_296 : i32 to index
          %get3A_316 = arith.constant 0 : index
          %get3A_317 = tpu.vector_load %arg7[%get3A_315, %get3A_316] {strides = array<i32>} : memref<256x128xf32, #tpu.memory_space<vmem>>, vector<16xf32>,
          %gt3A = arith.cmpf ogt, %get3A_317, %scan3A_297 : vector<16xf32>
          %select_n3A_318 = arith.select %gt3A, %broadcast_in_dim3A_314, %scan3A_305 : vector<16xi1>, vector<16xi32>
          %select_n3A_319 = arith.select %gt3A, %get3A_317, %scan3A_297 : vector<16xi1>, vector<16xf32>
          %get3A_320 = arith.index_cast %scan3A_296 : i32 to index
          %get3A_321 = arith.constant 16 : index
          %get3A_322 = tpu.vector_load %arg7[%get3A_320, %get3A_321] {strides = array<i32>} : memref<256x128xf32, #tpu.memory_space<vmem>>, vector<16xf32>,
          %gt3A_323 = arith.cmpf ogt, %get3A_322, %scan3A_298 : vector<16xf32>
          %select_n3A_324 = arith.select %gt3A_323, %broadcast_in_dim3A_314, %scan3A_306 : vector<16xi1>, vector<16xi32>
          %select_n3A_325 = arith.select %gt3A_323, %get3A_322, %scan3A_298 : vector<16xi1>, vector<16xf32>
          %get3A_326 = arith.index_cast %scan3A_296 : i32 to index
          %get3A_327 = arith.constant 32 : index
          %get3A_328 = tpu.vector_load %arg7[%get3A_326, %get3A_327] {strides = array<i32>} : memref<256x128xf32, #tpu.memory_space<vmem>>, vector<16xf32>,
          %gt3A_329 = arith.cmpf ogt, %get3A_328, %scan3A_299 : vector<16xf32>
          %select_n3A_330 = arith.select %gt3A_329, %broadcast_in_dim3A_314, %scan3A_307 : vector<16xi1>, vector<16xi32>
          %select_n3A_331 = arith.select %gt3A_329, %get3A_328, %scan3A_299 : vector<16xi1>, vector<16xf32>
          %get3A_332 = arith.index_cast %scan3A_296 : i32 to index
          %get3A_333 = arith.constant 48 : index
          %get3A_334 = tpu.vector_load %arg7[%get3A_332, %get3A_333] {strides = array<i32>} : memref<256x128xf32, #tpu.memory_space<vmem>>, vector<16xf32>,
          %gt3A_335 = arith.cmpf ogt, %get3A_334, %scan3A_300 : vector<16xf32>
          %select_n3A_336 = arith.select %gt3A_335, %broadcast_in_dim3A_314, %scan3A_308 : vector<16xi1>, vector<16xi32>
          %select_n3A_337 = arith.select %gt3A_335, %get3A_334, %scan3A_300 : vector<16xi1>, vector<16xf32>
          %get3A_338 = arith.index_cast %scan3A_296 : i32 to index
          %get3A_339 = arith.constant 64 : index
          %get3A_340 = tpu.vector_load %arg7[%get3A_338, %get3A_339] {strides = array<i32>} : memref<256x128xf32, #tpu.memory_space<vmem>>, vector<16xf32>,
          %gt3A_341 = arith.cmpf ogt, %get3A_340, %scan3A_301 : vector<16xf32>
          %select_n3A_342 = arith.select %gt3A_341, %broadcast_in_dim3A_314, %scan3A_309 : vector<16xi1>, vector<16xi32>
          %select_n3A_343 = arith.select %gt3A_341, %get3A_340, %scan3A_301 : vector<16xi1>, vector<16xf32>
          %get3A_344 = arith.index_cast %scan3A_296 : i32 to index
          %get3A_345 = arith.constant 80 : index
          %get3A_346 = tpu.vector_load %arg7[%get3A_344, %get3A_345] {strides = array<i32>} : memref<256x128xf32, #tpu.memory_space<vmem>>, vector<16xf32>,
          %gt3A_347 = arith.cmpf ogt, %get3A_346, %scan3A_302 : vector<16xf32>
          %select_n3A_348 = arith.select %gt3A_347, %broadcast_in_dim3A_314, %scan3A_310 : vector<16xi1>, vector<16xi32>
          %select_n3A_349 = arith.select %gt3A_347, %get3A_346, %scan3A_302 : vector<16xi1>, vector<16xf32>
          %get3A_350 = arith.index_cast %scan3A_296 : i32 to index
          %get3A_351 = arith.constant 96 : index
          %get3A_352 = tpu.vector_load %arg7[%get3A_350, %get3A_351] {strides = array<i32>} : memref<256x128xf32, #tpu.memory_space<vmem>>, vector<16xf32>,
          %gt3A_353 = arith.cmpf ogt, %get3A_352, %scan3A_303 : vector<16xf32>
          %select_n3A_354 = arith.select %gt3A_353, %broadcast_in_dim3A_314, %scan3A_311 : vector<16xi1>, vector<16xi32>
          %select_n3A_355 = arith.select %gt3A_353, %get3A_352, %scan3A_303 : vector<16xi1>, vector<16xf32>
          %get3A_356 = arith.index_cast %scan3A_296 : i32 to index
          %get3A_357 = arith.constant 112 : index
          %get3A_358 = tpu.vector_load %arg7[%get3A_356, %get3A_357] {strides = array<i32>} : memref<256x128xf32, #tpu.memory_space<vmem>>, vector<16xf32>,
          %gt3A_359 = arith.cmpf ogt, %get3A_358, %scan3A_304 : vector<16xf32>
          %select_n3A_360 = arith.select %gt3A_359, %broadcast_in_dim3A_314, %scan3A_312 : vector<16xi1>, vector<16xi32>
          %select_n3A_361 = arith.select %gt3A_359, %get3A_358, %scan3A_304 : vector<16xi1>, vector<16xf32>
          scf.yield %select_n3A_319, %select_n3A_325, %select_n3A_331, %select_n3A_337, %select_n3A_343, %select_n3A_349, %select_n3A_355, %select_n3A_361, %select_n3A_318, %select_n3A_324, %select_n3A_330, %select_n3A_336, %select_n3A_342, %select_n3A_348, %select_n3A_354, %select_n3A_360 : vector<16xf32>, vector<16xf32>, vector<16xf32>, vector<16xf32>, vector<16xf32>, vector<16xf32>, vector<16xf32>, vector<16xf32>, vector<16xi32>, vector<16xi32>, vector<16xi32>, vector<16xi32>, vector<16xi32>, vector<16xi32>, vector<16xi32>, vector<16xi32>
        }
        %scan3A_295 = arith.constant 256 : i32
        scf.yield %scan3A_294#0, %scan3A_294#1, %scan3A_294#2, %scan3A_294#3, %scan3A_294#4, %scan3A_294#5, %scan3A_294#6, %scan3A_294#7, %scan3A_294#8, %scan3A_294#9, %scan3A_294#10, %scan3A_294#11, %scan3A_294#12, %scan3A_294#13, %scan3A_294#14, %scan3A_294#15 : vector<16xf32>, vector<16xf32>, vector<16xf32>, vector<16xf32>, vector<16xf32>, vector<16xf32>, vector<16xf32>, vector<16xf32>, vector<16xi32>, vector<16xi32>, vector<16xi32>, vector<16xi32>, vector<16xi32>, vector<16xi32>, vector<16xi32>, vector<16xi32>
      }
      %while3A_140 = arith.constant 1 : i32
      %while3A_141:16 = scf.for %while3A_236 = %while3A_137 to %while3A_133 step %while3A_140 iter_args(%while3A_237 = %while3A_139#0, %while3A_238 = %while3A_139#1, %while3A_239 = %while3A_139#2, %while3A_240 = %while3A_139#3, %while3A_241 = %while3A_139#4, %while3A_242 = %while3A_139#5, %while3A_243 = %while3A_139#6, %while3A_244 = %while3A_139#7, %while3A_245 = %while3A_139#8, %while3A_246 = %while3A_139#9, %while3A_247 = %while3A_139#10, %while3A_248 = %while3A_139#11, %while3A_249 = %while3A_139#12, %while3A_250 = %while3A_139#13, %while3A_251 = %while3A_139#14, %while3A_252 = %while3A_139#15) -> (vector<16xf32>, vector<16xf32>, vector<16xf32>, vector<16xf32>, vector<16xf32>, vector<16xf32>, vector<16xf32>, vector<16xf32>, vector<16xi32>, vector<16xi32>, vector<16xi32>, vector<16xi32>, vector<16xi32>, vector<16xi32>, vector<16xi32>, vector<16xi32>)  : i32 {
        %mul3A_253 = arith.constant 2 : i32
        %mul3A_254 = arith.muli %mul3A_253, %while3A_236 : i32
        %add3A_255 = arith.constant 1 : i32
        %add3A_256 = arith.addi %mul3A_254, %add3A_255 : i32
        %lt3A_257 = arith.cmpi slt, %add3A_256, %shift_right_arithmetic3A_120 : i32
        %convert_element_type3A_258 = arith.extui %lt3A_257 : i1 to i32
        %cond3A_259 = arith.constant 0 : i32
        %cond3A_260 = arith.cmpi ne, %convert_element_type3A_258, %cond3A_259 : i32
        scf.if %cond3A_260 {
          %add3A_296 = arith.constant 1 : i32
          %add3A_297 = arith.addi %mul3A_254, %add3A_296 : i32
          %mul3A_298 = arith.constant 256 : i32
          %mul3A_299 = arith.muli %add3A_297, %mul3A_298 : i32
          %add3A_300 = arith.addi %squeeze3A, %mul3A_299 : i32
          %dma_start3A_301 = arith.constant 0 : i32
          %dma_start3A_302 = tpu.memref_slice %arg2[%add3A_300, %dma_start3A_301] : memref<130816x128xf32, #tpu.memory_space<hbm>> -> memref<256x128xf32, #tpu.memory_space<hbm>>
          %dma_start3A_303 = arith.constant 0 : i32
          %dma_start3A_304 = tpu.memref_slice %arg2[%add3A_300, %dma_start3A_303] : memref<130816x128xf32, #tpu.memory_space<hbm>> -> memref<256x128xf32, #tpu.memory_space<hbm>>
          tpu.enqueue_dma source(%dma_start3A_304 : memref<256x128xf32, #tpu.memory_space<hbm>>) target(%arg7 : memref<256x128xf32, #tpu.memory_space<vmem>>) target_semaphore(%arg15 : memref<!tpu.dma_semaphore, #tpu.memory_space<semaphore_mem>>)
        } else {
        }
        %dma_wait3A = arith.constant 0 : i32
        %dma_wait3A_261 = arith.constant 0 : i32
        %dma_wait3A_262 = tpu.memref_slice %arg2[%dma_wait3A, %dma_wait3A_261] : memref<130816x128xf32, #tpu.memory_space<hbm>> -> memref<256x128xf32, #tpu.memory_space<hbm>>
        %dma_wait3A_263 = arith.constant 0 : i32
        %dma_wait3A_264 = arith.constant 0 : i32
        %dma_wait3A_265 = tpu.memref_slice %arg2[%dma_wait3A_263, %dma_wait3A_264] : memref<130816x128xf32, #tpu.memory_space<hbm>> -> memref<256x128xf32, #tpu.memory_space<hbm>>
        tpu.wait_dma2 semaphore(%arg14 : memref<!tpu.dma_semaphore, #tpu.memory_space<semaphore_mem>>) src(%dma_wait3A_265 : memref<256x128xf32, #tpu.memory_space<hbm>>) dst(%arg6 : memref<256x128xf32, #tpu.memory_space<vmem>>)
        %mul3A_266 = arith.constant 256 : i32
        %mul3A_267 = arith.muli %mul3A_254, %mul3A_266 : i32
        %scan3A_268 = arith.constant 0 : i32
        %scan3A_269 = arith.constant 256 : i32
        %scan3A_270 = arith.addi %scan3A_268, %scan3A_269 : i32
        %scan3A_271 = arith.constant 1 : i32
        %scan3A_272:16 = scf.for %scan3A_296 = %scan3A_268 to %scan3A_270 step %scan3A_271 iter_args(%scan3A_297 = %while3A_237, %scan3A_298 = %while3A_238, %scan3A_299 = %while3A_239, %scan3A_300 = %while3A_240, %scan3A_301 = %while3A_241, %scan3A_302 = %while3A_242, %scan3A_303 = %while3A_243, %scan3A_304 = %while3A_244, %scan3A_305 = %while3A_245, %scan3A_306 = %while3A_246, %scan3A_307 = %while3A_247, %scan3A_308 = %while3A_248, %scan3A_309 = %while3A_249, %scan3A_310 = %while3A_250, %scan3A_311 = %while3A_251, %scan3A_312 = %while3A_252) -> (vector<16xf32>, vector<16xf32>, vector<16xf32>, vector<16xf32>, vector<16xf32>, vector<16xf32>, vector<16xf32>, vector<16xf32>, vector<16xi32>, vector<16xi32>, vector<16xi32>, vector<16xi32>, vector<16xi32>, vector<16xi32>, vector<16xi32>, vector<16xi32>)  : i32 {
          %add3A_313 = arith.addi %mul3A_267, %scan3A_296 : i32
          %broadcast_in_dim3A_314 = vector.broadcast %add3A_313 : i32 to vector<16xi32>
          %get3A_315 = arith.index_cast %scan3A_296 : i32 to index
          %get3A_316 = arith.constant 0 : index
          %get3A_317 = tpu.vector_load %arg6[%get3A_315, %get3A_316] {strides = array<i32>} : memref<256x128xf32, #tpu.memory_space<vmem>>, vector<16xf32>,
          %gt3A = arith.cmpf ogt, %get3A_317, %scan3A_297 : vector<16xf32>
          %select_n3A_318 = arith.select %gt3A, %broadcast_in_dim3A_314, %scan3A_305 : vector<16xi1>, vector<16xi32>
          %select_n3A_319 = arith.select %gt3A, %get3A_317, %scan3A_297 : vector<16xi1>, vector<16xf32>
          %get3A_320 = arith.index_cast %scan3A_296 : i32 to index
          %get3A_321 = arith.constant 16 : index
          %get3A_322 = tpu.vector_load %arg6[%get3A_320, %get3A_321] {strides = array<i32>} : memref<256x128xf32, #tpu.memory_space<vmem>>, vector<16xf32>,
          %gt3A_323 = arith.cmpf ogt, %get3A_322, %scan3A_298 : vector<16xf32>
          %select_n3A_324 = arith.select %gt3A_323, %broadcast_in_dim3A_314, %scan3A_306 : vector<16xi1>, vector<16xi32>
          %select_n3A_325 = arith.select %gt3A_323, %get3A_322, %scan3A_298 : vector<16xi1>, vector<16xf32>
          %get3A_326 = arith.index_cast %scan3A_296 : i32 to index
          %get3A_327 = arith.constant 32 : index
          %get3A_328 = tpu.vector_load %arg6[%get3A_326, %get3A_327] {strides = array<i32>} : memref<256x128xf32, #tpu.memory_space<vmem>>, vector<16xf32>,
          %gt3A_329 = arith.cmpf ogt, %get3A_328, %scan3A_299 : vector<16xf32>
          %select_n3A_330 = arith.select %gt3A_329, %broadcast_in_dim3A_314, %scan3A_307 : vector<16xi1>, vector<16xi32>
          %select_n3A_331 = arith.select %gt3A_329, %get3A_328, %scan3A_299 : vector<16xi1>, vector<16xf32>
          %get3A_332 = arith.index_cast %scan3A_296 : i32 to index
          %get3A_333 = arith.constant 48 : index
          %get3A_334 = tpu.vector_load %arg6[%get3A_332, %get3A_333] {strides = array<i32>} : memref<256x128xf32, #tpu.memory_space<vmem>>, vector<16xf32>,
          %gt3A_335 = arith.cmpf ogt, %get3A_334, %scan3A_300 : vector<16xf32>
          %select_n3A_336 = arith.select %gt3A_335, %broadcast_in_dim3A_314, %scan3A_308 : vector<16xi1>, vector<16xi32>
          %select_n3A_337 = arith.select %gt3A_335, %get3A_334, %scan3A_300 : vector<16xi1>, vector<16xf32>
          %get3A_338 = arith.index_cast %scan3A_296 : i32 to index
          %get3A_339 = arith.constant 64 : index
          %get3A_340 = tpu.vector_load %arg6[%get3A_338, %get3A_339] {strides = array<i32>} : memref<256x128xf32, #tpu.memory_space<vmem>>, vector<16xf32>,
          %gt3A_341 = arith.cmpf ogt, %get3A_340, %scan3A_301 : vector<16xf32>
          %select_n3A_342 = arith.select %gt3A_341, %broadcast_in_dim3A_314, %scan3A_309 : vector<16xi1>, vector<16xi32>
          %select_n3A_343 = arith.select %gt3A_341, %get3A_340, %scan3A_301 : vector<16xi1>, vector<16xf32>
          %get3A_344 = arith.index_cast %scan3A_296 : i32 to index
          %get3A_345 = arith.constant 80 : index
          %get3A_346 = tpu.vector_load %arg6[%get3A_344, %get3A_345] {strides = array<i32>} : memref<256x128xf32, #tpu.memory_space<vmem>>, vector<16xf32>,
          %gt3A_347 = arith.cmpf ogt, %get3A_346, %scan3A_302 : vector<16xf32>
          %select_n3A_348 = arith.select %gt3A_347, %broadcast_in_dim3A_314, %scan3A_310 : vector<16xi1>, vector<16xi32>
          %select_n3A_349 = arith.select %gt3A_347, %get3A_346, %scan3A_302 : vector<16xi1>, vector<16xf32>
          %get3A_350 = arith.index_cast %scan3A_296 : i32 to index
          %get3A_351 = arith.constant 96 : index
          %get3A_352 = tpu.vector_load %arg6[%get3A_350, %get3A_351] {strides = array<i32>} : memref<256x128xf32, #tpu.memory_space<vmem>>, vector<16xf32>,
          %gt3A_353 = arith.cmpf ogt, %get3A_352, %scan3A_303 : vector<16xf32>
          %select_n3A_354 = arith.select %gt3A_353, %broadcast_in_dim3A_314, %scan3A_311 : vector<16xi1>, vector<16xi32>
          %select_n3A_355 = arith.select %gt3A_353, %get3A_352, %scan3A_303 : vector<16xi1>, vector<16xf32>
          %get3A_356 = arith.index_cast %scan3A_296 : i32 to index
          %get3A_357 = arith.constant 112 : index
          %get3A_358 = tpu.vector_load %arg6[%get3A_356, %get3A_357] {strides = array<i32>} : memref<256x128xf32, #tpu.memory_space<vmem>>, vector<16xf32>,
          %gt3A_359 = arith.cmpf ogt, %get3A_358, %scan3A_304 : vector<16xf32>
          %select_n3A_360 = arith.select %gt3A_359, %broadcast_in_dim3A_314, %scan3A_312 : vector<16xi1>, vector<16xi32>
          %select_n3A_361 = arith.select %gt3A_359, %get3A_358, %scan3A_304 : vector<16xi1>, vector<16xf32>
          scf.yield %select_n3A_319, %select_n3A_325, %select_n3A_331, %select_n3A_337, %select_n3A_343, %select_n3A_349, %select_n3A_355, %select_n3A_361, %select_n3A_318, %select_n3A_324, %select_n3A_330, %select_n3A_336, %select_n3A_342, %select_n3A_348, %select_n3A_354, %select_n3A_360 : vector<16xf32>, vector<16xf32>, vector<16xf32>, vector<16xf32>, vector<16xf32>, vector<16xf32>, vector<16xf32>, vector<16xf32>, vector<16xi32>, vector<16xi32>, vector<16xi32>, vector<16xi32>, vector<16xi32>, vector<16xi32>, vector<16xi32>, vector<16xi32>
        }
        %scan3A_273 = arith.constant 256 : i32
        %add3A_274 = arith.constant 1 : i32
        %add3A_275 = arith.addi %mul3A_254, %add3A_274 : i32
        %add3A_276 = arith.constant 1 : i32
        %add3A_277 = arith.addi %add3A_275, %add3A_276 : i32
        %lt3A_278 = arith.cmpi slt, %add3A_277, %shift_right_arithmetic3A_120 : i32
        %convert_element_type3A_279 = arith.extui %lt3A_278 : i1 to i32
        %cond3A_280 = arith.constant 0 : i32
        %cond3A_281 = arith.cmpi ne, %convert_element_type3A_279, %cond3A_280 : i32
        scf.if %cond3A_281 {
          %add3A_296 = arith.constant 1 : i32
          %add3A_297 = arith.addi %add3A_275, %add3A_296 : i32
          %mul3A_298 = arith.constant 256 : i32
          %mul3A_299 = arith.muli %add3A_297, %mul3A_298 : i32
          %add3A_300 = arith.addi %squeeze3A, %mul3A_299 : i32
          %dma_start3A_301 = arith.constant 0 : i32
          %dma_start3A_302 = tpu.memref_slice %arg2[%add3A_300, %dma_start3A_301] : memref<130816x128xf32, #tpu.memory_space<hbm>> -> memref<256x128xf32, #tpu.memory_space<hbm>>
          %dma_start3A_303 = arith.constant 0 : i32
          %dma_start3A_304 = tpu.memref_slice %arg2[%add3A_300, %dma_start3A_303] : memref<130816x128xf32, #tpu.memory_space<hbm>> -> memref<256x128xf32, #tpu.memory_space<hbm>>
          tpu.enqueue_dma source(%dma_start3A_304 : memref<256x128xf32, #tpu.memory_space<hbm>>) target(%arg6 : memref<256x128xf32, #tpu.memory_space<vmem>>) target_semaphore(%arg14 : memref<!tpu.dma_semaphore, #tpu.memory_space<semaphore_mem>>)
        } else {
        }
        %dma_wait3A_282 = arith.constant 0 : i32
        %dma_wait3A_283 = arith.constant 0 : i32
        %dma_wait3A_284 = tpu.memref_slice %arg2[%dma_wait3A_282, %dma_wait3A_283] : memref<130816x128xf32, #tpu.memory_space<hbm>> -> memref<256x128xf32, #tpu.memory_space<hbm>>
        %dma_wait3A_285 = arith.constant 0 : i32
        %dma_wait3A_286 = arith.constant 0 : i32
        %dma_wait3A_287 = tpu.memref_slice %arg2[%dma_wait3A_285, %dma_wait3A_286] : memref<130816x128xf32, #tpu.memory_space<hbm>> -> memref<256x128xf32, #tpu.memory_space<hbm>>
        tpu.wait_dma2 semaphore(%arg15 : memref<!tpu.dma_semaphore, #tpu.memory_space<semaphore_mem>>) src(%dma_wait3A_287 : memref<256x128xf32, #tpu.memory_space<hbm>>) dst(%arg7 : memref<256x128xf32, #tpu.memory_space<vmem>>)
        %mul3A_288 = arith.constant 256 : i32
        %mul3A_289 = arith.muli %add3A_275, %mul3A_288 : i32
        %scan3A_290 = arith.constant 0 : i32
        %scan3A_291 = arith.constant 256 : i32
        %scan3A_292 = arith.addi %scan3A_290, %scan3A_291 : i32
        %scan3A_293 = arith.constant 1 : i32
        %scan3A_294:16 = scf.for %scan3A_296 = %scan3A_290 to %scan3A_292 step %scan3A_293 iter_args(%scan3A_297 = %scan3A_272#0, %scan3A_298 = %scan3A_272#1, %scan3A_299 = %scan3A_272#2, %scan3A_300 = %scan3A_272#3, %scan3A_301 = %scan3A_272#4, %scan3A_302 = %scan3A_272#5, %scan3A_303 = %scan3A_272#6, %scan3A_304 = %scan3A_272#7, %scan3A_305 = %scan3A_272#8, %scan3A_306 = %scan3A_272#9, %scan3A_307 = %scan3A_272#10, %scan3A_308 = %scan3A_272#11, %scan3A_309 = %scan3A_272#12, %scan3A_310 = %scan3A_272#13, %scan3A_311 = %scan3A_272#14, %scan3A_312 = %scan3A_272#15) -> (vector<16xf32>, vector<16xf32>, vector<16xf32>, vector<16xf32>, vector<16xf32>, vector<16xf32>, vector<16xf32>, vector<16xf32>, vector<16xi32>, vector<16xi32>, vector<16xi32>, vector<16xi32>, vector<16xi32>, vector<16xi32>, vector<16xi32>, vector<16xi32>)  : i32 {
          %add3A_313 = arith.addi %mul3A_289, %scan3A_296 : i32
          %broadcast_in_dim3A_314 = vector.broadcast %add3A_313 : i32 to vector<16xi32>
          %get3A_315 = arith.index_cast %scan3A_296 : i32 to index
          %get3A_316 = arith.constant 0 : index
          %get3A_317 = tpu.vector_load %arg7[%get3A_315, %get3A_316] {strides = array<i32>} : memref<256x128xf32, #tpu.memory_space<vmem>>, vector<16xf32>,
          %gt3A = arith.cmpf ogt, %get3A_317, %scan3A_297 : vector<16xf32>
          %select_n3A_318 = arith.select %gt3A, %broadcast_in_dim3A_314, %scan3A_305 : vector<16xi1>, vector<16xi32>
          %select_n3A_319 = arith.select %gt3A, %get3A_317, %scan3A_297 : vector<16xi1>, vector<16xf32>
          %get3A_320 = arith.index_cast %scan3A_296 : i32 to index
          %get3A_321 = arith.constant 16 : index
          %get3A_322 = tpu.vector_load %arg7[%get3A_320, %get3A_321] {strides = array<i32>} : memref<256x128xf32, #tpu.memory_space<vmem>>, vector<16xf32>,
          %gt3A_323 = arith.cmpf ogt, %get3A_322, %scan3A_298 : vector<16xf32>
          %select_n3A_324 = arith.select %gt3A_323, %broadcast_in_dim3A_314, %scan3A_306 : vector<16xi1>, vector<16xi32>
          %select_n3A_325 = arith.select %gt3A_323, %get3A_322, %scan3A_298 : vector<16xi1>, vector<16xf32>
          %get3A_326 = arith.index_cast %scan3A_296 : i32 to index
          %get3A_327 = arith.constant 32 : index
          %get3A_328 = tpu.vector_load %arg7[%get3A_326, %get3A_327] {strides = array<i32>} : memref<256x128xf32, #tpu.memory_space<vmem>>, vector<16xf32>,
          %gt3A_329 = arith.cmpf ogt, %get3A_328, %scan3A_299 : vector<16xf32>
          %select_n3A_330 = arith.select %gt3A_329, %broadcast_in_dim3A_314, %scan3A_307 : vector<16xi1>, vector<16xi32>
          %select_n3A_331 = arith.select %gt3A_329, %get3A_328, %scan3A_299 : vector<16xi1>, vector<16xf32>
          %get3A_332 = arith.index_cast %scan3A_296 : i32 to index
          %get3A_333 = arith.constant 48 : index
          %get3A_334 = tpu.vector_load %arg7[%get3A_332, %get3A_333] {strides = array<i32>} : memref<256x128xf32, #tpu.memory_space<vmem>>, vector<16xf32>,
          %gt3A_335 = arith.cmpf ogt, %get3A_334, %scan3A_300 : vector<16xf32>
          %select_n3A_336 = arith.select %gt3A_335, %broadcast_in_dim3A_314, %scan3A_308 : vector<16xi1>, vector<16xi32>
          %select_n3A_337 = arith.select %gt3A_335, %get3A_334, %scan3A_300 : vector<16xi1>, vector<16xf32>
          %get3A_338 = arith.index_cast %scan3A_296 : i32 to index
          %get3A_339 = arith.constant 64 : index
          %get3A_340 = tpu.vector_load %arg7[%get3A_338, %get3A_339] {strides = array<i32>} : memref<256x128xf32, #tpu.memory_space<vmem>>, vector<16xf32>,
          %gt3A_341 = arith.cmpf ogt, %get3A_340, %scan3A_301 : vector<16xf32>
          %select_n3A_342 = arith.select %gt3A_341, %broadcast_in_dim3A_314, %scan3A_309 : vector<16xi1>, vector<16xi32>
          %select_n3A_343 = arith.select %gt3A_341, %get3A_340, %scan3A_301 : vector<16xi1>, vector<16xf32>
          %get3A_344 = arith.index_cast %scan3A_296 : i32 to index
          %get3A_345 = arith.constant 80 : index
          %get3A_346 = tpu.vector_load %arg7[%get3A_344, %get3A_345] {strides = array<i32>} : memref<256x128xf32, #tpu.memory_space<vmem>>, vector<16xf32>,
          %gt3A_347 = arith.cmpf ogt, %get3A_346, %scan3A_302 : vector<16xf32>
          %select_n3A_348 = arith.select %gt3A_347, %broadcast_in_dim3A_314, %scan3A_310 : vector<16xi1>, vector<16xi32>
          %select_n3A_349 = arith.select %gt3A_347, %get3A_346, %scan3A_302 : vector<16xi1>, vector<16xf32>
          %get3A_350 = arith.index_cast %scan3A_296 : i32 to index
          %get3A_351 = arith.constant 96 : index
          %get3A_352 = tpu.vector_load %arg7[%get3A_350, %get3A_351] {strides = array<i32>} : memref<256x128xf32, #tpu.memory_space<vmem>>, vector<16xf32>,
          %gt3A_353 = arith.cmpf ogt, %get3A_352, %scan3A_303 : vector<16xf32>
          %select_n3A_354 = arith.select %gt3A_353, %broadcast_in_dim3A_314, %scan3A_311 : vector<16xi1>, vector<16xi32>
          %select_n3A_355 = arith.select %gt3A_353, %get3A_352, %scan3A_303 : vector<16xi1>, vector<16xf32>
          %get3A_356 = arith.index_cast %scan3A_296 : i32 to index
          %get3A_357 = arith.constant 112 : index
          %get3A_358 = tpu.vector_load %arg7[%get3A_356, %get3A_357] {strides = array<i32>} : memref<256x128xf32, #tpu.memory_space<vmem>>, vector<16xf32>,
          %gt3A_359 = arith.cmpf ogt, %get3A_358, %scan3A_304 : vector<16xf32>
          %select_n3A_360 = arith.select %gt3A_359, %broadcast_in_dim3A_314, %scan3A_312 : vector<16xi1>, vector<16xi32>
          %select_n3A_361 = arith.select %gt3A_359, %get3A_358, %scan3A_304 : vector<16xi1>, vector<16xf32>
          scf.yield %select_n3A_319, %select_n3A_325, %select_n3A_331, %select_n3A_337, %select_n3A_343, %select_n3A_349, %select_n3A_355, %select_n3A_361, %select_n3A_318, %select_n3A_324, %select_n3A_330, %select_n3A_336, %select_n3A_342, %select_n3A_348, %select_n3A_354, %select_n3A_360 : vector<16xf32>, vector<16xf32>, vector<16xf32>, vector<16xf32>, vector<16xf32>, vector<16xf32>, vector<16xf32>, vector<16xf32>, vector<16xi32>, vector<16xi32>, vector<16xi32>, vector<16xi32>, vector<16xi32>, vector<16xi32>, vector<16xi32>, vector<16xi32>
        }
        %scan3A_295 = arith.constant 256 : i32
        scf.yield %scan3A_294#0, %scan3A_294#1, %scan3A_294#2, %scan3A_294#3, %scan3A_294#4, %scan3A_294#5, %scan3A_294#6, %scan3A_294#7, %scan3A_294#8, %scan3A_294#9, %scan3A_294#10, %scan3A_294#11, %scan3A_294#12, %scan3A_294#13, %scan3A_294#14, %scan3A_294#15 : vector<16xf32>, vector<16xf32>, vector<16xf32>, vector<16xf32>, vector<16xf32>, vector<16xf32>, vector<16xf32>, vector<16xf32>, vector<16xi32>, vector<16xi32>, vector<16xi32>, vector<16xi32>, vector<16xi32>, vector<16xi32>, vector<16xi32>, vector<16xi32>
      }
      %and3A = arith.constant 1 : i32
      %and3A_142 = arith.andi %shift_right_arithmetic3A_120, %and3A : i32
      %while3A_143 = arith.constant 0 : i32
      %while3A_144 = arith.subi %and3A_142, %while3A_143 : i32
      %while3A_145 = arith.addi %while3A_143, %while3A_144 : i32
      %while3A_146 = arith.constant 1 : i32
      %while3A_147 = arith.divsi %while3A_144, %while3A_146 : i32
      %while3A_148 = arith.muli %while3A_147, %while3A_146 : i32
      %while3A_149 = arith.addi %while3A_143, %while3A_148 : i32
      %while3A_150 = arith.constant 1 : i32
      %while3A_151:16 = scf.for %while3A_236 = %while3A_143 to %while3A_149 step %while3A_150 iter_args(%while3A_237 = %while3A_141#0, %while3A_238 = %while3A_141#1, %while3A_239 = %while3A_141#2, %while3A_240 = %while3A_141#3, %while3A_241 = %while3A_141#4, %while3A_242 = %while3A_141#5, %while3A_243 = %while3A_141#6, %while3A_244 = %while3A_141#7, %while3A_245 = %while3A_141#8, %while3A_246 = %while3A_141#9, %while3A_247 = %while3A_141#10, %while3A_248 = %while3A_141#11, %while3A_249 = %while3A_141#12, %while3A_250 = %while3A_141#13, %while3A_251 = %while3A_141#14, %while3A_252 = %while3A_141#15) -> (vector<16xf32>, vector<16xf32>, vector<16xf32>, vector<16xf32>, vector<16xf32>, vector<16xf32>, vector<16xf32>, vector<16xf32>, vector<16xi32>, vector<16xi32>, vector<16xi32>, vector<16xi32>, vector<16xi32>, vector<16xi32>, vector<16xi32>, vector<16xi32>)  : i32 {
        %dma_wait3A = arith.constant 0 : i32
        %dma_wait3A_253 = arith.constant 0 : i32
        %dma_wait3A_254 = tpu.memref_slice %arg2[%dma_wait3A, %dma_wait3A_253] : memref<130816x128xf32, #tpu.memory_space<hbm>> -> memref<256x128xf32, #tpu.memory_space<hbm>>
        %dma_wait3A_255 = arith.constant 0 : i32
        %dma_wait3A_256 = arith.constant 0 : i32
        %dma_wait3A_257 = tpu.memref_slice %arg2[%dma_wait3A_255, %dma_wait3A_256] : memref<130816x128xf32, #tpu.memory_space<hbm>> -> memref<256x128xf32, #tpu.memory_space<hbm>>
        tpu.wait_dma2 semaphore(%arg14 : memref<!tpu.dma_semaphore, #tpu.memory_space<semaphore_mem>>) src(%dma_wait3A_257 : memref<256x128xf32, #tpu.memory_space<hbm>>) dst(%arg6 : memref<256x128xf32, #tpu.memory_space<vmem>>)
        %sub3A_258 = arith.constant 1 : i32
        %sub3A_259 = arith.subi %shift_right_arithmetic3A_120, %sub3A_258 : i32
        %mul3A_260 = arith.constant 256 : i32
        %mul3A_261 = arith.muli %sub3A_259, %mul3A_260 : i32
        %scan3A_262 = arith.constant 0 : i32
        %scan3A_263 = arith.constant 256 : i32
        %scan3A_264 = arith.addi %scan3A_262, %scan3A_263 : i32
        %scan3A_265 = arith.constant 1 : i32
        %scan3A_266:16 = scf.for %scan3A_268 = %scan3A_262 to %scan3A_264 step %scan3A_265 iter_args(%scan3A_269 = %while3A_237, %scan3A_270 = %while3A_238, %scan3A_271 = %while3A_239, %scan3A_272 = %while3A_240, %scan3A_273 = %while3A_241, %scan3A_274 = %while3A_242, %scan3A_275 = %while3A_243, %scan3A_276 = %while3A_244, %scan3A_277 = %while3A_245, %scan3A_278 = %while3A_246, %scan3A_279 = %while3A_247, %scan3A_280 = %while3A_248, %scan3A_281 = %while3A_249, %scan3A_282 = %while3A_250, %scan3A_283 = %while3A_251, %scan3A_284 = %while3A_252) -> (vector<16xf32>, vector<16xf32>, vector<16xf32>, vector<16xf32>, vector<16xf32>, vector<16xf32>, vector<16xf32>, vector<16xf32>, vector<16xi32>, vector<16xi32>, vector<16xi32>, vector<16xi32>, vector<16xi32>, vector<16xi32>, vector<16xi32>, vector<16xi32>)  : i32 {
          %add3A_285 = arith.addi %mul3A_261, %scan3A_268 : i32
          %broadcast_in_dim3A_286 = vector.broadcast %add3A_285 : i32 to vector<16xi32>
          %get3A_287 = arith.index_cast %scan3A_268 : i32 to index
          %get3A_288 = arith.constant 0 : index
          %get3A_289 = tpu.vector_load %arg6[%get3A_287, %get3A_288] {strides = array<i32>} : memref<256x128xf32, #tpu.memory_space<vmem>>, vector<16xf32>,
          %gt3A = arith.cmpf ogt, %get3A_289, %scan3A_269 : vector<16xf32>
          %select_n3A_290 = arith.select %gt3A, %broadcast_in_dim3A_286, %scan3A_277 : vector<16xi1>, vector<16xi32>
          %select_n3A_291 = arith.select %gt3A, %get3A_289, %scan3A_269 : vector<16xi1>, vector<16xf32>
          %get3A_292 = arith.index_cast %scan3A_268 : i32 to index
          %get3A_293 = arith.constant 16 : index
          %get3A_294 = tpu.vector_load %arg6[%get3A_292, %get3A_293] {strides = array<i32>} : memref<256x128xf32, #tpu.memory_space<vmem>>, vector<16xf32>,
          %gt3A_295 = arith.cmpf ogt, %get3A_294, %scan3A_270 : vector<16xf32>
          %select_n3A_296 = arith.select %gt3A_295, %broadcast_in_dim3A_286, %scan3A_278 : vector<16xi1>, vector<16xi32>
          %select_n3A_297 = arith.select %gt3A_295, %get3A_294, %scan3A_270 : vector<16xi1>, vector<16xf32>
          %get3A_298 = arith.index_cast %scan3A_268 : i32 to index
          %get3A_299 = arith.constant 32 : index
          %get3A_300 = tpu.vector_load %arg6[%get3A_298, %get3A_299] {strides = array<i32>} : memref<256x128xf32, #tpu.memory_space<vmem>>, vector<16xf32>,
          %gt3A_301 = arith.cmpf ogt, %get3A_300, %scan3A_271 : vector<16xf32>
          %select_n3A_302 = arith.select %gt3A_301, %broadcast_in_dim3A_286, %scan3A_279 : vector<16xi1>, vector<16xi32>
          %select_n3A_303 = arith.select %gt3A_301, %get3A_300, %scan3A_271 : vector<16xi1>, vector<16xf32>
          %get3A_304 = arith.index_cast %scan3A_268 : i32 to index
          %get3A_305 = arith.constant 48 : index
          %get3A_306 = tpu.vector_load %arg6[%get3A_304, %get3A_305] {strides = array<i32>} : memref<256x128xf32, #tpu.memory_space<vmem>>, vector<16xf32>,
          %gt3A_307 = arith.cmpf ogt, %get3A_306, %scan3A_272 : vector<16xf32>
          %select_n3A_308 = arith.select %gt3A_307, %broadcast_in_dim3A_286, %scan3A_280 : vector<16xi1>, vector<16xi32>
          %select_n3A_309 = arith.select %gt3A_307, %get3A_306, %scan3A_272 : vector<16xi1>, vector<16xf32>
          %get3A_310 = arith.index_cast %scan3A_268 : i32 to index
          %get3A_311 = arith.constant 64 : index
          %get3A_312 = tpu.vector_load %arg6[%get3A_310, %get3A_311] {strides = array<i32>} : memref<256x128xf32, #tpu.memory_space<vmem>>, vector<16xf32>,
          %gt3A_313 = arith.cmpf ogt, %get3A_312, %scan3A_273 : vector<16xf32>
          %select_n3A_314 = arith.select %gt3A_313, %broadcast_in_dim3A_286, %scan3A_281 : vector<16xi1>, vector<16xi32>
          %select_n3A_315 = arith.select %gt3A_313, %get3A_312, %scan3A_273 : vector<16xi1>, vector<16xf32>
          %get3A_316 = arith.index_cast %scan3A_268 : i32 to index
          %get3A_317 = arith.constant 80 : index
          %get3A_318 = tpu.vector_load %arg6[%get3A_316, %get3A_317] {strides = array<i32>} : memref<256x128xf32, #tpu.memory_space<vmem>>, vector<16xf32>,
          %gt3A_319 = arith.cmpf ogt, %get3A_318, %scan3A_274 : vector<16xf32>
          %select_n3A_320 = arith.select %gt3A_319, %broadcast_in_dim3A_286, %scan3A_282 : vector<16xi1>, vector<16xi32>
          %select_n3A_321 = arith.select %gt3A_319, %get3A_318, %scan3A_274 : vector<16xi1>, vector<16xf32>
          %get3A_322 = arith.index_cast %scan3A_268 : i32 to index
          %get3A_323 = arith.constant 96 : index
          %get3A_324 = tpu.vector_load %arg6[%get3A_322, %get3A_323] {strides = array<i32>} : memref<256x128xf32, #tpu.memory_space<vmem>>, vector<16xf32>,
          %gt3A_325 = arith.cmpf ogt, %get3A_324, %scan3A_275 : vector<16xf32>
          %select_n3A_326 = arith.select %gt3A_325, %broadcast_in_dim3A_286, %scan3A_283 : vector<16xi1>, vector<16xi32>
          %select_n3A_327 = arith.select %gt3A_325, %get3A_324, %scan3A_275 : vector<16xi1>, vector<16xf32>
          %get3A_328 = arith.index_cast %scan3A_268 : i32 to index
          %get3A_329 = arith.constant 112 : index
          %get3A_330 = tpu.vector_load %arg6[%get3A_328, %get3A_329] {strides = array<i32>} : memref<256x128xf32, #tpu.memory_space<vmem>>, vector<16xf32>,
          %gt3A_331 = arith.cmpf ogt, %get3A_330, %scan3A_276 : vector<16xf32>
          %select_n3A_332 = arith.select %gt3A_331, %broadcast_in_dim3A_286, %scan3A_284 : vector<16xi1>, vector<16xi32>
          %select_n3A_333 = arith.select %gt3A_331, %get3A_330, %scan3A_276 : vector<16xi1>, vector<16xf32>
          scf.yield %select_n3A_291, %select_n3A_297, %select_n3A_303, %select_n3A_309, %select_n3A_315, %select_n3A_321, %select_n3A_327, %select_n3A_333, %select_n3A_290, %select_n3A_296, %select_n3A_302, %select_n3A_308, %select_n3A_314, %select_n3A_320, %select_n3A_326, %select_n3A_332 : vector<16xf32>, vector<16xf32>, vector<16xf32>, vector<16xf32>, vector<16xf32>, vector<16xf32>, vector<16xf32>, vector<16xf32>, vector<16xi32>, vector<16xi32>, vector<16xi32>, vector<16xi32>, vector<16xi32>, vector<16xi32>, vector<16xi32>, vector<16xi32>
        }
        %scan3A_267 = arith.constant 256 : i32
        scf.yield %scan3A_266#0, %scan3A_266#1, %scan3A_266#2, %scan3A_266#3, %scan3A_266#4, %scan3A_266#5, %scan3A_266#6, %scan3A_266#7, %scan3A_266#8, %scan3A_266#9, %scan3A_266#10, %scan3A_266#11, %scan3A_266#12, %scan3A_266#13, %scan3A_266#14, %scan3A_266#15 : vector<16xf32>, vector<16xf32>, vector<16xf32>, vector<16xf32>, vector<16xf32>, vector<16xf32>, vector<16xf32>, vector<16xf32>, vector<16xi32>, vector<16xi32>, vector<16xi32>, vector<16xi32>, vector<16xi32>, vector<16xi32>, vector<16xi32>, vector<16xi32>
      }
      %while3A_152 = arith.constant 1 : i32
      %while3A_153:16 = scf.for %while3A_236 = %while3A_149 to %while3A_145 step %while3A_152 iter_args(%while3A_237 = %while3A_151#0, %while3A_238 = %while3A_151#1, %while3A_239 = %while3A_151#2, %while3A_240 = %while3A_151#3, %while3A_241 = %while3A_151#4, %while3A_242 = %while3A_151#5, %while3A_243 = %while3A_151#6, %while3A_244 = %while3A_151#7, %while3A_245 = %while3A_151#8, %while3A_246 = %while3A_151#9, %while3A_247 = %while3A_151#10, %while3A_248 = %while3A_151#11, %while3A_249 = %while3A_151#12, %while3A_250 = %while3A_151#13, %while3A_251 = %while3A_151#14, %while3A_252 = %while3A_151#15) -> (vector<16xf32>, vector<16xf32>, vector<16xf32>, vector<16xf32>, vector<16xf32>, vector<16xf32>, vector<16xf32>, vector<16xf32>, vector<16xi32>, vector<16xi32>, vector<16xi32>, vector<16xi32>, vector<16xi32>, vector<16xi32>, vector<16xi32>, vector<16xi32>)  : i32 {
        %dma_wait3A = arith.constant 0 : i32
        %dma_wait3A_253 = arith.constant 0 : i32
        %dma_wait3A_254 = tpu.memref_slice %arg2[%dma_wait3A, %dma_wait3A_253] : memref<130816x128xf32, #tpu.memory_space<hbm>> -> memref<256x128xf32, #tpu.memory_space<hbm>>
        %dma_wait3A_255 = arith.constant 0 : i32
        %dma_wait3A_256 = arith.constant 0 : i32
        %dma_wait3A_257 = tpu.memref_slice %arg2[%dma_wait3A_255, %dma_wait3A_256] : memref<130816x128xf32, #tpu.memory_space<hbm>> -> memref<256x128xf32, #tpu.memory_space<hbm>>
        tpu.wait_dma2 semaphore(%arg14 : memref<!tpu.dma_semaphore, #tpu.memory_space<semaphore_mem>>) src(%dma_wait3A_257 : memref<256x128xf32, #tpu.memory_space<hbm>>) dst(%arg6 : memref<256x128xf32, #tpu.memory_space<vmem>>)
        %sub3A_258 = arith.constant 1 : i32
        %sub3A_259 = arith.subi %shift_right_arithmetic3A_120, %sub3A_258 : i32
        %mul3A_260 = arith.constant 256 : i32
        %mul3A_261 = arith.muli %sub3A_259, %mul3A_260 : i32
        %scan3A_262 = arith.constant 0 : i32
        %scan3A_263 = arith.constant 256 : i32
        %scan3A_264 = arith.addi %scan3A_262, %scan3A_263 : i32
        %scan3A_265 = arith.constant 1 : i32
        %scan3A_266:16 = scf.for %scan3A_268 = %scan3A_262 to %scan3A_264 step %scan3A_265 iter_args(%scan3A_269 = %while3A_237, %scan3A_270 = %while3A_238, %scan3A_271 = %while3A_239, %scan3A_272 = %while3A_240, %scan3A_273 = %while3A_241, %scan3A_274 = %while3A_242, %scan3A_275 = %while3A_243, %scan3A_276 = %while3A_244, %scan3A_277 = %while3A_245, %scan3A_278 = %while3A_246, %scan3A_279 = %while3A_247, %scan3A_280 = %while3A_248, %scan3A_281 = %while3A_249, %scan3A_282 = %while3A_250, %scan3A_283 = %while3A_251, %scan3A_284 = %while3A_252) -> (vector<16xf32>, vector<16xf32>, vector<16xf32>, vector<16xf32>, vector<16xf32>, vector<16xf32>, vector<16xf32>, vector<16xf32>, vector<16xi32>, vector<16xi32>, vector<16xi32>, vector<16xi32>, vector<16xi32>, vector<16xi32>, vector<16xi32>, vector<16xi32>)  : i32 {
          %add3A_285 = arith.addi %mul3A_261, %scan3A_268 : i32
          %broadcast_in_dim3A_286 = vector.broadcast %add3A_285 : i32 to vector<16xi32>
          %get3A_287 = arith.index_cast %scan3A_268 : i32 to index
          %get3A_288 = arith.constant 0 : index
          %get3A_289 = tpu.vector_load %arg6[%get3A_287, %get3A_288] {strides = array<i32>} : memref<256x128xf32, #tpu.memory_space<vmem>>, vector<16xf32>,
          %gt3A = arith.cmpf ogt, %get3A_289, %scan3A_269 : vector<16xf32>
          %select_n3A_290 = arith.select %gt3A, %broadcast_in_dim3A_286, %scan3A_277 : vector<16xi1>, vector<16xi32>
          %select_n3A_291 = arith.select %gt3A, %get3A_289, %scan3A_269 : vector<16xi1>, vector<16xf32>
          %get3A_292 = arith.index_cast %scan3A_268 : i32 to index
          %get3A_293 = arith.constant 16 : index
          %get3A_294 = tpu.vector_load %arg6[%get3A_292, %get3A_293] {strides = array<i32>} : memref<256x128xf32, #tpu.memory_space<vmem>>, vector<16xf32>,
          %gt3A_295 = arith.cmpf ogt, %get3A_294, %scan3A_270 : vector<16xf32>
          %select_n3A_296 = arith.select %gt3A_295, %broadcast_in_dim3A_286, %scan3A_278 : vector<16xi1>, vector<16xi32>
          %select_n3A_297 = arith.select %gt3A_295, %get3A_294, %scan3A_270 : vector<16xi1>, vector<16xf32>
          %get3A_298 = arith.index_cast %scan3A_268 : i32 to index
          %get3A_299 = arith.constant 32 : index
          %get3A_300 = tpu.vector_load %arg6[%get3A_298, %get3A_299] {strides = array<i32>} : memref<256x128xf32, #tpu.memory_space<vmem>>, vector<16xf32>,
          %gt3A_301 = arith.cmpf ogt, %get3A_300, %scan3A_271 : vector<16xf32>
          %select_n3A_302 = arith.select %gt3A_301, %broadcast_in_dim3A_286, %scan3A_279 : vector<16xi1>, vector<16xi32>
          %select_n3A_303 = arith.select %gt3A_301, %get3A_300, %scan3A_271 : vector<16xi1>, vector<16xf32>
          %get3A_304 = arith.index_cast %scan3A_268 : i32 to index
          %get3A_305 = arith.constant 48 : index
          %get3A_306 = tpu.vector_load %arg6[%get3A_304, %get3A_305] {strides = array<i32>} : memref<256x128xf32, #tpu.memory_space<vmem>>, vector<16xf32>,
          %gt3A_307 = arith.cmpf ogt, %get3A_306, %scan3A_272 : vector<16xf32>
          %select_n3A_308 = arith.select %gt3A_307, %broadcast_in_dim3A_286, %scan3A_280 : vector<16xi1>, vector<16xi32>
          %select_n3A_309 = arith.select %gt3A_307, %get3A_306, %scan3A_272 : vector<16xi1>, vector<16xf32>
          %get3A_310 = arith.index_cast %scan3A_268 : i32 to index
          %get3A_311 = arith.constant 64 : index
          %get3A_312 = tpu.vector_load %arg6[%get3A_310, %get3A_311] {strides = array<i32>} : memref<256x128xf32, #tpu.memory_space<vmem>>, vector<16xf32>,
          %gt3A_313 = arith.cmpf ogt, %get3A_312, %scan3A_273 : vector<16xf32>
          %select_n3A_314 = arith.select %gt3A_313, %broadcast_in_dim3A_286, %scan3A_281 : vector<16xi1>, vector<16xi32>
          %select_n3A_315 = arith.select %gt3A_313, %get3A_312, %scan3A_273 : vector<16xi1>, vector<16xf32>
          %get3A_316 = arith.index_cast %scan3A_268 : i32 to index
          %get3A_317 = arith.constant 80 : index
          %get3A_318 = tpu.vector_load %arg6[%get3A_316, %get3A_317] {strides = array<i32>} : memref<256x128xf32, #tpu.memory_space<vmem>>, vector<16xf32>,
          %gt3A_319 = arith.cmpf ogt, %get3A_318, %scan3A_274 : vector<16xf32>
          %select_n3A_320 = arith.select %gt3A_319, %broadcast_in_dim3A_286, %scan3A_282 : vector<16xi1>, vector<16xi32>
          %select_n3A_321 = arith.select %gt3A_319, %get3A_318, %scan3A_274 : vector<16xi1>, vector<16xf32>
          %get3A_322 = arith.index_cast %scan3A_268 : i32 to index
          %get3A_323 = arith.constant 96 : index
          %get3A_324 = tpu.vector_load %arg6[%get3A_322, %get3A_323] {strides = array<i32>} : memref<256x128xf32, #tpu.memory_space<vmem>>, vector<16xf32>,
          %gt3A_325 = arith.cmpf ogt, %get3A_324, %scan3A_275 : vector<16xf32>
          %select_n3A_326 = arith.select %gt3A_325, %broadcast_in_dim3A_286, %scan3A_283 : vector<16xi1>, vector<16xi32>
          %select_n3A_327 = arith.select %gt3A_325, %get3A_324, %scan3A_275 : vector<16xi1>, vector<16xf32>
          %get3A_328 = arith.index_cast %scan3A_268 : i32 to index
          %get3A_329 = arith.constant 112 : index
          %get3A_330 = tpu.vector_load %arg6[%get3A_328, %get3A_329] {strides = array<i32>} : memref<256x128xf32, #tpu.memory_space<vmem>>, vector<16xf32>,
          %gt3A_331 = arith.cmpf ogt, %get3A_330, %scan3A_276 : vector<16xf32>
          %select_n3A_332 = arith.select %gt3A_331, %broadcast_in_dim3A_286, %scan3A_284 : vector<16xi1>, vector<16xi32>
          %select_n3A_333 = arith.select %gt3A_331, %get3A_330, %scan3A_276 : vector<16xi1>, vector<16xf32>
          scf.yield %select_n3A_291, %select_n3A_297, %select_n3A_303, %select_n3A_309, %select_n3A_315, %select_n3A_321, %select_n3A_327, %select_n3A_333, %select_n3A_290, %select_n3A_296, %select_n3A_302, %select_n3A_308, %select_n3A_314, %select_n3A_320, %select_n3A_326, %select_n3A_332 : vector<16xf32>, vector<16xf32>, vector<16xf32>, vector<16xf32>, vector<16xf32>, vector<16xf32>, vector<16xf32>, vector<16xf32>, vector<16xi32>, vector<16xi32>, vector<16xi32>, vector<16xi32>, vector<16xi32>, vector<16xi32>, vector<16xi32>, vector<16xi32>
        }
        %scan3A_267 = arith.constant 256 : i32
        scf.yield %scan3A_266#0, %scan3A_266#1, %scan3A_266#2, %scan3A_266#3, %scan3A_266#4, %scan3A_266#5, %scan3A_266#6, %scan3A_266#7, %scan3A_266#8, %scan3A_266#9, %scan3A_266#10, %scan3A_266#11, %scan3A_266#12, %scan3A_266#13, %scan3A_266#14, %scan3A_266#15 : vector<16xf32>, vector<16xf32>, vector<16xf32>, vector<16xf32>, vector<16xf32>, vector<16xf32>, vector<16xf32>, vector<16xf32>, vector<16xi32>, vector<16xi32>, vector<16xi32>, vector<16xi32>, vector<16xi32>, vector<16xi32>, vector<16xi32>, vector<16xi32>
      }
      %while3A_154 = arith.constant 0 : i32
      %while3A_155 = arith.subi %shift_right_arithmetic3A_128, %while3A_154 : i32
      %while3A_156 = arith.addi %while3A_154, %while3A_155 : i32
      %while3A_157 = arith.constant 1 : i32
      %while3A_158 = arith.divsi %while3A_155, %while3A_157 : i32
      %while3A_159 = arith.muli %while3A_158, %while3A_157 : i32
      %while3A_160 = arith.addi %while3A_154, %while3A_159 : i32
      %while3A_161 = arith.constant 1 : i32
      %while3A_162:16 = scf.for %while3A_236 = %while3A_154 to %while3A_160 step %while3A_161 iter_args(%while3A_237 = %while3A_153#0, %while3A_238 = %while3A_153#1, %while3A_239 = %while3A_153#2, %while3A_240 = %while3A_153#3, %while3A_241 = %while3A_153#4, %while3A_242 = %while3A_153#5, %while3A_243 = %while3A_153#6, %while3A_244 = %while3A_153#7, %while3A_245 = %while3A_153#8, %while3A_246 = %while3A_153#9, %while3A_247 = %while3A_153#10, %while3A_248 = %while3A_153#11, %while3A_249 = %while3A_153#12, %while3A_250 = %while3A_153#13, %while3A_251 = %while3A_153#14, %while3A_252 = %while3A_153#15) -> (vector<16xf32>, vector<16xf32>, vector<16xf32>, vector<16xf32>, vector<16xf32>, vector<16xf32>, vector<16xf32>, vector<16xf32>, vector<16xi32>, vector<16xi32>, vector<16xi32>, vector<16xi32>, vector<16xi32>, vector<16xi32>, vector<16xi32>, vector<16xi32>)  : i32 {
        %dma_wait3A = arith.constant 0 : i32
        %dma_wait3A_253 = arith.constant 0 : i32
        %dma_wait3A_254 = tpu.memref_slice %arg8[%dma_wait3A, %dma_wait3A_253] : memref<256x128xf32, #tpu.memory_space<vmem>> -> memref<16x128xf32, #tpu.memory_space<vmem>>
        %dma_wait3A_255 = arith.constant 0 : i32
        %dma_wait3A_256 = arith.constant 0 : i32
        %dma_wait3A_257 = tpu.memref_slice %arg2[%dma_wait3A_255, %dma_wait3A_256] : memref<130816x128xf32, #tpu.memory_space<hbm>> -> memref<16x128xf32, #tpu.memory_space<hbm>>
        %dma_wait3A_258 = arith.constant 0 : i32
        %dma_wait3A_259 = arith.constant 0 : i32
        %dma_wait3A_260 = tpu.memref_slice %arg8[%dma_wait3A_258, %dma_wait3A_259] : memref<256x128xf32, #tpu.memory_space<vmem>> -> memref<16x128xf32, #tpu.memory_space<vmem>>
        %dma_wait3A_261 = arith.constant 0 : i32
        %dma_wait3A_262 = arith.constant 0 : i32
        %dma_wait3A_263 = tpu.memref_slice %arg2[%dma_wait3A_261, %dma_wait3A_262] : memref<130816x128xf32, #tpu.memory_space<hbm>> -> memref<16x128xf32, #tpu.memory_space<hbm>>
        tpu.wait_dma2 semaphore(%arg16 : memref<!tpu.dma_semaphore, #tpu.memory_space<semaphore_mem>>) src(%dma_wait3A_263 : memref<16x128xf32, #tpu.memory_space<hbm>>) dst(%dma_wait3A_260 : memref<16x128xf32, #tpu.memory_space<vmem>>)
        %mul3A_264 = arith.constant 16 : i32
        %mul3A_265 = arith.muli %while3A_236, %mul3A_264 : i32
        %add3A_266 = arith.addi %add3A_123, %mul3A_265 : i32
        %min3A_267 = arith.constant 130800 : i32
        %min3A_268 = arith.minsi %add3A_266, %min3A_267 : i32
        %max3A_269 = arith.constant 0 : i32
        %max3A_270 = arith.maxsi %min3A_268, %max3A_269 : i32
        %sub3A_271 = arith.subi %squeeze3A, %max3A_270 : i32
        %max3A_272 = arith.constant 0 : i32
        %max3A_273 = arith.maxsi %sub3A_271, %max3A_272 : i32
        %sub3A_274 = arith.subi %squeeze3A_85, %max3A_270 : i32
        %min3A_275 = arith.constant 16 : i32
        %min3A_276 = arith.minsi %sub3A_274, %min3A_275 : i32
        %sub3A_277 = arith.constant 1 : i32
        %sub3A_278 = arith.subi %min3A_276, %sub3A_277 : i32
        %mul3A_279 = arith.constant 16 : i32
        %mul3A_280 = arith.muli %while3A_236, %mul3A_279 : i32
        %scan3A_281 = arith.constant 0 : i32
        %scan3A_282 = arith.constant 16 : i32
        %scan3A_283 = arith.addi %scan3A_281, %scan3A_282 : i32
        %scan3A_284 = arith.constant 1 : i32
        %scan3A_285:16 = scf.for %scan3A_287 = %scan3A_281 to %scan3A_283 step %scan3A_284 iter_args(%scan3A_288 = %while3A_237, %scan3A_289 = %while3A_238, %scan3A_290 = %while3A_239, %scan3A_291 = %while3A_240, %scan3A_292 = %while3A_241, %scan3A_293 = %while3A_242, %scan3A_294 = %while3A_243, %scan3A_295 = %while3A_244, %scan3A_296 = %while3A_245, %scan3A_297 = %while3A_246, %scan3A_298 = %while3A_247, %scan3A_299 = %while3A_248, %scan3A_300 = %while3A_249, %scan3A_301 = %while3A_250, %scan3A_302 = %while3A_251, %scan3A_303 = %while3A_252) -> (vector<16xf32>, vector<16xf32>, vector<16xf32>, vector<16xf32>, vector<16xf32>, vector<16xf32>, vector<16xf32>, vector<16xf32>, vector<16xi32>, vector<16xi32>, vector<16xi32>, vector<16xi32>, vector<16xi32>, vector<16xi32>, vector<16xi32>, vector<16xi32>)  : i32 {
          %max3A_304 = arith.maxsi %max3A_273, %scan3A_287 : i32
          %min3A_305 = arith.minsi %sub3A_278, %max3A_304 : i32
          %add3A_306 = arith.addi %max3A_270, %min3A_305 : i32
          %sub3A_307 = arith.subi %add3A_306, %squeeze3A : i32
          %broadcast_in_dim3A_308 = vector.broadcast %sub3A_307 : i32 to vector<16xi32>
          %add3A_309 = arith.addi %mul3A_280, %min3A_305 : i32
          %get3A_310 = arith.index_cast %add3A_309 : i32 to index
          %get3A_311 = arith.constant 0 : index
          %get3A_312 = tpu.vector_load %arg8[%get3A_310, %get3A_311] {strides = array<i32>} : memref<256x128xf32, #tpu.memory_space<vmem>>, vector<16xf32>,
          %gt3A = arith.cmpf ogt, %get3A_312, %scan3A_288 : vector<16xf32>
          %select_n3A_313 = arith.select %gt3A, %broadcast_in_dim3A_308, %scan3A_296 : vector<16xi1>, vector<16xi32>
          %select_n3A_314 = arith.select %gt3A, %get3A_312, %scan3A_288 : vector<16xi1>, vector<16xf32>
          %add3A_315 = arith.addi %mul3A_280, %min3A_305 : i32
          %get3A_316 = arith.index_cast %add3A_315 : i32 to index
          %get3A_317 = arith.constant 16 : index
          %get3A_318 = tpu.vector_load %arg8[%get3A_316, %get3A_317] {strides = array<i32>} : memref<256x128xf32, #tpu.memory_space<vmem>>, vector<16xf32>,
          %gt3A_319 = arith.cmpf ogt, %get3A_318, %scan3A_289 : vector<16xf32>
          %select_n3A_320 = arith.select %gt3A_319, %broadcast_in_dim3A_308, %scan3A_297 : vector<16xi1>, vector<16xi32>
          %select_n3A_321 = arith.select %gt3A_319, %get3A_318, %scan3A_289 : vector<16xi1>, vector<16xf32>
          %add3A_322 = arith.addi %mul3A_280, %min3A_305 : i32
          %get3A_323 = arith.index_cast %add3A_322 : i32 to index
          %get3A_324 = arith.constant 32 : index
          %get3A_325 = tpu.vector_load %arg8[%get3A_323, %get3A_324] {strides = array<i32>} : memref<256x128xf32, #tpu.memory_space<vmem>>, vector<16xf32>,
          %gt3A_326 = arith.cmpf ogt, %get3A_325, %scan3A_290 : vector<16xf32>
          %select_n3A_327 = arith.select %gt3A_326, %broadcast_in_dim3A_308, %scan3A_298 : vector<16xi1>, vector<16xi32>
          %select_n3A_328 = arith.select %gt3A_326, %get3A_325, %scan3A_290 : vector<16xi1>, vector<16xf32>
          %add3A_329 = arith.addi %mul3A_280, %min3A_305 : i32
          %get3A_330 = arith.index_cast %add3A_329 : i32 to index
          %get3A_331 = arith.constant 48 : index
          %get3A_332 = tpu.vector_load %arg8[%get3A_330, %get3A_331] {strides = array<i32>} : memref<256x128xf32, #tpu.memory_space<vmem>>, vector<16xf32>,
          %gt3A_333 = arith.cmpf ogt, %get3A_332, %scan3A_291 : vector<16xf32>
          %select_n3A_334 = arith.select %gt3A_333, %broadcast_in_dim3A_308, %scan3A_299 : vector<16xi1>, vector<16xi32>
          %select_n3A_335 = arith.select %gt3A_333, %get3A_332, %scan3A_291 : vector<16xi1>, vector<16xf32>
          %add3A_336 = arith.addi %mul3A_280, %min3A_305 : i32
          %get3A_337 = arith.index_cast %add3A_336 : i32 to index
          %get3A_338 = arith.constant 64 : index
          %get3A_339 = tpu.vector_load %arg8[%get3A_337, %get3A_338] {strides = array<i32>} : memref<256x128xf32, #tpu.memory_space<vmem>>, vector<16xf32>,
          %gt3A_340 = arith.cmpf ogt, %get3A_339, %scan3A_292 : vector<16xf32>
          %select_n3A_341 = arith.select %gt3A_340, %broadcast_in_dim3A_308, %scan3A_300 : vector<16xi1>, vector<16xi32>
          %select_n3A_342 = arith.select %gt3A_340, %get3A_339, %scan3A_292 : vector<16xi1>, vector<16xf32>
          %add3A_343 = arith.addi %mul3A_280, %min3A_305 : i32
          %get3A_344 = arith.index_cast %add3A_343 : i32 to index
          %get3A_345 = arith.constant 80 : index
          %get3A_346 = tpu.vector_load %arg8[%get3A_344, %get3A_345] {strides = array<i32>} : memref<256x128xf32, #tpu.memory_space<vmem>>, vector<16xf32>,
          %gt3A_347 = arith.cmpf ogt, %get3A_346, %scan3A_293 : vector<16xf32>
          %select_n3A_348 = arith.select %gt3A_347, %broadcast_in_dim3A_308, %scan3A_301 : vector<16xi1>, vector<16xi32>
          %select_n3A_349 = arith.select %gt3A_347, %get3A_346, %scan3A_293 : vector<16xi1>, vector<16xf32>
          %add3A_350 = arith.addi %mul3A_280, %min3A_305 : i32
          %get3A_351 = arith.index_cast %add3A_350 : i32 to index
          %get3A_352 = arith.constant 96 : index
          %get3A_353 = tpu.vector_load %arg8[%get3A_351, %get3A_352] {strides = array<i32>} : memref<256x128xf32, #tpu.memory_space<vmem>>, vector<16xf32>,
          %gt3A_354 = arith.cmpf ogt, %get3A_353, %scan3A_294 : vector<16xf32>
          %select_n3A_355 = arith.select %gt3A_354, %broadcast_in_dim3A_308, %scan3A_302 : vector<16xi1>, vector<16xi32>
          %select_n3A_356 = arith.select %gt3A_354, %get3A_353, %scan3A_294 : vector<16xi1>, vector<16xf32>
          %add3A_357 = arith.addi %mul3A_280, %min3A_305 : i32
          %get3A_358 = arith.index_cast %add3A_357 : i32 to index
          %get3A_359 = arith.constant 112 : index
          %get3A_360 = tpu.vector_load %arg8[%get3A_358, %get3A_359] {strides = array<i32>} : memref<256x128xf32, #tpu.memory_space<vmem>>, vector<16xf32>,
          %gt3A_361 = arith.cmpf ogt, %get3A_360, %scan3A_295 : vector<16xf32>
          %select_n3A_362 = arith.select %gt3A_361, %broadcast_in_dim3A_308, %scan3A_303 : vector<16xi1>, vector<16xi32>
          %select_n3A_363 = arith.select %gt3A_361, %get3A_360, %scan3A_295 : vector<16xi1>, vector<16xf32>
          scf.yield %select_n3A_314, %select_n3A_321, %select_n3A_328, %select_n3A_335, %select_n3A_342, %select_n3A_349, %select_n3A_356, %select_n3A_363, %select_n3A_313, %select_n3A_320, %select_n3A_327, %select_n3A_334, %select_n3A_341, %select_n3A_348, %select_n3A_355, %select_n3A_362 : vector<16xf32>, vector<16xf32>, vector<16xf32>, vector<16xf32>, vector<16xf32>, vector<16xf32>, vector<16xf32>, vector<16xf32>, vector<16xi32>, vector<16xi32>, vector<16xi32>, vector<16xi32>, vector<16xi32>, vector<16xi32>, vector<16xi32>, vector<16xi32>
        }
        %scan3A_286 = arith.constant 16 : i32
        scf.yield %scan3A_285#0, %scan3A_285#1, %scan3A_285#2, %scan3A_285#3, %scan3A_285#4, %scan3A_285#5, %scan3A_285#6, %scan3A_285#7, %scan3A_285#8, %scan3A_285#9, %scan3A_285#10, %scan3A_285#11, %scan3A_285#12, %scan3A_285#13, %scan3A_285#14, %scan3A_285#15 : vector<16xf32>, vector<16xf32>, vector<16xf32>, vector<16xf32>, vector<16xf32>, vector<16xf32>, vector<16xf32>, vector<16xf32>, vector<16xi32>, vector<16xi32>, vector<16xi32>, vector<16xi32>, vector<16xi32>, vector<16xi32>, vector<16xi32>, vector<16xi32>
      }
      %while3A_163 = arith.constant 1 : i32
      %while3A_164:16 = scf.for %while3A_236 = %while3A_160 to %while3A_156 step %while3A_163 iter_args(%while3A_237 = %while3A_162#0, %while3A_238 = %while3A_162#1, %while3A_239 = %while3A_162#2, %while3A_240 = %while3A_162#3, %while3A_241 = %while3A_162#4, %while3A_242 = %while3A_162#5, %while3A_243 = %while3A_162#6, %while3A_244 = %while3A_162#7, %while3A_245 = %while3A_162#8, %while3A_246 = %while3A_162#9, %while3A_247 = %while3A_162#10, %while3A_248 = %while3A_162#11, %while3A_249 = %while3A_162#12, %while3A_250 = %while3A_162#13, %while3A_251 = %while3A_162#14, %while3A_252 = %while3A_162#15) -> (vector<16xf32>, vector<16xf32>, vector<16xf32>, vector<16xf32>, vector<16xf32>, vector<16xf32>, vector<16xf32>, vector<16xf32>, vector<16xi32>, vector<16xi32>, vector<16xi32>, vector<16xi32>, vector<16xi32>, vector<16xi32>, vector<16xi32>, vector<16xi32>)  : i32 {
        %dma_wait3A = arith.constant 0 : i32
        %dma_wait3A_253 = arith.constant 0 : i32
        %dma_wait3A_254 = tpu.memref_slice %arg8[%dma_wait3A, %dma_wait3A_253] : memref<256x128xf32, #tpu.memory_space<vmem>> -> memref<16x128xf32, #tpu.memory_space<vmem>>
        %dma_wait3A_255 = arith.constant 0 : i32
        %dma_wait3A_256 = arith.constant 0 : i32
        %dma_wait3A_257 = tpu.memref_slice %arg2[%dma_wait3A_255, %dma_wait3A_256] : memref<130816x128xf32, #tpu.memory_space<hbm>> -> memref<16x128xf32, #tpu.memory_space<hbm>>
        %dma_wait3A_258 = arith.constant 0 : i32
        %dma_wait3A_259 = arith.constant 0 : i32
        %dma_wait3A_260 = tpu.memref_slice %arg8[%dma_wait3A_258, %dma_wait3A_259] : memref<256x128xf32, #tpu.memory_space<vmem>> -> memref<16x128xf32, #tpu.memory_space<vmem>>
        %dma_wait3A_261 = arith.constant 0 : i32
        %dma_wait3A_262 = arith.constant 0 : i32
        %dma_wait3A_263 = tpu.memref_slice %arg2[%dma_wait3A_261, %dma_wait3A_262] : memref<130816x128xf32, #tpu.memory_space<hbm>> -> memref<16x128xf32, #tpu.memory_space<hbm>>
        tpu.wait_dma2 semaphore(%arg16 : memref<!tpu.dma_semaphore, #tpu.memory_space<semaphore_mem>>) src(%dma_wait3A_263 : memref<16x128xf32, #tpu.memory_space<hbm>>) dst(%dma_wait3A_260 : memref<16x128xf32, #tpu.memory_space<vmem>>)
        %mul3A_264 = arith.constant 16 : i32
        %mul3A_265 = arith.muli %while3A_236, %mul3A_264 : i32
        %add3A_266 = arith.addi %add3A_123, %mul3A_265 : i32
        %min3A_267 = arith.constant 130800 : i32
        %min3A_268 = arith.minsi %add3A_266, %min3A_267 : i32
        %max3A_269 = arith.constant 0 : i32
        %max3A_270 = arith.maxsi %min3A_268, %max3A_269 : i32
        %sub3A_271 = arith.subi %squeeze3A, %max3A_270 : i32
        %max3A_272 = arith.constant 0 : i32
        %max3A_273 = arith.maxsi %sub3A_271, %max3A_272 : i32
        %sub3A_274 = arith.subi %squeeze3A_85, %max3A_270 : i32
        %min3A_275 = arith.constant 16 : i32
        %min3A_276 = arith.minsi %sub3A_274, %min3A_275 : i32
        %sub3A_277 = arith.constant 1 : i32
        %sub3A_278 = arith.subi %min3A_276, %sub3A_277 : i32
        %mul3A_279 = arith.constant 16 : i32
        %mul3A_280 = arith.muli %while3A_236, %mul3A_279 : i32
        %scan3A_281 = arith.constant 0 : i32
        %scan3A_282 = arith.constant 16 : i32
        %scan3A_283 = arith.addi %scan3A_281, %scan3A_282 : i32
        %scan3A_284 = arith.constant 1 : i32
        %scan3A_285:16 = scf.for %scan3A_287 = %scan3A_281 to %scan3A_283 step %scan3A_284 iter_args(%scan3A_288 = %while3A_237, %scan3A_289 = %while3A_238, %scan3A_290 = %while3A_239, %scan3A_291 = %while3A_240, %scan3A_292 = %while3A_241, %scan3A_293 = %while3A_242, %scan3A_294 = %while3A_243, %scan3A_295 = %while3A_244, %scan3A_296 = %while3A_245, %scan3A_297 = %while3A_246, %scan3A_298 = %while3A_247, %scan3A_299 = %while3A_248, %scan3A_300 = %while3A_249, %scan3A_301 = %while3A_250, %scan3A_302 = %while3A_251, %scan3A_303 = %while3A_252) -> (vector<16xf32>, vector<16xf32>, vector<16xf32>, vector<16xf32>, vector<16xf32>, vector<16xf32>, vector<16xf32>, vector<16xf32>, vector<16xi32>, vector<16xi32>, vector<16xi32>, vector<16xi32>, vector<16xi32>, vector<16xi32>, vector<16xi32>, vector<16xi32>)  : i32 {
          %max3A_304 = arith.maxsi %max3A_273, %scan3A_287 : i32
          %min3A_305 = arith.minsi %sub3A_278, %max3A_304 : i32
          %add3A_306 = arith.addi %max3A_270, %min3A_305 : i32
          %sub3A_307 = arith.subi %add3A_306, %squeeze3A : i32
          %broadcast_in_dim3A_308 = vector.broadcast %sub3A_307 : i32 to vector<16xi32>
          %add3A_309 = arith.addi %mul3A_280, %min3A_305 : i32
          %get3A_310 = arith.index_cast %add3A_309 : i32 to index
          %get3A_311 = arith.constant 0 : index
          %get3A_312 = tpu.vector_load %arg8[%get3A_310, %get3A_311] {strides = array<i32>} : memref<256x128xf32, #tpu.memory_space<vmem>>, vector<16xf32>,
          %gt3A = arith.cmpf ogt, %get3A_312, %scan3A_288 : vector<16xf32>
          %select_n3A_313 = arith.select %gt3A, %broadcast_in_dim3A_308, %scan3A_296 : vector<16xi1>, vector<16xi32>
          %select_n3A_314 = arith.select %gt3A, %get3A_312, %scan3A_288 : vector<16xi1>, vector<16xf32>
          %add3A_315 = arith.addi %mul3A_280, %min3A_305 : i32
          %get3A_316 = arith.index_cast %add3A_315 : i32 to index
          %get3A_317 = arith.constant 16 : index
          %get3A_318 = tpu.vector_load %arg8[%get3A_316, %get3A_317] {strides = array<i32>} : memref<256x128xf32, #tpu.memory_space<vmem>>, vector<16xf32>,
          %gt3A_319 = arith.cmpf ogt, %get3A_318, %scan3A_289 : vector<16xf32>
          %select_n3A_320 = arith.select %gt3A_319, %broadcast_in_dim3A_308, %scan3A_297 : vector<16xi1>, vector<16xi32>
          %select_n3A_321 = arith.select %gt3A_319, %get3A_318, %scan3A_289 : vector<16xi1>, vector<16xf32>
          %add3A_322 = arith.addi %mul3A_280, %min3A_305 : i32
          %get3A_323 = arith.index_cast %add3A_322 : i32 to index
          %get3A_324 = arith.constant 32 : index
          %get3A_325 = tpu.vector_load %arg8[%get3A_323, %get3A_324] {strides = array<i32>} : memref<256x128xf32, #tpu.memory_space<vmem>>, vector<16xf32>,
          %gt3A_326 = arith.cmpf ogt, %get3A_325, %scan3A_290 : vector<16xf32>
          %select_n3A_327 = arith.select %gt3A_326, %broadcast_in_dim3A_308, %scan3A_298 : vector<16xi1>, vector<16xi32>
          %select_n3A_328 = arith.select %gt3A_326, %get3A_325, %scan3A_290 : vector<16xi1>, vector<16xf32>
          %add3A_329 = arith.addi %mul3A_280, %min3A_305 : i32
          %get3A_330 = arith.index_cast %add3A_329 : i32 to index
          %get3A_331 = arith.constant 48 : index
          %get3A_332 = tpu.vector_load %arg8[%get3A_330, %get3A_331] {strides = array<i32>} : memref<256x128xf32, #tpu.memory_space<vmem>>, vector<16xf32>,
          %gt3A_333 = arith.cmpf ogt, %get3A_332, %scan3A_291 : vector<16xf32>
          %select_n3A_334 = arith.select %gt3A_333, %broadcast_in_dim3A_308, %scan3A_299 : vector<16xi1>, vector<16xi32>
          %select_n3A_335 = arith.select %gt3A_333, %get3A_332, %scan3A_291 : vector<16xi1>, vector<16xf32>
          %add3A_336 = arith.addi %mul3A_280, %min3A_305 : i32
          %get3A_337 = arith.index_cast %add3A_336 : i32 to index
          %get3A_338 = arith.constant 64 : index
          %get3A_339 = tpu.vector_load %arg8[%get3A_337, %get3A_338] {strides = array<i32>} : memref<256x128xf32, #tpu.memory_space<vmem>>, vector<16xf32>,
          %gt3A_340 = arith.cmpf ogt, %get3A_339, %scan3A_292 : vector<16xf32>
          %select_n3A_341 = arith.select %gt3A_340, %broadcast_in_dim3A_308, %scan3A_300 : vector<16xi1>, vector<16xi32>
          %select_n3A_342 = arith.select %gt3A_340, %get3A_339, %scan3A_292 : vector<16xi1>, vector<16xf32>
          %add3A_343 = arith.addi %mul3A_280, %min3A_305 : i32
          %get3A_344 = arith.index_cast %add3A_343 : i32 to index
          %get3A_345 = arith.constant 80 : index
          %get3A_346 = tpu.vector_load %arg8[%get3A_344, %get3A_345] {strides = array<i32>} : memref<256x128xf32, #tpu.memory_space<vmem>>, vector<16xf32>,
          %gt3A_347 = arith.cmpf ogt, %get3A_346, %scan3A_293 : vector<16xf32>
          %select_n3A_348 = arith.select %gt3A_347, %broadcast_in_dim3A_308, %scan3A_301 : vector<16xi1>, vector<16xi32>
          %select_n3A_349 = arith.select %gt3A_347, %get3A_346, %scan3A_293 : vector<16xi1>, vector<16xf32>
          %add3A_350 = arith.addi %mul3A_280, %min3A_305 : i32
          %get3A_351 = arith.index_cast %add3A_350 : i32 to index
          %get3A_352 = arith.constant 96 : index
          %get3A_353 = tpu.vector_load %arg8[%get3A_351, %get3A_352] {strides = array<i32>} : memref<256x128xf32, #tpu.memory_space<vmem>>, vector<16xf32>,
          %gt3A_354 = arith.cmpf ogt, %get3A_353, %scan3A_294 : vector<16xf32>
          %select_n3A_355 = arith.select %gt3A_354, %broadcast_in_dim3A_308, %scan3A_302 : vector<16xi1>, vector<16xi32>
          %select_n3A_356 = arith.select %gt3A_354, %get3A_353, %scan3A_294 : vector<16xi1>, vector<16xf32>
          %add3A_357 = arith.addi %mul3A_280, %min3A_305 : i32
          %get3A_358 = arith.index_cast %add3A_357 : i32 to index
          %get3A_359 = arith.constant 112 : index
          %get3A_360 = tpu.vector_load %arg8[%get3A_358, %get3A_359] {strides = array<i32>} : memref<256x128xf32, #tpu.memory_space<vmem>>, vector<16xf32>,
          %gt3A_361 = arith.cmpf ogt, %get3A_360, %scan3A_295 : vector<16xf32>
          %select_n3A_362 = arith.select %gt3A_361, %broadcast_in_dim3A_308, %scan3A_303 : vector<16xi1>, vector<16xi32>
          %select_n3A_363 = arith.select %gt3A_361, %get3A_360, %scan3A_295 : vector<16xi1>, vector<16xf32>
          scf.yield %select_n3A_314, %select_n3A_321, %select_n3A_328, %select_n3A_335, %select_n3A_342, %select_n3A_349, %select_n3A_356, %select_n3A_363, %select_n3A_313, %select_n3A_320, %select_n3A_327, %select_n3A_334, %select_n3A_341, %select_n3A_348, %select_n3A_355, %select_n3A_362 : vector<16xf32>, vector<16xf32>, vector<16xf32>, vector<16xf32>, vector<16xf32>, vector<16xf32>, vector<16xf32>, vector<16xf32>, vector<16xi32>, vector<16xi32>, vector<16xi32>, vector<16xi32>, vector<16xi32>, vector<16xi32>, vector<16xi32>, vector<16xi32>
        }
        %scan3A_286 = arith.constant 16 : i32
        scf.yield %scan3A_285#0, %scan3A_285#1, %scan3A_285#2, %scan3A_285#3, %scan3A_285#4, %scan3A_285#5, %scan3A_285#6, %scan3A_285#7, %scan3A_285#8, %scan3A_285#9, %scan3A_285#10, %scan3A_285#11, %scan3A_285#12, %scan3A_285#13, %scan3A_285#14, %scan3A_285#15 : vector<16xf32>, vector<16xf32>, vector<16xf32>, vector<16xf32>, vector<16xf32>, vector<16xf32>, vector<16xf32>, vector<16xf32>, vector<16xi32>, vector<16xi32>, vector<16xi32>, vector<16xi32>, vector<16xi32>, vector<16xi32>, vector<16xi32>, vector<16xi32>
      }
      %add3A_165 = arith.constant 1 : i32
      %add3A_166 = arith.addi %while3A_81, %add3A_165 : i32
      %lt3A_167 = arith.cmpi slt, %add3A_166, %min3A_58 : i32
      %convert_element_type3A_168 = arith.extui %lt3A_167 : i1 to i32
      %cond3A_169 = arith.constant 0 : i32
      %cond3A_170 = arith.cmpi ne, %convert_element_type3A_168, %cond3A_169 : i32
      scf.if %cond3A_170 {
        %add3A_236 = arith.constant 1 : i32
        %add3A_237 = arith.addi %while3A_81, %add3A_236 : i32
        %get3A_238 = arith.index_cast %add3A_237 : i32 to index
        %get3A_239 = tpu.vector_load %arg10[%get3A_238] {strides = array<i32>} : memref<536xi32, #tpu.memory_space<vmem>>, vector<16xi32>,
        %slice3A_240 = vector.extract_strided_slice %get3A_239 {offsets = [0], sizes = [1], strides = [1]} : vector<16xi32> to vector<1xi32>
        %squeeze3A_241 = vector.extract %slice3A_240[0] : i32 from vector<1xi32>
        %slice3A_242 = vector.extract_strided_slice %get3A_239 {offsets = [1], sizes = [1], strides = [1]} : vector<16xi32> to vector<1xi32>
        %squeeze3A_243 = vector.extract %slice3A_242[0] : i32 from vector<1xi32>
        %sub3A_244 = arith.subi %squeeze3A_243, %squeeze3A_241 : i32
        %shift_right_arithmetic3A_245 = arith.constant 8 : i32
        %shift_right_arithmetic3A_246 = arith.shrsi %sub3A_244, %shift_right_arithmetic3A_245 : i32
        %gt3A = arith.constant 0 : i32
        %gt3A_247 = arith.cmpi sgt, %shift_right_arithmetic3A_246, %gt3A : i32
        %convert_element_type3A_248 = arith.extui %gt3A_247 : i1 to i32
        %cond3A_249 = arith.constant 0 : i32
        %cond3A_250 = arith.cmpi ne, %convert_element_type3A_248, %cond3A_249 : i32
        scf.if %cond3A_250 {
          %dma_start3A_271 = arith.constant 0 : i32
          %dma_start3A_272 = tpu.memref_slice %arg2[%squeeze3A_241, %dma_start3A_271] : memref<130816x128xf32, #tpu.memory_space<hbm>> -> memref<256x128xf32, #tpu.memory_space<hbm>>
          %dma_start3A_273 = arith.constant 0 : i32
          %dma_start3A_274 = tpu.memref_slice %arg2[%squeeze3A_241, %dma_start3A_273] : memref<130816x128xf32, #tpu.memory_space<hbm>> -> memref<256x128xf32, #tpu.memory_space<hbm>>
          tpu.enqueue_dma source(%dma_start3A_274 : memref<256x128xf32, #tpu.memory_space<hbm>>) target(%arg6 : memref<256x128xf32, #tpu.memory_space<vmem>>) target_semaphore(%arg14 : memref<!tpu.dma_semaphore, #tpu.memory_space<semaphore_mem>>)
        } else {
        }
        %mul3A_251 = arith.constant 256 : i32
        %mul3A_252 = arith.muli %shift_right_arithmetic3A_246, %mul3A_251 : i32
        %add3A_253 = arith.addi %squeeze3A_241, %mul3A_252 : i32
        %sub3A_254 = arith.subi %squeeze3A_243, %add3A_253 : i32
        %add3A_255 = arith.constant 15 : i32
        %add3A_256 = arith.addi %sub3A_254, %add3A_255 : i32
        %shift_right_arithmetic3A_257 = arith.constant 4 : i32
        %shift_right_arithmetic3A_258 = arith.shrsi %add3A_256, %shift_right_arithmetic3A_257 : i32
        %while3A_259 = arith.constant 0 : i32
        %while3A_260 = arith.constant 0 : i32
        %while3A_261 = arith.subi %shift_right_arithmetic3A_258, %while3A_259 : i32
        %while3A_262 = arith.addi %while3A_259, %while3A_261 : i32
        %while3A_263 = arith.constant 1 : i32
        %while3A_264 = arith.divsi %while3A_261, %while3A_263 : i32
        %while3A_265 = arith.muli %while3A_264, %while3A_263 : i32
        %while3A_266 = arith.addi %while3A_259, %while3A_265 : i32
        %while3A_267 = arith.constant 1 : i32
        %while3A_268 = scf.for %while3A_271 = %while3A_259 to %while3A_266 step %while3A_267 iter_args(%while3A_272 = %while3A_260) -> (i32)  : i32 {
          %mul3A_273 = arith.constant 16 : i32
          %mul3A_274 = arith.muli %while3A_271, %mul3A_273 : i32
          %add3A_275 = arith.addi %add3A_253, %mul3A_274 : i32
          %min3A_276 = arith.constant 130800 : i32
          %min3A_277 = arith.minsi %add3A_275, %min3A_276 : i32
          %max3A_278 = arith.constant 0 : i32
          %max3A_279 = arith.maxsi %min3A_277, %max3A_278 : i32
          %mul3A_280 = arith.constant 16 : i32
          %mul3A_281 = arith.muli %while3A_271, %mul3A_280 : i32
          %dma_start3A_282 = arith.constant 0 : i32
          %dma_start3A_283 = tpu.memref_slice %arg8[%mul3A_281, %dma_start3A_282] : memref<256x128xf32, #tpu.memory_space<vmem>> -> memref<16x128xf32, #tpu.memory_space<vmem>>
          %dma_start3A_284 = arith.constant 0 : i32
          %dma_start3A_285 = tpu.memref_slice %arg2[%max3A_279, %dma_start3A_284] : memref<130816x128xf32, #tpu.memory_space<hbm>> -> memref<16x128xf32, #tpu.memory_space<hbm>>
          %dma_start3A_286 = arith.constant 0 : i32
          %dma_start3A_287 = tpu.memref_slice %arg8[%mul3A_281, %dma_start3A_286] : memref<256x128xf32, #tpu.memory_space<vmem>> -> memref<16x128xf32, #tpu.memory_space<vmem>>
          %dma_start3A_288 = arith.constant 0 : i32
          %dma_start3A_289 = tpu.memref_slice %arg2[%max3A_279, %dma_start3A_288] : memref<130816x128xf32, #tpu.memory_space<hbm>> -> memref<16x128xf32, #tpu.memory_space<hbm>>
          tpu.enqueue_dma source(%dma_start3A_289 : memref<16x128xf32, #tpu.memory_space<hbm>>) target(%dma_start3A_287 : memref<16x128xf32, #tpu.memory_space<vmem>>) target_semaphore(%arg16 : memref<!tpu.dma_semaphore, #tpu.memory_space<semaphore_mem>>)
          %while3A_290 = arith.constant 0 : i32
          scf.yield %while3A_290 : i32
        }
        %while3A_269 = arith.constant 1 : i32
        %while3A_270 = scf.for %while3A_271 = %while3A_266 to %while3A_262 step %while3A_269 iter_args(%while3A_272 = %while3A_268) -> (i32)  : i32 {
          %mul3A_273 = arith.constant 16 : i32
          %mul3A_274 = arith.muli %while3A_271, %mul3A_273 : i32
          %add3A_275 = arith.addi %add3A_253, %mul3A_274 : i32
          %min3A_276 = arith.constant 130800 : i32
          %min3A_277 = arith.minsi %add3A_275, %min3A_276 : i32
          %max3A_278 = arith.constant 0 : i32
          %max3A_279 = arith.maxsi %min3A_277, %max3A_278 : i32
          %mul3A_280 = arith.constant 16 : i32
          %mul3A_281 = arith.muli %while3A_271, %mul3A_280 : i32
          %dma_start3A_282 = arith.constant 0 : i32
          %dma_start3A_283 = tpu.memref_slice %arg8[%mul3A_281, %dma_start3A_282] : memref<256x128xf32, #tpu.memory_space<vmem>> -> memref<16x128xf32, #tpu.memory_space<vmem>>
          %dma_start3A_284 = arith.constant 0 : i32
          %dma_start3A_285 = tpu.memref_slice %arg2[%max3A_279, %dma_start3A_284] : memref<130816x128xf32, #tpu.memory_space<hbm>> -> memref<16x128xf32, #tpu.memory_space<hbm>>
          %dma_start3A_286 = arith.constant 0 : i32
          %dma_start3A_287 = tpu.memref_slice %arg8[%mul3A_281, %dma_start3A_286] : memref<256x128xf32, #tpu.memory_space<vmem>> -> memref<16x128xf32, #tpu.memory_space<vmem>>
          %dma_start3A_288 = arith.constant 0 : i32
          %dma_start3A_289 = tpu.memref_slice %arg2[%max3A_279, %dma_start3A_288] : memref<130816x128xf32, #tpu.memory_space<hbm>> -> memref<16x128xf32, #tpu.memory_space<hbm>>
          tpu.enqueue_dma source(%dma_start3A_289 : memref<16x128xf32, #tpu.memory_space<hbm>>) target(%dma_start3A_287 : memref<16x128xf32, #tpu.memory_space<vmem>>) target_semaphore(%arg16 : memref<!tpu.dma_semaphore, #tpu.memory_space<semaphore_mem>>)
          %while3A_290 = arith.constant 0 : i32
          scf.yield %while3A_290 : i32
        }
      } else {
      }
      %sub3A_171 = arith.subi %while3A_81, %min3A_30 : i32
      %swap3A_172 = arith.index_cast %sub3A_171 : i32 to index
      %swap3A_173 = arith.constant 0 : index
      %swap3A_174 = tpu.vector_load %arg12[%swap3A_172, %swap3A_173] {strides = array<i32>} : memref<64x128xf32, #tpu.memory_space<vmem>>, vector<16xf32>,
      tpu.vector_store %arg12[%swap3A_172, %swap3A_173], %while3A_164#0 {strides = array<i32>} : memref<64x128xf32, #tpu.memory_space<vmem>>, vector<16xf32>,
      %swap3A_175 = arith.index_cast %sub3A_171 : i32 to index
      %swap3A_176 = arith.constant 0 : index
      %swap3A_177 = tpu.vector_load %arg13[%swap3A_175, %swap3A_176] {strides = array<i32>} : memref<64x128xi32, #tpu.memory_space<vmem>>, vector<16xi32>,
      tpu.vector_store %arg13[%swap3A_175, %swap3A_176], %while3A_164#8 {strides = array<i32>} : memref<64x128xi32, #tpu.memory_space<vmem>>, vector<16xi32>,
      %swap3A_178 = arith.index_cast %sub3A_171 : i32 to index
      %swap3A_179 = arith.constant 16 : index
      %swap3A_180 = tpu.vector_load %arg12[%swap3A_178, %swap3A_179] {strides = array<i32>} : memref<64x128xf32, #tpu.memory_space<vmem>>, vector<16xf32>,
      tpu.vector_store %arg12[%swap3A_178, %swap3A_179], %while3A_164#1 {strides = array<i32>} : memref<64x128xf32, #tpu.memory_space<vmem>>, vector<16xf32>,
      %swap3A_181 = arith.index_cast %sub3A_171 : i32 to index
      %swap3A_182 = arith.constant 16 : index
      %swap3A_183 = tpu.vector_load %arg13[%swap3A_181, %swap3A_182] {strides = array<i32>} : memref<64x128xi32, #tpu.memory_space<vmem>>, vector<16xi32>,
      tpu.vector_store %arg13[%swap3A_181, %swap3A_182], %while3A_164#9 {strides = array<i32>} : memref<64x128xi32, #tpu.memory_space<vmem>>, vector<16xi32>,
      %swap3A_184 = arith.index_cast %sub3A_171 : i32 to index
      %swap3A_185 = arith.constant 32 : index
      %swap3A_186 = tpu.vector_load %arg12[%swap3A_184, %swap3A_185] {strides = array<i32>} : memref<64x128xf32, #tpu.memory_space<vmem>>, vector<16xf32>,
      tpu.vector_store %arg12[%swap3A_184, %swap3A_185], %while3A_164#2 {strides = array<i32>} : memref<64x128xf32, #tpu.memory_space<vmem>>, vector<16xf32>,
      %swap3A_187 = arith.index_cast %sub3A_171 : i32 to index
      %swap3A_188 = arith.constant 32 : index
      %swap3A_189 = tpu.vector_load %arg13[%swap3A_187, %swap3A_188] {strides = array<i32>} : memref<64x128xi32, #tpu.memory_space<vmem>>, vector<16xi32>,
      tpu.vector_store %arg13[%swap3A_187, %swap3A_188], %while3A_164#10 {strides = array<i32>} : memref<64x128xi32, #tpu.memory_space<vmem>>, vector<16xi32>,
      %swap3A_190 = arith.index_cast %sub3A_171 : i32 to index
      %swap3A_191 = arith.constant 48 : index
      %swap3A_192 = tpu.vector_load %arg12[%swap3A_190, %swap3A_191] {strides = array<i32>} : memref<64x128xf32, #tpu.memory_space<vmem>>, vector<16xf32>,
      tpu.vector_store %arg12[%swap3A_190, %swap3A_191], %while3A_164#3 {strides = array<i32>} : memref<64x128xf32, #tpu.memory_space<vmem>>, vector<16xf32>,
      %swap3A_193 = arith.index_cast %sub3A_171 : i32 to index
      %swap3A_194 = arith.constant 48 : index
      %swap3A_195 = tpu.vector_load %arg13[%swap3A_193, %swap3A_194] {strides = array<i32>} : memref<64x128xi32, #tpu.memory_space<vmem>>, vector<16xi32>,
      tpu.vector_store %arg13[%swap3A_193, %swap3A_194], %while3A_164#11 {strides = array<i32>} : memref<64x128xi32, #tpu.memory_space<vmem>>, vector<16xi32>,
      %swap3A_196 = arith.index_cast %sub3A_171 : i32 to index
      %swap3A_197 = arith.constant 64 : index
      %swap3A_198 = tpu.vector_load %arg12[%swap3A_196, %swap3A_197] {strides = array<i32>} : memref<64x128xf32, #tpu.memory_space<vmem>>, vector<16xf32>,
      tpu.vector_store %arg12[%swap3A_196, %swap3A_197], %while3A_164#4 {strides = array<i32>} : memref<64x128xf32, #tpu.memory_space<vmem>>, vector<16xf32>,
      %swap3A_199 = arith.index_cast %sub3A_171 : i32 to index
      %swap3A_200 = arith.constant 64 : index
      %swap3A_201 = tpu.vector_load %arg13[%swap3A_199, %swap3A_200] {strides = array<i32>} : memref<64x128xi32, #tpu.memory_space<vmem>>, vector<16xi32>,
      tpu.vector_store %arg13[%swap3A_199, %swap3A_200], %while3A_164#12 {strides = array<i32>} : memref<64x128xi32, #tpu.memory_space<vmem>>, vector<16xi32>,
      %swap3A_202 = arith.index_cast %sub3A_171 : i32 to index
      %swap3A_203 = arith.constant 80 : index
      %swap3A_204 = tpu.vector_load %arg12[%swap3A_202, %swap3A_203] {strides = array<i32>} : memref<64x128xf32, #tpu.memory_space<vmem>>, vector<16xf32>,
      tpu.vector_store %arg12[%swap3A_202, %swap3A_203], %while3A_164#5 {strides = array<i32>} : memref<64x128xf32, #tpu.memory_space<vmem>>, vector<16xf32>,
      %swap3A_205 = arith.index_cast %sub3A_171 : i32 to index
      %swap3A_206 = arith.constant 80 : index
      %swap3A_207 = tpu.vector_load %arg13[%swap3A_205, %swap3A_206] {strides = array<i32>} : memref<64x128xi32, #tpu.memory_space<vmem>>, vector<16xi32>,
      tpu.vector_store %arg13[%swap3A_205, %swap3A_206], %while3A_164#13 {strides = array<i32>} : memref<64x128xi32, #tpu.memory_space<vmem>>, vector<16xi32>,
      %swap3A_208 = arith.index_cast %sub3A_171 : i32 to index
      %swap3A_209 = arith.constant 96 : index
      %swap3A_210 = tpu.vector_load %arg12[%swap3A_208, %swap3A_209] {strides = array<i32>} : memref<64x128xf32, #tpu.memory_space<vmem>>, vector<16xf32>,
      tpu.vector_store %arg12[%swap3A_208, %swap3A_209], %while3A_164#6 {strides = array<i32>} : memref<64x128xf32, #tpu.memory_space<vmem>>, vector<16xf32>,
      %swap3A_211 = arith.index_cast %sub3A_171 : i32 to index
      %swap3A_212 = arith.constant 96 : index
      %swap3A_213 = tpu.vector_load %arg13[%swap3A_211, %swap3A_212] {strides = array<i32>} : memref<64x128xi32, #tpu.memory_space<vmem>>, vector<16xi32>,
      tpu.vector_store %arg13[%swap3A_211, %swap3A_212], %while3A_164#14 {strides = array<i32>} : memref<64x128xi32, #tpu.memory_space<vmem>>, vector<16xi32>,
      %swap3A_214 = arith.index_cast %sub3A_171 : i32 to index
      %swap3A_215 = arith.constant 112 : index
      %swap3A_216 = tpu.vector_load %arg12[%swap3A_214, %swap3A_215] {strides = array<i32>} : memref<64x128xf32, #tpu.memory_space<vmem>>, vector<16xf32>,
      tpu.vector_store %arg12[%swap3A_214, %swap3A_215], %while3A_164#7 {strides = array<i32>} : memref<64x128xf32, #tpu.memory_space<vmem>>, vector<16xf32>,
      %swap3A_217 = arith.index_cast %sub3A_171 : i32 to index
      %swap3A_218 = arith.constant 112 : index
      %swap3A_219 = tpu.vector_load %arg13[%swap3A_217, %swap3A_218] {strides = array<i32>} : memref<64x128xi32, #tpu.memory_space<vmem>>, vector<16xi32>,
      tpu.vector_store %arg13[%swap3A_217, %swap3A_218], %while3A_164#15 {strides = array<i32>} : memref<64x128xi32, #tpu.memory_space<vmem>>, vector<16xi32>,
      %dma_start3A = arith.constant 0 : i32
      %dma_start3A_220 = tpu.memref_slice %arg12[%sub3A_171, %dma_start3A] : memref<64x128xf32, #tpu.memory_space<vmem>> -> memref<1x128xf32, #tpu.memory_space<vmem>>
      %dma_start3A_221 = arith.constant 0 : i32
      %dma_start3A_222 = tpu.memref_slice %arg4[%while3A_81, %dma_start3A_221] : memref<512x128xf32, #tpu.memory_space<hbm>> -> memref<1x128xf32, #tpu.memory_space<hbm>>
      %dma_start3A_223 = arith.constant 0 : i32
      %dma_start3A_224 = tpu.memref_slice %arg4[%while3A_81, %dma_start3A_223] : memref<512x128xf32, #tpu.memory_space<hbm>> -> memref<1x128xf32, #tpu.memory_space<hbm>>
      %dma_start3A_225 = arith.constant 0 : i32
      %dma_start3A_226 = tpu.memref_slice %arg12[%sub3A_171, %dma_start3A_225] : memref<64x128xf32, #tpu.memory_space<vmem>> -> memref<1x128xf32, #tpu.memory_space<vmem>>
      tpu.enqueue_dma source(%dma_start3A_226 : memref<1x128xf32, #tpu.memory_space<vmem>>) target(%dma_start3A_224 : memref<1x128xf32, #tpu.memory_space<hbm>>) target_semaphore(%arg17 : memref<!tpu.dma_semaphore, #tpu.memory_space<semaphore_mem>>)
      %dma_start3A_227 = arith.constant 0 : i32
      %dma_start3A_228 = tpu.memref_slice %arg13[%sub3A_171, %dma_start3A_227] : memref<64x128xi32, #tpu.memory_space<vmem>> -> memref<1x128xi32, #tpu.memory_space<vmem>>
      %dma_start3A_229 = arith.constant 0 : i32
      %dma_start3A_230 = tpu.memref_slice %arg5[%while3A_81, %dma_start3A_229] : memref<512x128xi32, #tpu.memory_space<hbm>> -> memref<1x128xi32, #tpu.memory_space<hbm>>
      %dma_start3A_231 = arith.constant 0 : i32
      %dma_start3A_232 = tpu.memref_slice %arg5[%while3A_81, %dma_start3A_231] : memref<512x128xi32, #tpu.memory_space<hbm>> -> memref<1x128xi32, #tpu.memory_space<hbm>>
      %dma_start3A_233 = arith.constant 0 : i32
      %dma_start3A_234 = tpu.memref_slice %arg13[%sub3A_171, %dma_start3A_233] : memref<64x128xi32, #tpu.memory_space<vmem>> -> memref<1x128xi32, #tpu.memory_space<vmem>>
      tpu.enqueue_dma source(%dma_start3A_234 : memref<1x128xi32, #tpu.memory_space<vmem>>) target(%dma_start3A_232 : memref<1x128xi32, #tpu.memory_space<hbm>>) target_semaphore(%arg18 : memref<!tpu.dma_semaphore, #tpu.memory_space<semaphore_mem>>)
      %while3A_235 = arith.constant 0 : i32
      scf.yield %while3A_235 : i32
    }
    %while3A_70 = arith.constant 0 : i32
    %while3A_71 = arith.subi %min3A_58, %min3A_30 : i32
    %while3A_72 = arith.addi %min3A_30, %while3A_71 : i32
    %while3A_73 = arith.constant 1 : i32
    %while3A_74 = arith.divsi %while3A_71, %while3A_73 : i32
    %while3A_75 = arith.muli %while3A_74, %while3A_73 : i32
    %while3A_76 = arith.addi %min3A_30, %while3A_75 : i32
    %while3A_77 = arith.constant 1 : i32
    %while3A_78 = scf.for %while3A_81 = %min3A_30 to %while3A_76 step %while3A_77 iter_args(%while3A_82 = %while3A_70) -> (i32)  : i32 {
      %dma_wait3A = arith.constant 0 : i32
      %dma_wait3A_83 = arith.constant 0 : i32
      %dma_wait3A_84 = tpu.memref_slice %arg12[%dma_wait3A, %dma_wait3A_83] : memref<64x128xf32, #tpu.memory_space<vmem>> -> memref<1x128xf32, #tpu.memory_space<vmem>>
      %dma_wait3A_85 = arith.constant 0 : i32
      %dma_wait3A_86 = tpu.memref_slice %arg4[%while3A_81, %dma_wait3A_85] : memref<512x128xf32, #tpu.memory_space<hbm>> -> memref<1x128xf32, #tpu.memory_space<hbm>>
      %dma_wait3A_87 = arith.constant 0 : i32
      %dma_wait3A_88 = tpu.memref_slice %arg4[%while3A_81, %dma_wait3A_87] : memref<512x128xf32, #tpu.memory_space<hbm>> -> memref<1x128xf32, #tpu.memory_space<hbm>>
      %dma_wait3A_89 = arith.constant 0 : i32
      %dma_wait3A_90 = arith.constant 0 : i32
      %dma_wait3A_91 = tpu.memref_slice %arg12[%dma_wait3A_89, %dma_wait3A_90] : memref<64x128xf32, #tpu.memory_space<vmem>> -> memref<1x128xf32, #tpu.memory_space<vmem>>
      tpu.wait_dma2 semaphore(%arg17 : memref<!tpu.dma_semaphore, #tpu.memory_space<semaphore_mem>>) src(%dma_wait3A_91 : memref<1x128xf32, #tpu.memory_space<vmem>>) dst(%dma_wait3A_88 : memref<1x128xf32, #tpu.memory_space<hbm>>)
      %dma_wait3A_92 = arith.constant 0 : i32
      %dma_wait3A_93 = arith.constant 0 : i32
      %dma_wait3A_94 = tpu.memref_slice %arg13[%dma_wait3A_92, %dma_wait3A_93] : memref<64x128xi32, #tpu.memory_space<vmem>> -> memref<1x128xi32, #tpu.memory_space<vmem>>
      %dma_wait3A_95 = arith.constant 0 : i32
      %dma_wait3A_96 = tpu.memref_slice %arg5[%while3A_81, %dma_wait3A_95] : memref<512x128xi32, #tpu.memory_space<hbm>> -> memref<1x128xi32, #tpu.memory_space<hbm>>
      %dma_wait3A_97 = arith.constant 0 : i32
      %dma_wait3A_98 = tpu.memref_slice %arg5[%while3A_81, %dma_wait3A_97] : memref<512x128xi32, #tpu.memory_space<hbm>> -> memref<1x128xi32, #tpu.memory_space<hbm>>
      %dma_wait3A_99 = arith.constant 0 : i32
      %dma_wait3A_100 = arith.constant 0 : i32
      %dma_wait3A_101 = tpu.memref_slice %arg13[%dma_wait3A_99, %dma_wait3A_100] : memref<64x128xi32, #tpu.memory_space<vmem>> -> memref<1x128xi32, #tpu.memory_space<vmem>>
      tpu.wait_dma2 semaphore(%arg18 : memref<!tpu.dma_semaphore, #tpu.memory_space<semaphore_mem>>) src(%dma_wait3A_101 : memref<1x128xi32, #tpu.memory_space<vmem>>) dst(%dma_wait3A_98 : memref<1x128xi32, #tpu.memory_space<hbm>>)
      %while3A_102 = arith.constant 0 : i32
      scf.yield %while3A_102 : i32
    }
    %while3A_79 = arith.constant 1 : i32
    %while3A_80 = scf.for %while3A_81 = %while3A_76 to %while3A_72 step %while3A_79 iter_args(%while3A_82 = %while3A_78) -> (i32)  : i32 {
      %dma_wait3A = arith.constant 0 : i32
      %dma_wait3A_83 = arith.constant 0 : i32
      %dma_wait3A_84 = tpu.memref_slice %arg12[%dma_wait3A, %dma_wait3A_83] : memref<64x128xf32, #tpu.memory_space<vmem>> -> memref<1x128xf32, #tpu.memory_space<vmem>>
      %dma_wait3A_85 = arith.constant 0 : i32
      %dma_wait3A_86 = tpu.memref_slice %arg4[%while3A_81, %dma_wait3A_85] : memref<512x128xf32, #tpu.memory_space<hbm>> -> memref<1x128xf32, #tpu.memory_space<hbm>>
      %dma_wait3A_87 = arith.constant 0 : i32
      %dma_wait3A_88 = tpu.memref_slice %arg4[%while3A_81, %dma_wait3A_87] : memref<512x128xf32, #tpu.memory_space<hbm>> -> memref<1x128xf32, #tpu.memory_space<hbm>>
      %dma_wait3A_89 = arith.constant 0 : i32
      %dma_wait3A_90 = arith.constant 0 : i32
      %dma_wait3A_91 = tpu.memref_slice %arg12[%dma_wait3A_89, %dma_wait3A_90] : memref<64x128xf32, #tpu.memory_space<vmem>> -> memref<1x128xf32, #tpu.memory_space<vmem>>
      tpu.wait_dma2 semaphore(%arg17 : memref<!tpu.dma_semaphore, #tpu.memory_space<semaphore_mem>>) src(%dma_wait3A_91 : memref<1x128xf32, #tpu.memory_space<vmem>>) dst(%dma_wait3A_88 : memref<1x128xf32, #tpu.memory_space<hbm>>)
      %dma_wait3A_92 = arith.constant 0 : i32
      %dma_wait3A_93 = arith.constant 0 : i32
      %dma_wait3A_94 = tpu.memref_slice %arg13[%dma_wait3A_92, %dma_wait3A_93] : memref<64x128xi32, #tpu.memory_space<vmem>> -> memref<1x128xi32, #tpu.memory_space<vmem>>
      %dma_wait3A_95 = arith.constant 0 : i32
      %dma_wait3A_96 = tpu.memref_slice %arg5[%while3A_81, %dma_wait3A_95] : memref<512x128xi32, #tpu.memory_space<hbm>> -> memref<1x128xi32, #tpu.memory_space<hbm>>
      %dma_wait3A_97 = arith.constant 0 : i32
      %dma_wait3A_98 = tpu.memref_slice %arg5[%while3A_81, %dma_wait3A_97] : memref<512x128xi32, #tpu.memory_space<hbm>> -> memref<1x128xi32, #tpu.memory_space<hbm>>
      %dma_wait3A_99 = arith.constant 0 : i32
      %dma_wait3A_100 = arith.constant 0 : i32
      %dma_wait3A_101 = tpu.memref_slice %arg13[%dma_wait3A_99, %dma_wait3A_100] : memref<64x128xi32, #tpu.memory_space<vmem>> -> memref<1x128xi32, #tpu.memory_space<vmem>>
      tpu.wait_dma2 semaphore(%arg18 : memref<!tpu.dma_semaphore, #tpu.memory_space<semaphore_mem>>) src(%dma_wait3A_101 : memref<1x128xi32, #tpu.memory_space<vmem>>) dst(%dma_wait3A_98 : memref<1x128xi32, #tpu.memory_space<hbm>>)
      %while3A_102 = arith.constant 0 : i32
      scf.yield %while3A_102 : i32
    }
    return
  }
}

</mosaic_0001>

<sc_bundles>
// kernel: kernel.3.cloned.1.call-start
scs
__scs_entry_jumppad:
0x0: {  	(pc) =	sbr.rel $0x88, $3  }
0x1: {  	(tag) =	ssettag $0x0;
	lr =	simm.s32 $0x1  }
0x2: {  	[smem:$0x3F9F] =	sst lr;
	_ =	strace $0xD0000000  }
0x3: {  	_ = 	snop  }
0x4: {  	_ = 	snop  }
0x5: {  	_ = 	snop  }
0x6: {  	_ = 	snop  }
0x7: {  	_ = 	snop  }
__scs_overlays_trampoline_lowered:
0x8: {  	[smem:$0x3FAE] =	sst s0  }
0x9: {  	[smem:$0x3FAF] =	sst s1  }
0xa: {  	[smem:$0x3FB0] =	sst s2  }
0xb: {  	[smem:$0x3FB1] =	sst s3  }
0xc: {  	[smem:$0x3FB2] =	sst s4  }
0xd: {  	[smem:$0x3FB3] =	sst s5  }
0xe: {  	[smem:$0x3FB4] =	sst s6  }
0xf: {  	[smem:$0x3FB5] =	sst s7  }
0x10: {  	[smem:$0x3FB6] =	sst s8  }
0x11: {  	[smem:$0x3FB7] =	sst s9;
	s0 =	simm.s32 @!p0 $0x0  }
0x12: {  	s1 =	sld [smem:$0x3F9D];
	s0 =	simm.s32 @p0 $0x1  }
0x13: {  	[smem:$0x3FB8] =	sst s0;
	s0 =	simm.s32 @!p1 $0x0  }
0x14: {  	s2 =	sld [smem:$0x3F9C];
	s0 =	simm.s32 @p1 $0x1  }
0x15: {  	[smem:$0x3FB9] =	sst s0;
	s0 =	simm.s32 @!p2 $0x0  }
0x16: {  	s3 =	sld [smem:$0x3FDB];
	s0 =	simm.s32 @p2 $0x1  }
0x17: {  	s4 =	simm.s32 $0x1BF5;
	[smem:$0x3FBB] =	sst s0  }
0x18: {  	s0 =	sld [smem:$0x3F9E];
	_ =	swait.ge [sflag:s4], $0x0  }
0x19: {  	s7 =	sld [smem:$0x3F9F]  }
0x1a: {  	s8 =	sadd.s32 $0xFFFFE003, lr  }
0x1b: {  	s9 =	sadd.s32 $0xFFFFFEF7, lr;
	s5 =	simm.s32 $0xFFFFFFFF;
	p2 =	slt.u32 s8, $0xFFFFF086  }
0x1c: {  	p1 =	slt.u32 s9, $0xF7A;
	s5 =	simm.s32 @!p2 $0x0  }
0x1d: {  	s5 =	simm.s32 @p1 $0x1;
	p0 =	seq.s32 s7, s2  }
0x1e: {  	s7 =	smul.u32 @!p0 $0xF7A, s2;
	p2 =	seq.s32 @!p0 s5, $0x0  }
0x1f: {  	s9 =	smul.u32 $0xF7A, s1;
	s8 =	simm.s32 @!p0 $0x1BF5;
	p2 =	por !p2, p0  }
0x20: {  	[sflag:s8] =	ssyncset.s32 @!p0 $0xFFFFF086;
	s6 =	sadd.s32 @!p0 s3, s7;
	s7 =	simm.s32 @!p0 $0x108  }
0x21: {  	s3 =	sadd.s32 s3, s9;
	s6 =	sadd.s32 @!p0 $0x88, s6;
	s7 =	simm.s32 @p2 $0x1082  }
0x22: {  	[simem:s7], [sflag:s8] =	dma.local @!p0 [hbm:s6], $0xF7A  }
0x23: {  	s9 =	sor.u32 $0xD0000000, s2;
	s6 =	simm.s32 $0x108;
	_ =	swait.ge @!p0 [sflag:s8], $0x0  }
0x24: {  	s3 =	sadd.s32 $0x88, s3;
	s6 =	simm.s32 @!p1 $0x1082;
	[sflag:s4] =	ssyncset.s32 $0xFFFFF086  }
0x25: {  	[simem:s6], [sflag:s4] =	dma.local [hbm:s3], $0xF7A  }
0x26: {  	[smem:$0x3F9F] =	sst s1;
	(tag) =	ssettag s2;
	_ =	strace s9  }
0x27: {  	s1 =	sld [smem:$0x3FAF]  }
0x28: {  	s2 =	sld [smem:$0x3FB0]  }
0x29: {  	s4 =	sld [smem:$0x3FB2]  }
0x2a: {  	p0 =	seq.s32 s5, $0x0;
	s5 =	sld [smem:$0x3FB3]  }
0x2b: {  	s6 =	sld [smem:$0x3FB4]  }
0x2c: {  	s7 =	sld [smem:$0x3FB5]  }
0x2d: {  	s3 =	simm.s32 $0x108;
	s8 =	sld [smem:$0x3FB6]  }
0x2e: {  	s3 =	simm.s32 @!p0 $0x1082;
	s9 =	sld [smem:$0x3FB7]  }
0x2f: {  	lr =	sadd.s32 s0, s3;
	s0 =	sld [smem:$0x3FAE]  }
0x30: {  	s3 =	sld [smem:$0x3FB1]  }
0x31: {  	[smem:$0x3FBA] =	sst s10  }
0x32: {  	s10 =	sld [smem:$0x3FB8];
	_ =	sdelay $0x3  }
0x33: {  	p0 =	seq.s32 s10, $0x1;
	s10 =	sld [smem:$0x3FBA];
	_ =	sdelay $0x3  }
0x34: {  	[smem:$0x3FBA] =	sst s10  }
0x35: {  	s10 =	sld [smem:$0x3FB9];
	_ =	sdelay $0x3  }
0x36: {  	p1 =	seq.s32 s10, $0x1;
	s10 =	sld [smem:$0x3FBA];
	_ =	sdelay $0x3  }
0x37: {  	[smem:$0x3FBA] =	sst s10  }
0x38: {  	s10 =	sld [smem:$0x3FBB]  }
0x39: {  	_ = 	snop;
	(pc) =	sbr.ind lr, $3  }
0x3a: {  	_ = 	snop  }
0x3b: {  	_ = 	snop  }
0x3c: {  	p2 =	seq.s32 s10, $0x1;
	s10 =	sld [smem:$0x3FBA]  }
0x3d: {  	_ =	shalt  }
0x3e: {  	_ =	shalt  }
0x3f: {  	_ =	shalt  }
0x40: {  	_ =	shalt  }
0x41: {  	_ =	shalt  }
0x42: {  	_ =	shalt  }
0x43: {  	_ =	shalt  }
0x44: {  	_ =	shalt  }
0x45: {  	_ =	shalt  }
0x46: {  	_ =	shalt  }
0x47: {  	_ =	shalt  }
0x48: {  	_ =	shalt  }
0x49: {  	_ =	shalt  }
0x4a: {  	_ =	shalt  }
0x4b: {  	_ =	shalt  }
0x4c: {  	_ =	shalt  }
0x4d: {  	_ =	shalt  }
0x4e: {  	_ =	shalt  }
0x4f: {  	_ =	shalt  }
0x50: {  	_ =	shalt  }
0x51: {  	_ =	shalt  }
0x52: {  	_ =	shalt  }
0x53: {  	_ =	shalt  }
0x54: {  	_ =	shalt  }
0x55: {  	_ =	shalt  }
0x56: {  	_ =	shalt  }
0x57: {  	_ =	shalt  }
0x58: {  	_ =	shalt  }
0x59: {  	_ =	shalt  }
0x5a: {  	_ =	shalt  }
0x5b: {  	_ =	shalt  }
0x5c: {  	_ =	shalt  }
0x5d: {  	_ =	shalt  }
0x5e: {  	_ =	shalt  }
0x5f: {  	_ =	shalt  }
0x60: {  	_ =	shalt  }
0x61: {  	_ =	shalt  }
0x62: {  	_ =	shalt  }
0x63: {  	_ =	shalt  }
0x64: {  	_ =	shalt  }
0x65: {  	_ =	shalt  }
0x66: {  	_ =	shalt  }
0x67: {  	_ =	shalt  }
0x68: {  	_ =	shalt  }
0x69: {  	_ =	shalt  }
0x6a: {  	_ =	shalt  }
0x6b: {  	_ =	shalt  }
0x6c: {  	_ =	shalt  }
0x6d: {  	_ =	shalt  }
0x6e: {  	_ =	shalt  }
0x6f: {  	_ =	shalt  }
0x70: {  	_ =	shalt  }
0x71: {  	_ =	shalt  }
0x72: {  	_ =	shalt  }
0x73: {  	_ =	shalt  }
0x74: {  	_ =	shalt  }
0x75: {  	_ =	shalt  }
0x76: {  	_ =	shalt  }
0x77: {  	_ =	shalt  }
0x78: {  	_ =	shalt  }
0x79: {  	_ =	shalt  }
0x7a: {  	_ =	shalt  }
0x7b: {  	_ =	shalt  }
0x7c: {  	_ =	shalt  }
0x7d: {  	_ =	shalt  }
0x7e: {  	_ =	shalt  }
0x7f: {  	_ =	shalt  }
0x80: {  	_ =	shalt  }
0x81: {  	_ =	shalt  }
0x82: {  	_ =	shalt  }
0x83: {  	_ =	shalt  }
0x84: {  	_ =	shalt  }
0x85: {  	_ =	shalt  }
0x86: {  	_ =	shalt  }
0x87: {  	_ =	shalt  }
.Lfunc_end0:
.L_simem_size_0:
called_computation_lowered:
.L_overlay_start_0:
0x88: {  	s2 =	sld [smem:$0x3FD9]  }
0x89: {  	s3 =	sld [smem:$0x3FFE];
	_ =	sdelay $0x1  }
0x8a: {  	s1 =	srdreg.scid  }
0x8b: {  	s0 =	sand.u32 $0x1, s1  }
0x8c: {  	s15 =	sshll.u32 s0, $0xA;
	s2 =	sadd.s32 s3, s2  }
0x8d: {  	s2 =	sadd.s32 s2, s15  }
0x8e: {  	[smem:$0x3FC6] =	sst s2  }
0x8f: {  	_ = 	snop  }
0x90: {  	s2 =	sld [smem:$0x3FD0];
	_ =	sdelay $0x1  }
0x91: {  	s16 =	sld [smem:$0x3FC9]  }
0x92: {  	s5 =	simm.s32 $0xA;
	s6 =	simm.s32 $0x10;
	s4 =	sld [smem:$0x3FC8]  }
0x93: {  	[smem:s6], [sflag:s5] =	dma.local [hbm:s2], $0x1  }
0x94: {  	_ =	swait.eq [sflag:s5], $0x1  }
0x95: {  	[sflag:s5] =	ssyncset.done $0x0  }
0x96: {  	s17 =	sld [smem:$0x10];
	[sflag:s5] =	ssyncadd.s32 $0xFFFFFFFF  }
0x97: {  	s18 =	sld [smem:$0x11];
	(tm) =	ssettm $0x1  }
0x98: {  	s19 =	sld [smem:$0x3FFB];
	_ =	sdelay $0x3  }
0x99: {  	_ =	strace s19  }
0x9a: {  	s6 =	sld [smem:$0x3FFC];
	_ =	sdelay $0x3  }
0x9b: {  	_ =	strace s6  }
0x9c: {  	s6 =	sld [smem:$0x3FFD];
	_ =	sdelay $0x3  }
0x9d: {  	_ =	strace s6  }
0x9e: {  	_ =	strace $0x8FFFFFFF  }
0x9f: {  	s20 =	sld [smem:$0x3FDB];
	_ =	sdelay $0x1  }
0xa0: {  	s7 =	simm.s32 $_scs_section_size  }
0xa1: {  	s8 =	simm.s32 $_size__tile_overlayer_lowered;
	s9 =	simm.s32 $_tile_overlayer_lowered  }
0xa2: {  	s23 =	simm.s32 $0x1BFF;
	s22 =	sshll.u32 s9, $0x1;
	s6 =	sadd.s32 s7, s20  }
0xa3: {  	s10 =	simm.s32 $0x0;
	s21 =	sshll.u32 s8, $0x1;
	s8 =	sadd.s32 s22, s6  }
0xa4: {  	[timem:s10], [sflag:s23] =	dma.local [hbm:s8], s21  }
0xa5: {  	_ =	swait.ge [sflag:s23], s21  }
0xa6: {  	s7 =	ssub.s32 $0x0, s21;
	[sflag:s23] =	ssyncset.done $0x0  }
0xa7: {  	[sflag:s23] =	ssyncadd.s32 s7;
	_ =	sdelay $0x1  }
0xa8: {  	s24 =	simm.s32 $0x1B8B  }
0xa9: {  	_ =	swait.ge [sflag:s24], $0x1  }
0xaa: {  	[sflag:s24] =	ssyncset.done $0x0  }
0xab: {  	s25 =	simm.s32 $0x1B8E;
	[sflag:s24] =	ssyncadd.s32 $0xFFFFFFFF  }
0xac: {  	s26 =	simm.s32 $execute0_lowered;
	[smem:$0x3FD2] =	sst s25  }
0xad: {  	s7 =	sshll.u32 s26, $0x1;
	_ =	strace $0x80000046;
	[dreg:$0x1] =	wrdreg $0xFFFFFFFF  }
0xae: {  	s28 =	simm.s32 $_size_execute0_lowered;
	s6 =	sadd.s32 s6, s7;
	[dreg:$0x0] =	wrdreg $0x0  }
0xaf: {  	s7 =	sshll.u32 s28, $0x1;
	[dreg:$0x2] =	wrdreg s6  }
0xb0: {  	[dreg:$0x3] =	wrdreg s7  }
0xb1: {  	[dreg:$0x4] =	wrdreg $0xC0  }
0xb2: {  	_ =	task [dreg:s10], $0x5FFFF  }
0xb3: {  	[dreg:$0x1] =	wrdreg $0xFFFFFFFF  }
0xb4: {  	[dreg:$0x0] =	wrdreg $0x60  }
0xb5: {  	[dreg:$0x2] =	wrdreg s16  }
0xb6: {  	[dreg:$0x3] =	wrdreg s4  }
0xb7: {  	[dreg:$0x4] =	wrdreg s17  }
0xb8: {  	[dreg:$0x5] =	wrdreg s18  }
0xb9: {  	[dreg:$0x6] =	wrdreg $0x9  }
0xba: {  	_ =	task.clear_ibuf [dreg:s10], $0x7FFFF;
	_ =	strace $0x90000046  }
0xbb: {  	s29 =	simm.s32 $0x9;
	_ =	strace $0x80000048  }
0xbc: {  	_ =	swait.ge [sflag:s29], $0x1  }
0xbd: {  	[sflag:s29] =	ssyncadd.s32 $0xFFFFFFFF  }
0xbe: {  	_ =	strace $0x90000048  }
0xbf: {  	_ =	sfence  }
0xc0: {  	s30 =	sld [smem:$0x0];
	_ =	sdelay $0x2  }
0xc1: {  	s31 =	sshll.u32 s1, $0xD;
	s1 =	sshrl.u32 s1, $0x2  }
0xc2: {  	s3 =	sand.u32 $0x4000, s31;
	s1 =	sadd.s32 s1, s30  }
0xc3: {  	s0 =	sor.u32 s3, s0;
	s1 =	sshll.u32 s1, $0x11  }
0xc4: {  	s0 =	sor.u32 s1, s0  }
0xc5: {  	s0 =	sadd.s32 $0x8F2B, s0  }
0xc6: {  	[sflag:s0] =	ssyncadd.remote.s32 $0x1  }
0xc7: {  	_ =	sfence.sel $0xFFFF  }
0xc8: {  	[dreg:$0x0] =	wrdreg $0xFFFFFFFF;
	(pc) =	sbr.abs _section_cstart, $3  }
0xc9: {  	[dreg:$0x1] =	wrdreg $0xFFFFFFFF  }
0xca: {  	_ =	task.clear_ibuf [dreg:s10], $0x2FFFF;
	_ =	strace $0x9FFFFFFF  }
0xcb: {  	(tm) =	ssettm $0x7FFFFFFF  }
tec
execute0_lowered:
.L_overlay_start_1:
0x0: {  	(tag) =	ssettag $0x1  }
0x1: {  	s1 =	rddreg [dreg:$0x0]  }
0x2: {  	s9 =	rddreg [dreg:$0x1]  }
0x3: {  	s4 =	rddreg [dreg:$0x2]  }
0x4: {  	s5 =	rddreg [dreg:$0x3]  }
0x5: {  	s0 =	srdreg.scid;
	s2 =	stileid.u32;
	s6 =	simm.s32 $0x0  }
0x6: {  	s24 =	simm.s32 $0x18000;
	s16 =	simm.s32 $0x1;
	s17 =	simm.s32 $0x2  }
0x7: {  	s18 =	simm.s32 $0x3;
	s19 =	simm.s32 $0x4;
	s20 =	simm.s32 $0x5  }
0x8: {  	s21 =	simm.s32 $0x0;
	s0 =	sand.u32 $0x1, s0;
	s2 =	sshll.u32 s2, $0x1  }
0x9: {  	[smem:$0x7FF] =	sst s6;
	s3 =	ssub.s32 $0x2, s0;
	s13 =	sor.u32 s0, s2  }
.Ltmp0:
0xa: {  	_ =	strace $0x80000047;
	s31 =	sshrl.u32 s3, $0x1;
	(pc) =	sbr.rel .LBB2_1-.Ltmp0, $4  }
0xb: {  	s8 =	sshll.u32 s13, $0x6;
	s15 =	sadd.s32 $0x1, s13;
	[dreg:$0x5] =	wrdreg s13  }
0xc: {  	s0 =	ssub.s32 s3, s31;
	s14 =	sadd.s32 $0xFFFFFA00, s8;
	[dreg:$0x7] =	wrdreg s15  }
0xd: {  	p0 =	seq.s32 s13, $0x1F;
	s23 =	smax.u32 s0, $0x1;
	[dreg:$0x6] =	wrdreg s14  }
0xe: {  	v0 =	vimm.s32 $0x0;
	s11 =	sshll.u32 s15, $0x6;
	s12 =	sadd.s32 $0xFFFFFA40, s8;
	[dreg:$0x8] =	wrdreg s23  }
.LBB2_34:
0xf: {  	s13 =	rddreg [dreg:$0x5]  }
0x10: {  	s14 =	rddreg [dreg:$0x6]  }
0x11: {  	s15 =	rddreg [dreg:$0x7]  }
0x12: {  	[sflag:s20] =	ssyncadd.s32 $0xFFFFFF80;
	s23 =	rddreg [dreg:$0x8]  }
0x13: {  	s9 =	rddreg [dreg:$0x1]  }
.LBB2_35:
0x14: {  	s21 =	sadd.s32 $0x1, s21  }
0x15: {  	p1 =	sne.s32 s21, s23  }
.Ltmp1:
0x16: {  	_ = 	snop;
	(pc) =	sbr.rel @!p1 .LBB2_36-.Ltmp1, $1  }
0x17: {  	_ =	sdelay $0x3  }
.LBB2_1:
0x18: {  	[tilespmem:s24], [sflag:$0x6] =	stream.linear.gather [hbm4b:s9+s6], $0x200, $0x38;
	[tilespmem:$0x1C630] =	vst v63  }
0x19: {  	s0 =	simm.s32 $0x6  }
0x1a: {  	_ =	swait.ge [sflag:s0], $0x200  }
0x1b: {  	[sflag:s0] =	ssyncset.done $0x0  }
0x1c: {  	[sflag:s0] =	ssyncadd.s32 $0xFFFFFE00  }
0x1d: {  	s3 =	simm.s32 $0x0;
	[tilespmem:$0x18200] =	vst v0  }
0x1e: {  	v1 =	vld [tilespmem:s3+$0x18000];
	_ =	sdelay $0x4  }
0x1f: {  	v2 =	vadd.s32 $0xF, v1  }
0x20: {  	v2 =	vand.u32 $0xFFFFFFF0, v2  }
0x21: {  	(xrf0) =	vadd.scan.msk.s32 $0xffff, v1;
	v2 =	vadd.s32 $0x50, v2  }
0x22: {  	(xrf0) =	vadd.scan.msk.s32 $0xffff, v2;
	_ =	sdelay $0x4  }
0x23: {  	v1, _, _ =	vpop (xrf0)  }
0x24: {  	v1 =	vadd.s32 s6, v1;
	v2, _, _ =	vpop (xrf0)  }
0x25: {  	[tilespmem:s3+$0x18201] =	vst v1;
	(v2sf) =	vpush v1, $0xF;
	v2 =	vadd.s32 s6, v2  }
0x26: {  	s2 =	simm.s32 $0x80;
	s0 =	simm.s32 $0x10;
	[tilespmem:s3+$0x18418] =	vst v2;
	(v2sf) =	vpush v2, $0xF  }
.LBB2_2:
0x27: {  	p1 =	sne.s32 s2, $0x7C0;
	v1 =	vld [tilespmem:s0+$0x18000];
	_ =	sdelay $0x4  }
0x28: {  	v2 =	vadd.s32 $0xF, v1  }
0x29: {  	v2 =	vand.u32 $0xFFFFFFF0, v2  }
0x2a: {  	v2 =	vadd.s32 $0x50, v2;
	(xrf0) =	vadd.scan.msk.s32 $0xffff, v1  }
0x2b: {  	(xrf0) =	vadd.scan.msk.s32 $0xffff, v2;
	_ =	sdelay $0x3  }
.Ltmp2:
0x2c: {  	(pc) =	sbr.rel @p1 .LBB2_2-.Ltmp2, $4  }
0x2d: {  	v1, _, _ =	vpop (xrf0);
	s3 =	spop (v2sf)  }
0x2e: {  	v1 =	vadd.s32 s3, v1;
	v2, _, _ =	vpop (xrf0);
	s3 =	spop (v2sf)  }
0x2f: {  	[tilespmem:s0+$0x18201] =	vst v1;
	v2 =	vadd.s32 s3, v2;
	(v2sf) =	vpush v1, $0xF  }
0x30: {  	[tilespmem:s0+$0x18418] =	vst v2;
	s0 =	sshra.s32 s2, $0x2;
	s2 =	sadd.s32 $0x40, s2;
	(v2sf) =	vpush v2, $0xF  }
0x31: {  	v1 =	vld [tilespmem:s0+$0x18000];
	_ =	sdelay $0x4  }
0x32: {  	v2 =	vadd.s32 $0xF, v1  }
0x33: {  	v2 =	vand.u32 $0xFFFFFFF0, v2  }
0x34: {  	(xrf0) =	vadd.scan.msk.s32 $0xffff, v1;
	v2 =	vadd.s32 $0x50, v2  }
0x35: {  	(xrf0) =	vadd.scan.msk.s32 $0xffff, v2;
	_ =	sdelay $0x4  }
0x36: {  	v1, _, _ =	vpop (xrf0);
	s2 =	spop (v2sf)  }
0x37: {  	v1 =	vadd.s32 s2, v1;
	v2, _, _ =	vpop (xrf0);
	s25 =	spop (v2sf)  }
0x38: {  	v2 =	vadd.s32 s25, v2;
	(v2sf) =	vpush v1, $0xF  }
0x39: {  	(v2sf) =	vpush v2, $0xF;
	_ =	sdelay $0xc  }
0x3a: {  	[tilespmem:s0+$0x18201] =	vst v1  }
0x3b: {  	[tilespmem:s0+$0x18418] =	vst v2;
	s0 =	simm.s32 $0x0;
	s26 =	spop (v2sf)  }
0x3c: {  	v2 =	vld [tilespmem:s0+$0x18418];
	s28 =	spop (v2sf)  }
0x3d: {  	s3 =	simm.s32 $0x10;
	s0 =	sshra.s32 s28, $0x5  }
0x3e: {  	s29 =	simm.s32 $0x20;
	v3 =	vld [tilespmem:s3+$0x18418];
	s30 =	smul.u32 s13, s0  }
0x3f: {  	v4 =	vld [tilespmem:s29+$0x18418]  }
0x40: {  	v1 =	vmov s30  }
0x41: {  	vm0 =	vlt.s32 v2, v1  }
0x42: {  	v2 =	vsel vm0, $0x1, v0  }
0x43: {  	vm13 =	vlt.s32 v3, v1;
	(xrf0) =	vadd.scan.msk.s32 $0xffff, v2  }
0x44: {  	vm14 =	vlt.s32 v4, v1;
	v2 =	vsel vm13, $0x1, v0  }
0x45: {  	(xrf0) =	vadd.scan.msk.s32 $0xffff, v2;
	v2 =	vsel vm14, $0x1, v0  }
0x46: {  	s31 =	simm.s32 $0x30;
	(xrf0) =	vadd.scan.msk.s32 $0xffff, v2  }
0x47: {  	v3 =	vld [tilespmem:s31+$0x18418];
	_ =	sdelay $0x1  }
0x48: {  	v2, _, _ =	vpop (xrf0)  }
0x49: {  	(v2sf) =	vpush v2, $0xF  }
0x4a: {  	v2, _, _ =	vpop (xrf0)  }
0x4b: {  	vm15 =	vlt.s32 v3, v1;
	(v2sf) =	vpush v2, $0xF;
	v3, _, _ =	vpop (xrf0)  }
0x4c: {  	(v2sf) =	vpush v3, $0xF;
	_ =	sdelay $0x5  }
0x4d: {  	s7 =	simm.s32 $0x40;
	v2 =	vsel vm15, $0x1, v0  }
0x4e: {  	(xrf0) =	vadd.scan.msk.s32 $0xffff, v2;
	v2 =	vld [tilespmem:s7+$0x18418];
	_ =	sdelay $0x1  }
0x4f: {  	s2 =	simm.s32 $0x0;
	s3 =	simm.s32 $0x140  }
.LBB2_4:
0x50: {  	p1 =	sne.s32 s3, $0x7C0  }
.Ltmp3:
0x51: {  	s7 =	sshra.s32 s3, $0x2;
	(pc) =	sbr.rel @p1 .LBB2_4-.Ltmp3, $4  }
0x52: {  	s3 =	sadd.s32 $0x40, s3;
	s10 =	spop (v2sf);
	vm0 =	vlt.s32 v2, v1  }
0x53: {  	s2 =	sadd.s32 s2, s10;
	v2 =	vld [tilespmem:s7+$0x18418];
	v4 =	vsel vm0, $0x1, v0  }
0x54: {  	(xrf0) =	vadd.scan.msk.s32 $0xffff, v4;
	v3, _, _ =	vpop (xrf0)  }
0x55: {  	(v2sf) =	vpush v3, $0xF  }
0x56: {  	_ =	sdelay $0x1  }
0x57: {  	vm0 =	vlt.s32 v2, v1  }
0x58: {  	v1 =	vsel vm0, $0x1, v0  }
0x59: {  	(xrf0) =	vadd.scan.msk.s32 $0xffff, v1;
	_ =	sdelay $0x1  }
0x5a: {  	s3 =	simm.s32 $0x0  }
0x5b: {  	v2 =	vld [tilespmem:s3+$0x18418]  }
0x5c: {  	s10 =	simm.s32 $0x10  }
0x5d: {  	s22 =	simm.s32 $0x20;
	s0 =	smul.u32 s15, s0;
	v3 =	vld [tilespmem:s10+$0x18418];
	v1, _, _ =	vpop (xrf0)  }
0x5e: {  	v4 =	vld [tilespmem:s22+$0x18418];
	(v2sf) =	vpush v1, $0xF;
	v1, _, _ =	vpop (xrf0)  }
0x5f: {  	(v2sf) =	vpush v1, $0xF;
	v1 =	vmov s0  }
0x60: {  	vm12 =	vlt.s32 v2, v1  }
0x61: {  	v2 =	vsel vm12, $0x1, v0  }
0x62: {  	vm13 =	vlt.s32 v3, v1;
	(xrf0) =	vadd.scan.msk.s32 $0xffff, v2  }
0x63: {  	vm14 =	vlt.s32 v4, v1;
	v2 =	vsel vm13, $0x1, v0  }
0x64: {  	(xrf0) =	vadd.scan.msk.s32 $0xffff, v2;
	v2 =	vsel vm14, $0x1, v0  }
0x65: {  	s25 =	simm.s32 $0x30;
	(xrf0) =	vadd.scan.msk.s32 $0xffff, v2  }
0x66: {  	v3 =	vld [tilespmem:s25+$0x18418];
	_ =	sdelay $0x1  }
0x67: {  	v2, _, _ =	vpop (xrf0)  }
0x68: {  	s26 =	spop (v2sf);
	(v2sf) =	vpush v2, $0xF  }
0x69: {  	v2, _, _ =	vpop (xrf0)  }
0x6a: {  	s28 =	spop (v2sf);
	vm15 =	vlt.s32 v3, v1;
	(v2sf) =	vpush v2, $0xF;
	v3, _, _ =	vpop (xrf0)  }
0x6b: {  	s29 =	spop (v2sf);
	(v2sf) =	vpush v3, $0xF;
	_ =	sdelay $0x4  }
0x6c: {  	s0 =	sadd.s32 s2, s26  }
0x6d: {  	s7 =	simm.s32 $0x40;
	s0 =	sadd.s32 s0, s28;
	v2 =	vsel vm15, $0x1, v0  }
0x6e: {  	s0 =	sadd.s32 s0, s29;
	s30 =	spop (v2sf);
	(xrf0) =	vadd.scan.msk.s32 $0xffff, v2;
	v2 =	vld [tilespmem:s7+$0x18418]  }
0x6f: {  	s0 =	sadd.s32 s0, s30;
	s31 =	spop (v2sf)  }
0x70: {  	s3 =	simm.s32 $0x140;
	s2 =	simm.s32 $0x0;
	s0 =	sadd.s32 s0, s31  }
.LBB2_6:
0x71: {  	p1 =	sne.s32 s3, $0x7C0  }
.Ltmp4:
0x72: {  	s7 =	sshra.s32 s3, $0x2;
	(pc) =	sbr.rel @p1 .LBB2_6-.Ltmp4, $4  }
0x73: {  	s3 =	sadd.s32 $0x40, s3;
	s10 =	spop (v2sf);
	vm0 =	vlt.s32 v2, v1  }
0x74: {  	s2 =	sadd.s32 s2, s10;
	v2 =	vld [tilespmem:s7+$0x18418];
	v4 =	vsel vm0, $0x1, v0  }
0x75: {  	(xrf0) =	vadd.scan.msk.s32 $0xffff, v4;
	v3, _, _ =	vpop (xrf0)  }
0x76: {  	(v2sf) =	vpush v3, $0xF  }
0x77: {  	_ =	sdelay $0x1  }
0x78: {  	vm0 =	vlt.s32 v2, v1  }
0x79: {  	v1 =	vsel vm0, $0x1, v0  }
0x7a: {  	(xrf0) =	vadd.scan.msk.s32 $0xffff, v1;
	_ =	sdelay $0x4  }
0x7b: {  	v1, _, _ =	vpop (xrf0)  }
0x7c: {  	(v2sf) =	vpush v1, $0xF;
	v1, _, _ =	vpop (xrf0)  }
0x7d: {  	(v2sf) =	vpush v1, $0xF;
	_ =	sdelay $0xa  }
0x7e: {  	s3 =	spop (v2sf)  }
0x7f: {  	s2 =	sadd.s32 s2, s3;
	s28 =	spop (v2sf)  }
0x80: {  	s2 =	sadd.s32 s2, s28;
	s29 =	spop (v2sf)  }
0x81: {  	s2 =	sadd.s32 s2, s29;
	s30 =	spop (v2sf)  }
0x82: {  	s2 =	sadd.s32 s2, s30;
	s31 =	spop (v2sf)  }
0x83: {  	s2 =	sadd.s32 s2, s31  }
0x84: {  	s2 =	simm.s32 @p0 $0x200  }
0x85: {  	s3 =	smov.u32 s11;
	p1 =	slt.s32 s2, s11  }
0x86: {  	s3 =	smov.u32 @p1 s2;
	p1 =	slt.s32 s0, s8;
	s2 =	smov.u32 s8  }
0x87: {  	s7 =	smov.u32 s12;
	s2 =	smov.u32 @p1 s0;
	p1 =	sgt.s32 s3, s12  }
0x88: {  	s0 =	smov.u32 s14;
	s7 =	smov.u32 @p1 s3;
	p1 =	sgt.s32 s2, s14  }
0x89: {  	s0 =	smov.u32 @p1 s2;
	p1 =	sgt.s32 s7, $0x0  }
0x8a: {  	s7 =	simm.s32 @!p1 $0x0;
	p1 =	sgt.s32 s0, $0x0  }
0x8b: {  	s0 =	simm.s32 @!p1 $0x0;
	s22 =	smin.u32 s7, $0x200  }
0x8c: {  	p1 =	sge.u32 s0, s22  }
.Ltmp5:
0x8d: {  	_ = 	snop;
	(pc) =	sbr.rel @p1 .LBB2_35-.Ltmp5, $1  }
0x8e: {  	_ =	sdelay $0x3  }
0x8f: {  	s23 =	smin.u32 s0, $0x200  }
0x90: {  	v1 =	vld [tilespmem:s23+$0x18200];
	_ =	sdelay $0x4  }
0x91: {  	(v2sf) =	vpush v1, $0x0  }
0x92: {  	(v2sf) =	vpush v1, $0x1;
	_ =	sdelay $0xd  }
0x93: {  	s0 =	spop (v2sf)  }
0x94: {  	s2 =	spop (v2sf)  }
0x95: {  	s3 =	ssub.s32 s2, s0  }
0x96: {  	p1 =	slt.s32 s3, $0x100  }
0x97: {  	s7 =	sshll.u32 @!p1 s0, $0x4  }
0x98: {  	s7 =	sand.u32 @!p1 $0x1FFFFFF0, s7  }
0x99: {  	s3 =	sand.u32 $0xFFFFFF00, s3;
	s10 =	simm.s32 @!p1 $0x0;
	s7 =	sadd.s32 @!p1 s1, s7  }
0x9a: {  	[tilespmem:s10], [sflag:$0x1] =	stream.linear.gather @!p1 [hbm4b:s7+s10], $0x8000, $0x38;
	[tilespmem:$0x1C630] =	vst v63  }
0x9b: {  	s7 =	sadd.s32 s0, s3  }
0x9c: {  	s0 =	ssub.s32 s2, s7  }
0x9d: {  	s0 =	sadd.s32 $0xF, s0  }
0x9e: {  	s3 =	sshra.s32 s0, $0x4  }
0x9f: {  	p1 =	slt.s32 s3, $0x1  }
.Ltmp6:
0xa0: {  	_ = 	snop;
	(pc) =	sbr.rel @p1 .LBB2_11-.Ltmp6, $2  }
0xa1: {  	_ =	sdelay $0x2  }
0xa2: {  	s0 =	simm.s32 $0x10000  }
0xa3: {  	p1 =	sgt.s32 s7, $0x0  }
0xa4: {  	s2 =	sadd.s32 $0x10, s7;
	s7 =	simm.s32 @!p1 $0x0;
	p1 =	sne.s32 s3, $0x1  }
.Ltmp7:
0xa5: {  	_ = 	snop;
	(pc) =	sbr.rel @!p1 .LBB2_11-.Ltmp7, $4  }
0xa6: {  	s7 =	smin.u32 s7, $0x1FEF0  }
0xa7: {  	s7 =	sshll.u32 s7, $0x4  }
0xa8: {  	s3 =	sadd.s32 $0xFFFFFFFF, s3;
	s7 =	sadd.s32 s1, s7  }
0xa9: {  	[tilespmem:s0], [sflag:$0x3] =	stream.linear.gather [hbm4b:s7+s6], $0x800, $0x38;
	[tilespmem:$0x1C630] =	vst v63  }
.LBB2_10:
0xaa: {  	p2 =	sgt.s32 s2, $0x0  }
0xab: {  	p1 =	sne.s32 s3, $0x1;
	s3 =	sadd.s32 $0xFFFFFFFF, s3;
	s7 =	smov.u32 s2  }
.Ltmp8:
0xac: {  	s7 =	simm.s32 @!p2 $0x0;
	(pc) =	sbr.rel @p1 .LBB2_10-.Ltmp8, $4  }
0xad: {  	s7 =	smin.u32 s7, $0x1FEF0  }
0xae: {  	s7 =	sshll.u32 s7, $0x4  }
0xaf: {  	s2 =	sadd.s32 $0x10, s2;
	s0 =	sadd.s32 $0x800, s0;
	s7 =	sadd.s32 s1, s7  }
0xb0: {  	[tilespmem:s0], [sflag:$0x3] =	stream.linear.gather [hbm4b:s7+s6], $0x800, $0x38;
	[tilespmem:$0x1C630] =	vst v63  }
.LBB2_11:
.Ltmp9:
0xb1: {  	(pc) =	sbr.rel .LBB2_12-.Ltmp9, $2  }
0xb2: {  	_ =	sdelay $0x2  }
0xb3: {  	s24 =	smov.u32 s23  }
.LBB2_31:
0xb4: {  	s2 =	ssub.s32 s24, s23  }
0xb5: {  	s2 =	sshll.u32 s2, $0x7  }
0xb6: {  	[tilespmem:s2+$0x18630] =	vst v16  }
0xb7: {  	[tilespmem:s2+$0x1A630] =	vst v14  }
0xb8: {  	[tilespmem:s2+$0x18640] =	vst v4  }
0xb9: {  	[tilespmem:s2+$0x1A640] =	vst v5  }
0xba: {  	[tilespmem:s2+$0x18650] =	vst v15  }
0xbb: {  	[tilespmem:s2+$0x1A650] =	vst v3  }
0xbc: {  	[tilespmem:s2+$0x18660] =	vst v12  }
0xbd: {  	[tilespmem:s2+$0x1A660] =	vst v7  }
0xbe: {  	[tilespmem:s2+$0x18670] =	vst v13  }
0xbf: {  	[tilespmem:s2+$0x1A670] =	vst v9  }
0xc0: {  	[tilespmem:s2+$0x18680] =	vst v11  }
0xc1: {  	[tilespmem:s2+$0x1A680] =	vst v8  }
0xc2: {  	[tilespmem:s2+$0x18690] =	vst v10  }
0xc3: {  	p1 =	sne.s32 s0, s22;
	[tilespmem:s2+$0x1A690] =	vst v6  }
.Ltmp10:
0xc4: {  	s3 =	sshll.u32 s24, $0x4;
	[tilespmem:s2+$0x186A0] =	vst v2;
	(pc) =	sbr.rel @!p1 .LBB2_32-.Ltmp10, $4  }
0xc5: {  	s9 =	sadd.s32 s4, s3;
	s7 =	sadd.s32 $0x18630, s2;
	[tilespmem:s2+$0x1A6A0] =	vst v1  }
0xc6: {  	[hbm4b:s9+s6] =	stream.linear.scatter [tilespmem:s7], [sflag:$0x4], $0x80, $0x38;
	[tilespmem:$0x1C630] =	vst v63  }
0xc7: {  	s24 =	smov.u32 s0;
	s3 =	sadd.s32 s5, s3;
	s2 =	sadd.s32 $0x1A630, s2  }
0xc8: {  	[hbm4b:s3+s6] =	stream.linear.scatter [tilespmem:s2], [sflag:$0x5], $0x80, $0x38;
	[tilespmem:$0x1C630] =	vst v63  }
.LBB2_12:
0xc9: {  	v1 =	vld [tilespmem:s24+$0x18200];
	_ =	sdelay $0x4  }
0xca: {  	(v2sf) =	vpush v1, $0x0  }
0xcb: {  	(v2sf) =	vpush v1, $0x1;
	_ =	sdelay $0xd  }
0xcc: {  	s25 =	spop (v2sf)  }
0xcd: {  	s26 =	spop (v2sf)  }
0xce: {  	s28 =	ssub.s32 s26, s25  }
0xcf: {  	s30 =	sshra.s32 s28, $0x9  }
0xd0: {  	p1 =	slt.s32 s30, $0x1  }
.Ltmp11:
0xd1: {  	_ = 	snop;
	(pc) =	sbr.rel @p1 .LBB2_13-.Ltmp11, $2  }
0xd2: {  	_ =	sdelay $0x2  }
0xd3: {  	s29 =	sshra.s32 s28, $0x8  }
0xd4: {  	v2 =	vimm.f32 $-Inf  }
0xd5: {  	v1 =	vimm.s32 $0x7FFFFFFF;
	v6 =	vimm.s32 $0x7FFFFFFF;
	v8 =	vimm.s32 $0x7FFFFFFF  }
0xd6: {  	v9 =	vimm.s32 $0x7FFFFFFF;
	v7 =	vimm.s32 $0x7FFFFFFF;
	v3 =	vimm.s32 $0x7FFFFFFF  }
0xd7: {  	v5 =	vimm.s32 $0x7FFFFFFF;
	v14 =	vimm.s32 $0x7FFFFFFF;
	v10 =	vimm.f32 $-Inf  }
0xd8: {  	s31 =	sshll.u32 s25, $0x7;
	v11 =	vimm.f32 $-Inf;
	v13 =	vimm.f32 $-Inf;
	v12 =	vimm.f32 $-Inf  }
0xd9: {  	s0 =	simm.s32 $0x0;
	s3 =	simm.s32 $0x100;
	v15 =	vimm.f32 $-Inf;
	v4 =	vimm.f32 $-Inf;
	v16 =	vimm.f32 $-Inf;
	s2 =	simm.s32 $0x0  }
.LBB2_15:
0xda: {  	s7 =	sshllo.u32 s2, $0x1  }
0xdb: {  	p1 =	sge.s32 s7, s29  }
0xdc: {  	s7 =	sshll.u32 @!p1 s7, $0xF  }
0xdd: {  	s7 =	sadd.s32 @!p1 s31, s7  }
0xde: {  	s7 =	sshrl.u32 @!p1 s7, $0x3  }
0xdf: {  	s10 =	simm.s32 @!p1 $0x0;
	s13 =	simm.s32 @!p1 $0x8000;
	s7 =	sadd.s32 @!p1 s1, s7  }
0xe0: {  	[tilespmem:s13], [sflag:$0x2] =	stream.linear.gather @!p1 [hbm4b:s7+s10], $0x8000, $0x38;
	[tilespmem:$0x1C630] =	vst v63  }
0xe1: {  	_ =	swait.ge [sflag:s16], $0x8000  }
0xe2: {  	[sflag:s16] =	ssyncset.done $0x0  }
0xe3: {  	s14 =	simm.s32 $0x40;
	[sflag:s16] =	ssyncadd.s32 $0xFFFF8000  }
0xe4: {  	v19 =	vld [tilespmem:s14+$0xFFFFFFC0]  }
0xe5: {  	v20 =	vld [tilespmem:s14+$0xFFFFFFD0]  }
0xe6: {  	v21 =	vld [tilespmem:s14+$0xFFFFFFE0]  }
0xe7: {  	v22 =	vld [tilespmem:s14+$0xFFFFFFF0]  }
0xe8: {  	v25 =	vld [tilespmem:s14+$0x0]  }
0xe9: {  	v26 =	vld [tilespmem:s14+$0x10]  }
0xea: {  	v27 =	vld [tilespmem:s14+$0x20];
	_ =	sdelay $0x1  }
0xeb: {  	s15 =	simm.s32 $0xC0;
	v28 =	vld [tilespmem:s14+$0x30]  }
0xec: {  	v23 =	vld [tilespmem:s15+$0xFFFFFFC0];
	vm0 =	vgt.f32 v19, v16;
	vm1 =	vgt.f32 v20, v4  }
0xed: {  	s14 =	sadd.s32 $0x0, s0;
	v17 =	vld [tilespmem:s15+$0xFFFFFFD0];
	vm2 =	vgt.f32 v21, v15;
	vm3 =	vgt.f32 v22, v12;
	vm4 =	vgt.f32 v25, v13  }
0xee: {  	v24 =	vld [tilespmem:s15+$0xFFFFFFE0];
	vm5 =	vgt.f32 v26, v11;
	vm6 =	vgt.f32 v27, v10;
	v18 =	vsel vm0, s14, v14  }
0xef: {  	v14 =	vsel vm0, v19, v16;
	v16 =	vsel vm1, v20, v4;
	v4 =	vld [tilespmem:s15+$0xFFFFFFF0];
	v15 =	vsel vm2, v21, v15  }
0xf0: {  	v12 =	vsel vm3, v22, v12;
	v13 =	vsel vm4, v25, v13;
	v20 =	vld [tilespmem:s15+$0x0];
	vm0 =	vgt.f32 v28, v2  }
0xf1: {  	v19 =	vld [tilespmem:s15+$0x10];
	v11 =	vsel vm5, v26, v11;
	v10 =	vsel vm6, v27, v10;
	v5 =	vsel vm1, s14, v5  }
0xf2: {  	s10 =	sshll.u32 s2, $0x1;
	v21 =	vld [tilespmem:s15+$0x20];
	v3 =	vsel vm2, s14, v3;
	v7 =	vsel vm3, s14, v7;
	v9 =	vsel vm4, s14, v9  }
0xf3: {  	s13 =	simm.s32 $0x1;
	s7 =	simm.s32 $0x140;
	v22 =	vld [tilespmem:s15+$0x30];
	s15 =	simm.s32 $0x2;
	v8 =	vsel vm5, s14, v8;
	v6 =	vsel vm6, s14, v6;
	v2 =	vsel vm0, v28, v2  }
.LBB2_16:
0xf4: {  	v25 =	vld [tilespmem:s7+$0xFFFFFFC0];
	p1 =	sne.s32 s15, $0xFF;
	vm1 =	vgt.f32 v23, v14;
	vm2 =	vgt.f32 v17, v16;
	v1 =	vsel vm0, s14, v1;
	s14 =	sadd.s32 s13, s0;
	s13 =	smov.u32 s15  }
0xf5: {  	v18 =	vsel vm1, s14, v18;
	v14 =	vsel vm1, v23, v14;
	v16 =	vsel vm2, v17, v16;
	v17 =	vld [tilespmem:s7+$0xFFFFFFD0]  }
0xf6: {  	vm3 =	vgt.f32 v4, v12;
	vm1 =	vgt.f32 v24, v15;
	vm4 =	vgt.f32 v20, v13;
	v26 =	vld [tilespmem:s7+$0xFFFFFFE0]  }
.Ltmp12:
0xf7: {  	v12 =	vsel vm3, v4, v12;
	v15 =	vsel vm1, v24, v15;
	v13 =	vsel vm4, v20, v13;
	v4 =	vld [tilespmem:s7+$0xFFFFFFF0];
	(pc) =	sbr.rel @p1 .LBB2_16-.Ltmp12, $4  }
0xf8: {  	vm5 =	vgt.f32 v19, v11;
	vm6 =	vgt.f32 v21, v10;
	v20 =	vld [tilespmem:s7+$0x0];
	vm0 =	vgt.f32 v22, v2  }
0xf9: {  	v11 =	vsel vm5, v19, v11;
	v10 =	vsel vm6, v21, v10;
	v19 =	vld [tilespmem:s7+$0x10];
	v2 =	vsel vm0, v22, v2;
	v23 =	vmovc v25  }
0xfa: {  	v5 =	vsel vm2, s14, v5;
	v7 =	vsel vm3, s14, v7;
	v3 =	vsel vm1, s14, v3;
	v21 =	vld [tilespmem:s7+$0x20]  }
0xfb: {  	s15 =	sadd.s32 $0x1, s15;
	v9 =	vsel vm4, s14, v9;
	v8 =	vsel vm5, s14, v8;
	v6 =	vsel vm6, s14, v6;
	v22 =	vld [tilespmem:s7+$0x30];
	s7 =	sadd.s32 $0x80, s7;
	v24 =	vmovc v26  }
0xfc: {  	s7 =	sadd.s32 $0x2, s10  }
0xfd: {  	p1 =	sge.s32 s7, s29  }
0xfe: {  	s7 =	sshll.u32 @!p1 s7, $0xF  }
0xff: {  	s7 =	sadd.s32 @!p1 s31, s7  }
0x100: {  	s7 =	sshrl.u32 @!p1 s7, $0x3  }
0x101: {  	s10 =	simm.s32 @!p1 $0x0;
	s7 =	sadd.s32 @!p1 s1, s7  }
0x102: {  	[tilespmem:s10], [sflag:$0x1] =	stream.linear.gather @!p1 [hbm4b:s7+s10], $0x8000, $0x38;
	[tilespmem:$0x1C630] =	vst v63  }
0x103: {  	_ =	swait.ge [sflag:s17], $0x8000  }
0x104: {  	[sflag:s17] =	ssyncset.done $0x0  }
0x105: {  	s10 =	simm.s32 $0x8040;
	[sflag:s17] =	ssyncadd.s32 $0xFFFF8000  }
0x106: {  	vm2 =	vgt.f32 v17, v16;
	v25 =	vld [tilespmem:s10+$0xFFFFFFC0]  }
0x107: {  	vm1 =	vgt.f32 v23, v14;
	v16 =	vsel vm2, v17, v16;
	v17 =	vld [tilespmem:s10+$0xFFFFFFD0]  }
0x108: {  	s13 =	sadd.s32 s13, s0;
	v1 =	vsel vm0, s14, v1;
	v14 =	vsel vm1, v23, v14;
	vm3 =	vgt.f32 v20, v13;
	v23 =	vld [tilespmem:s10+$0xFFFFFFE0]  }
0x109: {  	vm0 =	vgt.f32 v24, v15;
	v18 =	vsel vm1, s13, v18;
	v13 =	vsel vm3, v20, v13;
	v20 =	vld [tilespmem:s10+$0xFFFFFFF0]  }
0x10a: {  	vm4 =	vgt.f32 v19, v11;
	vm5 =	vgt.f32 v21, v10;
	vm6 =	vgt.f32 v22, v2;
	v27 =	vld [tilespmem:s10+$0x0]  }
0x10b: {  	v11 =	vsel vm4, v19, v11;
	v19 =	vsel vm5, v21, v10;
	v21 =	vsel vm6, v22, v2;
	v22 =	vld [tilespmem:s10+$0x10]  }
0x10c: {  	vm1 =	vgt.f32 v4, v12;
	v24 =	vsel vm0, v24, v15;
	v28 =	vsel vm2, s13, v5;
	v31 =	vld [tilespmem:s10+$0x20]  }
0x10d: {  	v29 =	vsel vm0, s13, v3;
	v26 =	vsel vm1, v4, v12;
	v30 =	vsel vm1, s13, v7  }
0x10e: {  	s15 =	simm.s32 $0x80C0;
	v32 =	vsel vm3, s13, v9;
	v33 =	vsel vm4, s13, v8;
	v34 =	vsel vm5, s13, v6;
	v35 =	vld [tilespmem:s10+$0x30]  }
0x10f: {  	v1 =	vsel vm6, s13, v1;
	v12 =	vld [tilespmem:s15+$0xFFFFFFC0];
	vm0 =	vgt.f32 v25, v14;
	vm1 =	vgt.f32 v17, v16  }
0x110: {  	s13 =	sadd.s32 $0x0, s3;
	v2 =	vld [tilespmem:s15+$0xFFFFFFD0];
	vm2 =	vgt.f32 v23, v24;
	vm3 =	vgt.f32 v20, v26;
	vm13 =	vgt.f32 v27, v13  }
0x111: {  	v15 =	vld [tilespmem:s15+$0xFFFFFFE0];
	vm14 =	vgt.f32 v22, v11;
	vm15 =	vgt.f32 v31, v19;
	v5 =	vsel vm0, s13, v18  }
0x112: {  	v6 =	vld [tilespmem:s15+$0xFFFFFFF0];
	v3 =	vsel vm0, v25, v14;
	v4 =	vsel vm1, v17, v16;
	v7 =	vsel vm2, v23, v24  }
0x113: {  	v10 =	vld [tilespmem:s15+$0x10];
	v8 =	vsel vm3, v20, v26;
	v9 =	vsel vm13, v27, v13;
	vm0 =	vgt.f32 v35, v21  }
0x114: {  	v13 =	vld [tilespmem:s15+$0x0];
	v11 =	vsel vm14, v22, v11;
	v17 =	vsel vm15, v31, v19;
	v19 =	vsel vm2, s13, v29  }
0x115: {  	v25 =	vld [tilespmem:s15+$0x20];
	v20 =	vsel vm3, s13, v30;
	v24 =	vsel vm13, s13, v32;
	v22 =	vsel vm14, s13, v33  }
0x116: {  	s14 =	simm.s32 $0x2;
	s7 =	simm.s32 $0x1;
	s10 =	simm.s32 $0x8140;
	v26 =	vld [tilespmem:s15+$0x30];
	v23 =	vsel vm15, s13, v34;
	v18 =	vsel vm0, v35, v21;
	v21 =	vsel vm1, s13, v28  }
.LBB2_18:
0x117: {  	v14 =	vld [tilespmem:s10+$0xFFFFFFC0];
	p1 =	sne.s32 s14, $0xFF;
	vm1 =	vgt.f32 v12, v3;
	vm2 =	vgt.f32 v2, v4;
	v1 =	vsel vm0, s13, v1;
	s13 =	sadd.s32 s7, s3;
	s7 =	smov.u32 s14  }
0x118: {  	v5 =	vsel vm1, s13, v5;
	v3 =	vsel vm1, v12, v3;
	v4 =	vsel vm2, v2, v4;
	v2 =	vld [tilespmem:s10+$0xFFFFFFD0]  }
0x119: {  	vm3 =	vgt.f32 v6, v8;
	vm1 =	vgt.f32 v15, v7;
	vm4 =	vgt.f32 v13, v9;
	v16 =	vld [tilespmem:s10+$0xFFFFFFE0]  }
.Ltmp13:
0x11a: {  	v8 =	vsel vm3, v6, v8;
	v7 =	vsel vm1, v15, v7;
	v9 =	vsel vm4, v13, v9;
	v6 =	vld [tilespmem:s10+$0xFFFFFFF0];
	(pc) =	sbr.rel @p1 .LBB2_18-.Ltmp13, $4  }
0x11b: {  	vm5 =	vgt.f32 v10, v11;
	vm6 =	vgt.f32 v25, v17;
	v13 =	vld [tilespmem:s10+$0x0];
	vm0 =	vgt.f32 v26, v18  }
0x11c: {  	v11 =	vsel vm5, v10, v11;
	v17 =	vsel vm6, v25, v17;
	v10 =	vld [tilespmem:s10+$0x10];
	v18 =	vsel vm0, v26, v18;
	v12 =	vmovc v14  }
0x11d: {  	v21 =	vsel vm2, s13, v21;
	v20 =	vsel vm3, s13, v20;
	v19 =	vsel vm1, s13, v19;
	v25 =	vld [tilespmem:s10+$0x20]  }
0x11e: {  	s14 =	sadd.s32 $0x1, s14;
	v24 =	vsel vm4, s13, v24;
	v22 =	vsel vm5, s13, v22;
	v23 =	vsel vm6, s13, v23;
	v26 =	vld [tilespmem:s10+$0x30];
	s10 =	sadd.s32 $0x80, s10;
	v15 =	vmovc v16  }
0x11f: {  	vm1 =	vgt.f32 v12, v3  }
0x120: {  	s7 =	sadd.s32 s7, s3;
	vm2 =	vgt.f32 v2, v4;
	v1 =	vsel vm0, s13, v1;
	vm14 =	vgt.f32 v15, v7  }
0x121: {  	vm15 =	vgt.f32 v6, v8;
	s2 =	sadd.s32 $0x1, s2;
	v14 =	vsel vm1, s7, v5;
	v16 =	vsel vm1, v12, v3  }
0x122: {  	v4 =	vsel vm2, v2, v4;
	vm3 =	vgt.f32 v13, v9;
	v15 =	vsel vm14, v15, v7;
	p1 =	sne.s32 s2, s30  }
.Ltmp14:
0x123: {  	v12 =	vsel vm15, v6, v8;
	v5 =	vsel vm2, s7, v21;
	v3 =	vsel vm14, s7, v19;
	(pc) =	sbr.rel @p1 .LBB2_15-.Ltmp14, $4  }
.Ltmp15:
0x124: {  	v7 =	vsel vm15, s7, v20;
	v13 =	vsel vm3, v13, v9;
	vm4 =	vgt.f32 v10, v11;
	(pc) =	sbr.rel @!p1 .LBB2_20-.Ltmp15, $4  }
0x125: {  	v9 =	vsel vm3, s7, v24;
	vm5 =	vgt.f32 v25, v17;
	v11 =	vsel vm4, v10, v11  }
0x126: {  	v8 =	vsel vm4, s7, v22;
	vm6 =	vgt.f32 v26, v18;
	v10 =	vsel vm5, v25, v17  }
0x127: {  	s0 =	sadd.s32 $0x200, s0;
	s3 =	sadd.s32 $0x200, s3;
	v6 =	vsel vm5, s7, v23;
	v2 =	vsel vm6, v26, v18;
	v1 =	vsel vm6, s7, v1  }
0x128: {  	_ = 	snop  }
.LBB2_13:
0x129: {  	v14 =	vimm.s32 $0x7FFFFFFF  }
0x12a: {  	v16 =	vimm.f32 $-Inf;
	v4 =	vimm.f32 $-Inf;
	v15 =	vimm.f32 $-Inf  }
0x12b: {  	v12 =	vimm.f32 $-Inf;
	v13 =	vimm.f32 $-Inf;
	v11 =	vimm.f32 $-Inf  }
0x12c: {  	v10 =	vimm.f32 $-Inf;
	v2 =	vimm.f32 $-Inf;
	v5 =	vimm.s32 $0x7FFFFFFF  }
0x12d: {  	v3 =	vimm.s32 $0x7FFFFFFF;
	v7 =	vimm.s32 $0x7FFFFFFF;
	v9 =	vimm.s32 $0x7FFFFFFF  }
0x12e: {  	v8 =	vimm.s32 $0x7FFFFFFF;
	v6 =	vimm.s32 $0x7FFFFFFF;
	v1 =	vimm.s32 $0x7FFFFFFF  }
.LBB2_20:
0x12f: {  	s0 =	sand.u32 $0x1, s29  }
0x130: {  	p1 =	seq.s32 s0, $0x0  }
.Ltmp16:
0x131: {  	_ = 	snop;
	(pc) =	sbr.rel @p1 .LBB2_24-.Ltmp16, $2  }
0x132: {  	_ =	sdelay $0x2  }
0x133: {  	s0 =	sand.u32 $0xFFFFFF00, s28  }
0x134: {  	_ =	swait.ge [sflag:s16], $0x8000  }
0x135: {  	[sflag:s16] =	ssyncset.done $0x0  }
0x136: {  	s2 =	simm.s32 $0x40;
	[sflag:s16] =	ssyncadd.s32 $0xFFFF8000  }
0x137: {  	v18 =	vld [tilespmem:s2+$0xFFFFFFE0]  }
0x138: {  	v17 =	vld [tilespmem:s2+$0x30]  }
0x139: {  	v20 =	vld [tilespmem:s2+$0x10]  }
0x13a: {  	v24 =	vld [tilespmem:s2+$0xFFFFFFC0]  }
0x13b: {  	v19 =	vld [tilespmem:s2+$0x20]  }
0x13c: {  	v21 =	vld [tilespmem:s2+$0x0];
	_ =	sdelay $0x1  }
0x13d: {  	v25 =	vld [tilespmem:s2+$0xFFFFFFF0];
	vm0 =	vgt.f32 v18, v15  }
0x13e: {  	s10 =	sadd.s32 $0xFFFFFF00, s0;
	s7 =	simm.s32 $0xC0;
	v23 =	vld [tilespmem:s2+$0xFFFFFFD0];
	vm1 =	vgt.f32 v17, v2;
	vm2 =	vgt.f32 v20, v11;
	vm3 =	vgt.f32 v24, v16  }
0x13f: {  	v26 =	vld [tilespmem:s7+$0x30];
	v3 =	vsel vm0, s10, v3;
	v1 =	vsel vm1, s10, v1;
	v2 =	vsel vm1, v17, v2  }
0x140: {  	v17 =	vld [tilespmem:s7+$0xFFFFFFE0];
	v15 =	vsel vm0, v18, v15;
	vm0 =	vgt.f32 v19, v10;
	vm1 =	vgt.f32 v21, v13  }
0x141: {  	v22 =	vld [tilespmem:s7+$0x0];
	v11 =	vsel vm2, v20, v11;
	v8 =	vsel vm2, s10, v8;
	v14 =	vsel vm3, s10, v14  }
0x142: {  	v18 =	vld [tilespmem:s7+$0x20];
	vm2 =	vgt.f32 v25, v12;
	v16 =	vsel vm3, v24, v16;
	v10 =	vsel vm0, v19, v10  }
0x143: {  	v9 =	vsel vm1, s10, v9;
	v13 =	vsel vm1, v21, v13;
	v19 =	vld [tilespmem:s7+$0x10];
	v6 =	vsel vm0, s10, v6  }
0x144: {  	s2 =	sadd.s32 $0xFFFFFF01, s0;
	v20 =	vld [tilespmem:s7+$0xFFFFFFC0];
	vm0 =	vgt.f32 v23, v4;
	v12 =	vsel vm2, v25, v12;
	vm3 =	vgt.f32 v26, v2  }
0x145: {  	v24 =	vld [tilespmem:s7+$0xFFFFFFD0];
	v7 =	vsel vm2, s10, v7;
	v1 =	vsel vm3, s2, v1;
	vm1 =	vgt.f32 v17, v15  }
0x146: {  	s3 =	simm.s32 $0xFFFFFF02;
	v21 =	vld [tilespmem:s7+$0xFFFFFFF0];
	s7 =	simm.s32 $0x140;
	v2 =	vsel vm3, v26, v2;
	v5 =	vsel vm0, s10, v5;
	v3 =	vsel vm1, s2, v3  }
.LBB2_22:
0x147: {  	v15 =	vsel vm1, v17, v15;
	v17 =	vld [tilespmem:s7+$0xFFFFFFE0];
	vm1 =	vgt.f32 v18, v10;
	v4 =	vsel vm0, v23, v4;
	s10 =	smov.u32 s3;
	s3 =	sadd.s32 $0x1, s3  }
0x148: {  	vm2 =	vgt.f32 v19, v11;
	v25 =	vld [tilespmem:s7+$0x30];
	p1 =	seq.s32 s3, $0x0;
	vm0 =	vgt.f32 v22, v13;
	v10 =	vsel vm1, v18, v10  }
0x149: {  	v11 =	vsel vm2, v19, v11;
	v18 =	vld [tilespmem:s7+$0x20];
	v9 =	vsel vm0, s2, v9;
	v13 =	vsel vm0, v22, v13  }
.Ltmp17:
0x14a: {  	v8 =	vsel vm2, s2, v8;
	v6 =	vsel vm1, s2, v6;
	vm3 =	vgt.f32 v20, v16;
	v19 =	vld [tilespmem:s7+$0x10];
	(pc) =	sbr.rel @!p1 .LBB2_22-.Ltmp17, $4  }
0x14b: {  	v14 =	vsel vm3, s2, v14;
	vm2 =	vgt.f32 v21, v12;
	v22 =	vld [tilespmem:s7+$0x0];
	vm0 =	vgt.f32 v24, v4;
	v23 =	vmovc v24  }
0x14c: {  	s10 =	sadd.s32 s10, s0;
	v16 =	vsel vm3, v20, v16;
	v12 =	vsel vm2, v21, v12;
	vm1 =	vgt.f32 v17, v15;
	v20 =	vld [tilespmem:s7+$0xFFFFFFC0]  }
0x14d: {  	v7 =	vsel vm2, s2, v7;
	v3 =	vsel vm1, s10, v3;
	v21 =	vld [tilespmem:s7+$0xFFFFFFF0];
	vm3 =	vgt.f32 v25, v2  }
0x14e: {  	v5 =	vsel vm0, s2, v5;
	s2 =	smov.u32 s10;
	v24 =	vld [tilespmem:s7+$0xFFFFFFD0];
	v1 =	vsel vm3, s10, v1;
	v2 =	vsel vm3, v25, v2;
	s7 =	sadd.s32 $0x80, s7  }
0x14f: {  	v15 =	vsel vm1, v17, v15;
	vm11 =	vgt.f32 v18, v10  }
0x150: {  	v4 =	vsel vm0, v23, v4;
	vm2 =	vgt.f32 v19, v11;
	vm12 =	vgt.f32 v22, v13  }
0x151: {  	v10 =	vsel vm11, v18, v10;
	v11 =	vsel vm2, v19, v11;
	v8 =	vsel vm2, s2, v8  }
0x152: {  	v6 =	vsel vm11, s2, v6;
	v9 =	vsel vm12, s2, v9;
	vm13 =	vgt.f32 v20, v16  }
0x153: {  	v13 =	vsel vm12, v22, v13;
	v14 =	vsel vm13, s2, v14;
	vm14 =	vgt.f32 v21, v12  }
0x154: {  	v16 =	vsel vm13, v20, v16;
	vm15 =	vgt.f32 v24, v4;
	v12 =	vsel vm14, v21, v12  }
0x155: {  	v7 =	vsel vm14, s2, v7;
	v5 =	vsel vm15, s2, v5;
	v4 =	vsel vm15, v24, v4  }
.LBB2_24:
0x156: {  	s0 =	sadd.s32 s25, s0  }
0x157: {  	s2 =	ssub.s32 s26, s0  }
0x158: {  	s2 =	sadd.s32 $0xF, s2  }
0x159: {  	s2 =	sshra.s32 s2, $0x4  }
0x15a: {  	p1 =	sgt.s32 s2, $0x0  }
.Ltmp18:
0x15b: {  	_ = 	snop;
	(pc) =	sbr.rel @!p1 .LBB2_28-.Ltmp18, $2  }
0x15c: {  	_ =	sdelay $0x2  }
0x15d: {  	s3 =	simm.s32 $0x0  }
.LBB2_25:
0x15e: {  	s29 =	sshll.u32 s3, $0x4  }
0x15f: {  	s7 =	sadd.s32 s0, s29  }
0x160: {  	p1 =	sgt.s32 s7, $0x0  }
0x161: {  	s7 =	simm.s32 @!p1 $0x0  }
0x162: {  	s7 =	smin.u32 s7, $0x1FEF0  }
0x163: {  	s10 =	ssub.s32 s26, s7  }
0x164: {  	s14 =	ssub.s32 s25, s7;
	p1 =	slt.s32 s10, $0x10  }
0x165: {  	s15 =	simm.s32 $0x0;
	s10 =	simm.s32 @!p1 $0x10;
	p1 =	sgt.s32 s14, $0x0  }
0x166: {  	s13 =	sadd.s32 $0xFFFFFFFF, s10;
	s15 =	smov.u32 @p1 s14  }
0x167: {  	p1 =	slt.s32 s13, s15  }
0x168: {  	s15 =	smov.u32 @p1 s13  }
0x169: {  	_ =	swait.ge [sflag:s18], $0x800;
	s9 =	sadd.s32 s29, s15  }
0x16a: {  	[sflag:s18] =	ssyncset.done $0x0;
	s10 =	sshll.u32 s9, $0x9  }
0x16b: {  	[sflag:s18] =	ssyncadd.s32 $0xFFFFF800;
	s28 =	sshra.s32 s10, $0x2  }
0x16c: {  	v24 =	vld [tilespmem:s28+$0x10000]  }
0x16d: {  	p1 =	sgt.s32 s14, $0x1;
	s9 =	simm.s32 $0x1;
	v20 =	vld [tilespmem:s28+$0x10010]  }
0x16e: {  	s9 =	smov.u32 @p1 s14;
	v25 =	vld [tilespmem:s28+$0x10020]  }
0x16f: {  	p1 =	slt.s32 s13, s9;
	v18 =	vld [tilespmem:s28+$0x10030]  }
0x170: {  	v21 =	vld [tilespmem:s28+$0x10040];
	s9 =	smov.u32 @p1 s13  }
0x171: {  	v17 =	vld [tilespmem:s28+$0x10050];
	s10 =	sadd.s32 s29, s9  }
0x172: {  	v19 =	vld [tilespmem:s28+$0x10060];
	s30 =	sshll.u32 s10, $0x9  }
0x173: {  	v23 =	vld [tilespmem:s28+$0x10070];
	s10 =	ssub.s32 s7, s25;
	s31 =	sshra.s32 s30, $0x2  }
0x174: {  	s7 =	simm.s32 $0x2;
	s30 =	sadd.s32 s15, s10;
	s28 =	sadd.s32 s9, s10;
	v22 =	vld [tilespmem:s31+$0x10000];
	vm1 =	vgt.f32 v24, v16;
	vm0 =	vgt.f32 v20, v4  }
.LBB2_26:
0x175: {  	p2 =	sgt.s32 s14, s7;
	p1 =	sne.s32 s7, $0xF;
	v14 =	vsel vm1, s30, v14;
	v16 =	vsel vm1, v24, v16;
	v4 =	vsel vm0, v20, v4;
	v20 =	vld [tilespmem:s31+$0x10010];
	s9 =	smov.u32 s7  }
0x176: {  	vm1 =	vgt.f32 v25, v15;
	vm2 =	vgt.f32 v18, v12;
	vm3 =	vgt.f32 v21, v13;
	s9 =	smov.u32 @p2 s14;
	v26 =	vld [tilespmem:s31+$0x10020]  }
0x177: {  	v15 =	vsel vm1, v25, v15;
	v12 =	vsel vm2, v18, v12;
	v13 =	vsel vm3, v21, v13;
	p2 =	slt.s32 s13, s9;
	v18 =	vld [tilespmem:s31+$0x10030]  }
.Ltmp19:
0x178: {  	vm4 =	vgt.f32 v17, v11;
	vm5 =	vgt.f32 v19, v10;
	s9 =	smov.u32 @p2 s13;
	v21 =	vld [tilespmem:s31+$0x10040];
	vm6 =	vgt.f32 v23, v2;
	(pc) =	sbr.rel @p1 .LBB2_26-.Ltmp19, $4  }
0x179: {  	v11 =	vsel vm4, v17, v11;
	v10 =	vsel vm5, v19, v10;
	s15 =	sadd.s32 s9, s10;
	s9 =	sadd.s32 s29, s9;
	v17 =	vld [tilespmem:s31+$0x10050];
	v2 =	vsel vm6, v23, v2;
	v24 =	vmovc v22  }
0x17a: {  	v5 =	vsel vm0, s30, v5;
	v3 =	vsel vm1, s30, v3;
	v7 =	vsel vm2, s30, v7;
	s9 =	sshll.u32 s9, $0x9;
	v19 =	vld [tilespmem:s31+$0x10060]  }
0x17b: {  	v9 =	vsel vm3, s30, v9;
	v8 =	vsel vm4, s30, v8;
	v6 =	vsel vm5, s30, v6;
	v23 =	vld [tilespmem:s31+$0x10070];
	s31 =	sshra.s32 s9, $0x2;
	v25 =	vmovc v26  }
0x17c: {  	s7 =	sadd.s32 $0x1, s7;
	v1 =	vsel vm6, s30, v1;
	s30 =	smov.u32 s28;
	vm1 =	vgt.f32 v24, v16;
	vm0 =	vgt.f32 v20, v4;
	s28 =	smov.u32 s15;
	v22 =	vld [tilespmem:s31+$0x10000]  }
0x17d: {  	v14 =	vsel vm1, s30, v14  }
0x17e: {  	v26 =	vld [tilespmem:s31+$0x10010];
	v16 =	vsel vm1, v24, v16;
	v4 =	vsel vm0, v20, v4;
	vm15 =	vgt.f32 v25, v15  }
0x17f: {  	v61 =	vld [tilespmem:s31+$0x10020];
	vm2 =	vgt.f32 v18, v12;
	vm3 =	vgt.f32 v21, v13;
	v5 =	vsel vm0, s30, v5  }
0x180: {  	v62 =	vld [tilespmem:s31+$0x10030];
	v15 =	vsel vm15, v25, v15;
	v12 =	vsel vm2, v18, v12;
	v13 =	vsel vm3, v21, v13  }
0x181: {  	v63 =	vld [tilespmem:s31+$0x10070];
	vm4 =	vgt.f32 v17, v11;
	v3 =	vsel vm15, s30, v3;
	v7 =	vsel vm2, s30, v7  }
0x182: {  	v18 =	vld [tilespmem:s31+$0x10040];
	v9 =	vsel vm3, s30, v9;
	vm5 =	vgt.f32 v19, v10;
	v11 =	vsel vm4, v17, v11  }
0x183: {  	v8 =	vsel vm4, s30, v8;
	vm6 =	vgt.f32 v23, v2;
	v10 =	vsel vm5, v19, v10  }
0x184: {  	v6 =	vsel vm5, s30, v6;
	v2 =	vsel vm6, v23, v2;
	vm8 =	vgt.f32 v22, v16  }
0x185: {  	v17 =	vld [tilespmem:s31+$0x10050];
	v1 =	vsel vm6, s30, v1;
	vm9 =	vgt.f32 v26, v4;
	v14 =	vsel vm8, s28, v14  }
0x186: {  	s3 =	sadd.s32 $0x1, s3;
	v19 =	vld [tilespmem:s31+$0x10060];
	v16 =	vsel vm8, v22, v16;
	vm10 =	vgt.f32 v61, v15;
	vm11 =	vgt.f32 v62, v12  }
0x187: {  	p1 =	sne.s32 s3, s2;
	vm15 =	vgt.f32 v63, v2;
	v4 =	vsel vm9, v26, v4;
	vm12 =	vgt.f32 v18, v13  }
.Ltmp20:
0x188: {  	v15 =	vsel vm10, v61, v15;
	v12 =	vsel vm11, v62, v12;
	v2 =	vsel vm15, v63, v2;
	(pc) =	sbr.rel @p1 .LBB2_25-.Ltmp20, $4  }
0x189: {  	v5 =	vsel vm9, s28, v5;
	v3 =	vsel vm10, s28, v3;
	v7 =	vsel vm11, s28, v7  }
0x18a: {  	v1 =	vsel vm15, s28, v1;
	v13 =	vsel vm12, v18, v13;
	vm13 =	vgt.f32 v17, v11  }
0x18b: {  	v9 =	vsel vm12, s28, v9;
	vm14 =	vgt.f32 v19, v10;
	v11 =	vsel vm13, v17, v11  }
0x18c: {  	v8 =	vsel vm13, s28, v8;
	v10 =	vsel vm14, v19, v10;
	v6 =	vsel vm14, s28, v6  }
.LBB2_28:
0x18d: {  	s0 =	sadd.s32 $0x1, s24  }
0x18e: {  	p1 =	sge.u32 s0, s22  }
0x18f: {  	v17 =	vld @!p1 [tilespmem:s0+$0x18200];
	_ =	sdelay $0x4  }
0x190: {  	(v2sf) =	vpush @!p1 v17, $0x0  }
0x191: {  	(v2sf) =	vpush @!p1 v17, $0x1;
	_ =	sdelay $0xd  }
0x192: {  	s2 =	spop @!p1 (v2sf)  }
0x193: {  	s3 =	spop @!p1 (v2sf)  }
0x194: {  	s7 =	ssub.s32 @!p1 s3, s2  }
0x195: {  	p2 =	slt.s32 @!p1 s7, $0x100  }
0x196: {  	p2 =	por p2, p1  }
0x197: {  	s9 =	sshll.u32 @!p2 s2, $0x4  }
0x198: {  	s9 =	sand.u32 @!p2 $0x1FFFFFF0, s9  }
0x199: {  	s7 =	sand.u32 @!p1 $0xFFFFFF00, s7;
	s10 =	simm.s32 @!p2 $0x0;
	s9 =	sadd.s32 @!p2 s1, s9  }
0x19a: {  	[tilespmem:s10], [sflag:$0x1] =	stream.linear.gather @!p2 [hbm4b:s9+s10], $0x8000, $0x38;
	[tilespmem:$0x1C630] =	vst v63  }
0x19b: {  	s10 =	sadd.s32 @!p1 s2, s7  }
0x19c: {  	s2 =	ssub.s32 @!p1 s3, s10  }
0x19d: {  	s2 =	sadd.s32 @!p1 $0xF, s2  }
0x19e: {  	s7 =	sshra.s32 @!p1 s2, $0x4  }
0x19f: {  	p2 =	slt.s32 @!p1 s7, $0x1  }
0x1a0: {  	p2 =	por p1, p2  }
.Ltmp21:
0x1a1: {  	_ = 	snop;
	(pc) =	sbr.rel @p2 .LBB2_31-.Ltmp21, $2  }
0x1a2: {  	_ =	sdelay $0x2  }
0x1a3: {  	s2 =	simm.s32 @!p1 $0x10000  }
0x1a4: {  	p1 =	sgt.s32 s10, $0x0  }
0x1a5: {  	s3 =	sadd.s32 $0x10, s10;
	s10 =	simm.s32 @!p1 $0x0;
	p1 =	sne.s32 s7, $0x1  }
.Ltmp22:
0x1a6: {  	_ = 	snop;
	(pc) =	sbr.rel @!p1 .LBB2_31-.Ltmp22, $4  }
0x1a7: {  	s9 =	smin.u32 s10, $0x1FEF0  }
0x1a8: {  	s9 =	sshll.u32 s9, $0x4  }
0x1a9: {  	s7 =	sadd.s32 $0xFFFFFFFF, s7;
	s9 =	sadd.s32 s1, s9  }
0x1aa: {  	[tilespmem:s2], [sflag:$0x3] =	stream.linear.gather [hbm4b:s9+s6], $0x800, $0x38;
	[tilespmem:$0x1C630] =	vst v63  }
.LBB2_30:
0x1ab: {  	p2 =	sgt.s32 s3, $0x0  }
0x1ac: {  	p1 =	sne.s32 s7, $0x1;
	s7 =	sadd.s32 $0xFFFFFFFF, s7;
	s9 =	smov.u32 s3  }
.Ltmp23:
0x1ad: {  	s9 =	simm.s32 @!p2 $0x0;
	(pc) =	sbr.rel @p1 .LBB2_30-.Ltmp23, $4  }
0x1ae: {  	s9 =	smin.u32 s9, $0x1FEF0  }
0x1af: {  	s9 =	sshll.u32 s9, $0x4  }
0x1b0: {  	s3 =	sadd.s32 $0x10, s3;
	s2 =	sadd.s32 $0x800, s2;
	s9 =	sadd.s32 s1, s9  }
0x1b1: {  	[tilespmem:s2], [sflag:$0x3] =	stream.linear.gather [hbm4b:s9+s6], $0x800, $0x38;
	[tilespmem:$0x1C630] =	vst v63  }
.Ltmp24:
0x1b2: {  	_ = 	snop;
	(pc) =	sbr.rel .LBB2_31-.Ltmp24, $1  }
0x1b3: {  	_ =	sdelay $0x3  }
.LBB2_32:
0x1b4: {  	s0 =	ssub.s32 s22, s23  }
0x1b5: {  	p1 =	sne.s32 s0, $0x1  }
.Ltmp25:
0x1b6: {  	_ =	swait.ge [sflag:s19], $0x80;
	(pc) =	sbr.rel @!p1 .LBB2_34-.Ltmp25, $4  }
0x1b7: {  	[sflag:s19] =	ssyncset.done $0x0  }
0x1b8: {  	[sflag:s19] =	ssyncadd.s32 $0xFFFFFF80  }
0x1b9: {  	_ =	swait.ge [sflag:s20], $0x80  }
0x1ba: {  	s24 =	simm.s32 $0x18000;
	s0 =	sadd.s32 $0xFFFFFFFF, s0;
	[sflag:s20] =	ssyncset.done $0x0  }
.LBB2_33:
0x1bb: {  	p1 =	sne.s32 s0, $0x1;
	s0 =	sadd.s32 $0xFFFFFFFF, s0;
	[sflag:s20] =	ssyncadd.s32 $0xFFFFFF80  }
.Ltmp26:
0x1bc: {  	_ =	swait.ge [sflag:s19], $0x80;
	(pc) =	sbr.rel @p1 .LBB2_33-.Ltmp26, $4  }
0x1bd: {  	[sflag:s19] =	ssyncset.done $0x0  }
0x1be: {  	[sflag:s19] =	ssyncadd.s32 $0xFFFFFF80  }
0x1bf: {  	_ =	swait.ge [sflag:s20], $0x80  }
0x1c0: {  	[sflag:s20] =	ssyncset.done $0x0  }
.Ltmp27:
0x1c1: {  	_ = 	snop;
	(pc) =	sbr.rel .LBB2_34-.Ltmp27, $1  }
0x1c2: {  	_ =	sdelay $0x3  }
.LBB2_36:
0x1c3: {  	_ =	sfence.sel $0x180000  }
0x1c4: {  	[bflag:$0x0] =	sbarrier.arrive $0xFFFF  }
0x1c5: {  	_ =	strace $0x90000047  }
0x1c6: {  	s0 =	stileid.u32;
	[bflag:$0x2] =	sbarrier.arrive $0xFFFF  }
0x1c7: {  	p0 =	sne.s32 s0, $0x0;
	s0 =	rddreg [dreg:$0x4]  }
0x1c8: {  	s0 =	sadd.s32 @!p0 $0x100000, s0  }
0x1c9: {  	[sflag:s0] =	ssyncadd.tile.s32 @!p0 $0x1;
	_ =	shalt  }
.Lfunc_end2:
_tile_overlayer_lowered:
.L_overlay_start_2:
0x1ca: {  	(tag) =	ssettag $0x2  }
0x1cb: {  	s0 =	rddreg [dreg:$0x0];
	s2 =	stileid.u32  }
0x1cc: {  	s1 =	rddreg [dreg:$0x1];
	p0 =	sne.s32 s2, $0x0  }
0x1cd: {  	s3 =	rddreg [dreg:$0x2];
	[bflag:$0x3] =	sbarrier.arrive $0xFFFF;
	s2 =	simm.s32 @!p0 $0x1C06  }
0x1ce: {  	[timem:s3], [sflag:s2] =	dma.local @!p0 [hbm:s0], s1  }
0x1cf: {  	s0 =	simm.s32 @!p0 $0x6  }
0x1d0: {  	_ =	swait.ge @!p0 [sflag:s0], s1  }
0x1d1: {  	s1 =	ssub.s32 @!p0 $0x0, s1;
	[sflag:s0] =	ssyncset.done @!p0 $0x0  }
0x1d2: {  	[sflag:s0] =	ssyncadd.s32 @!p0 s1  }
0x1d3: {  	[bflag:$0x3] =	sbarrier.arrive $0xFFFF  }
0x1d4: {  	_ =	shalt  }

</sc_bundles>
